<compile_context>
chip_gen: v7x
topology: tpu7x:2x2x1
jax: 0.10.2.dev20260603
libtpu: 0.0.44.dev20260713+nightly
codegen_flags: <defaults>
</compile_context>

<pallas_src>
import functools
import jax
import jax.numpy as jnp
from jax import lax
from jax.experimental import pallas as pl
from jax.experimental.pallas import tpu as pltpu
from jax.experimental.pallas import tpu_sc as plsc

_DIM = 128
_NW = 32
_CHUNK = 128
_NSLOTS = 4


def _sc_kernel(rows):
    rows_per_w = rows // _NW
    n_chunks = rows_per_w // _CHUNK
    assert n_chunks % _NSLOTS == 0
    cwords = _CHUNK * _DIM
    mesh = plsc.VectorSubcoreMesh(core_axis_name="c", subcore_axis_name="s")

    @functools.partial(
        pl.kernel, mesh=mesh,
        out_type=jax.ShapeDtypeStruct((rows * _DIM,), jnp.float32),
        scratch_types=(
            [pltpu.VMEM((cwords,), jnp.float32)] * _NSLOTS
            + [pltpu.SemaphoreType.DMA] * (2 * _NSLOTS)
        ),
        compiler_params=pltpu.CompilerParams(needs_layout_passes=False),
    )
    def k(x_hbm, out_hbm, *scratch):
        bufs = scratch[:_NSLOTS]
        in_sems = scratch[_NSLOTS:2 * _NSLOTS]
        out_sems = scratch[2 * _NSLOTS:]
        wid = lax.axis_index("s") * 2 + lax.axis_index("c")
        base_w = wid * rows_per_w * _DIM
        iota = lax.iota(jnp.int32, 16)
        two = jnp.full((16,), 2.0, jnp.float32)

        def hslice(ref, ci):
            return ref.at[pl.ds(base_w + ci * cwords, cwords)]

        diag = [(iota + kk) & 15 for kk in range(16)]
        s16 = jnp.full((16,), 16, jnp.int32)

        def compute(buf):
            def tile_body(t, carry):
                word0 = (iota + t * 16) * _DIM

                def argmax16(b0):
                    wb = word0 + b0
                    vs = [plsc.load_gather(buf, [wb + diag[kk]])
                          for kk in range(16)]
                    mx = vs
                    while len(mx) > 1:
                        mx = [jnp.maximum(mx[i], mx[i + 1])
                              for i in range(0, len(mx), 2)]
                    cand = [jnp.where(vs[kk] == mx[0], diag[kk], s16)
                            for kk in range(16)]
                    while len(cand) > 1:
                        cand = [jnp.minimum(cand[i], cand[i + 1])
                                for i in range(0, len(cand), 2)]
                    return cand[0]

                m0 = plsc.load_gather(buf, [word0])
                m1 = plsc.load_gather(buf, [word0 + 1])
                ok = (m0 >= 0.5) & (m1 >= 0.5)

                byte_a = argmax16(16) + (argmax16(32) << 4)
                byte_b = argmax16(48) + (argmax16(64) << 4)
                prod = (byte_a * byte_b) & 255
                plsc.addupdate_scatter(buf, [word0 + 80 + (prod & 15)],
                                       two, mask=ok)
                plsc.addupdate_scatter(buf, [word0 + 96 + (prod >> 4)],
                                       two, mask=ok)
                return carry

            lax.fori_loop(0, _CHUNK // 16, tile_body, 0)

        pltpu.async_copy(hslice(x_hbm, 0), bufs[0], in_sems[0])
        pltpu.async_copy(hslice(x_hbm, 1), bufs[1], in_sems[1])

        def round_body(kk, carry):
            for off in range(_NSLOTS):
                ci = kk * _NSLOTS + off
                s = off
                s2 = (off + 2) % _NSLOTS
                pltpu.make_async_copy(hslice(x_hbm, ci), bufs[s],
                                      in_sems[s]).wait()

                @pl.when(ci >= 2)
                def _():
                    pltpu.make_async_copy(bufs[s2], hslice(out_hbm, ci - 2),
                                          out_sems[s2]).wait()

                @pl.when(ci + 2 < n_chunks)
                def _():
                    pltpu.async_copy(hslice(x_hbm, ci + 2), bufs[s2],
                                     in_sems[s2])

                compute(bufs[s])
                pltpu.async_copy(bufs[s], hslice(out_hbm, ci), out_sems[s])
            return carry

        lax.fori_loop(0, n_chunks // _NSLOTS, round_body, 0)

        for ci in (n_chunks - 2, n_chunks - 1):
            s = ci % _NSLOTS
            pltpu.make_async_copy(bufs[s], hslice(out_hbm, ci),
                                  out_sems[s]).wait()

    return k


def kernel(x_bd):
    b, s, d = x_bd.shape
    rows = b * s
    x2 = x_bd.reshape(rows * d)
    out = _sc_kernel(rows)(x2)
    return out.reshape(b, s, d)

# --- scband reference (transcript-rebuilt; emitter-appended) ---
"""Pipeline reference for scband-efficient-byte-mul-7945689497962 (READ-ONLY COPY).

The authoritative reference and input builder live on the scoring server;
editing this copy changes nothing except your own understanding.
"""

import jax, jax.numpy as jnp
import numpy as np

# BD field layout (matches init_kwargs BD dict)
MARK_AX = 0
OP_MUL = 1
ALU_LO = 16
ALU_HI = 32
AX_CARRY_LO = 48
AX_CARRY_HI = 64
OUTPUT_LO = 80
OUTPUT_HI = 96
DIM = 128

B = 32
SEQ = 8192


def setup_inputs(seed: int = 0) -> dict:
    key = jax.random.key(seed)
    x_bd = jax.random.uniform(key, (B, SEQ, DIM), dtype=jnp.float32)
    return {"x_bd": x_bd}


def reference(x_bd):
    # Vectorized, faithful translation of the per-(b,pos) loop in forward():
    # positions are processed only when MARK_AX >= 0.5 AND OP_MUL >= 0.5
    mask = (x_bd[..., MARK_AX] >= 0.5) & (x_bd[..., OP_MUL] >= 0.5)  # [B, S]

    # bd_to_ge: decode operand bytes from one-hot nibble slots via argmax
    a_lo = jnp.argmax(x_bd[..., ALU_LO:ALU_LO + 16], axis=-1)
    a_hi = jnp.argmax(x_bd[..., ALU_HI:ALU_HI + 16], axis=-1)
    byte_a = a_lo + (a_hi << 4)
    b_lo = jnp.argmax(x_bd[..., AX_CARRY_LO:AX_CARRY_LO + 16], axis=-1)
    b_hi = jnp.argmax(x_bd[..., AX_CARRY_HI:AX_CARRY_HI + 16], axis=-1)
    byte_b = b_lo + (b_hi << 4)

    # mul_layers (frozen, eval): exact BYTE MUL (opcode 27), result truncated to 8 bits
    result = (byte_a * byte_b) & 255
    res_lo = result & 15
    res_hi = (result >> 4) & 15

    # ge_to_bd: scatter +2.0 into OUTPUT_LO/OUTPUT_HI one-hot slots, only where mask
    m = mask[..., None].astype(x_bd.dtype)
    add_lo = jax.nn.one_hot(res_lo, 16, dtype=x_bd.dtype) * 2.0 * m
    add_hi = jax.nn.one_hot(res_hi, 16, dtype=x_bd.dtype) * 2.0 * m

    out = x_bd  # x_bd.clone() semantics: functional update
    out = out.at[..., OUTPUT_LO:OUTPUT_LO + 16].add(add_lo)
    out = out.at[..., OUTPUT_HI:OUTPUT_HI + 16].add(add_hi)
    return out

if __name__ == "__main__":
    import jax
    _d = setup_inputs()
    print(jax.jit(kernel)(*tuple(_d.values())))

</pallas_src>

<mosaic_0001>
#map = affine_map<(d0, d1) -> (0)>
module attributes {stable_mosaic.version = 14 : i64} {
  func.func @k(%arg0: i32, %arg1: i32, %arg2: memref<33554432xf32, #tpu.memory_space<hbm>>, %arg3: memref<33554432xf32, #tpu.memory_space<hbm>>, %arg4: memref<16384xf32, #tpu.memory_space<vmem>>, %arg5: memref<16384xf32, #tpu.memory_space<vmem>>, %arg6: memref<16384xf32, #tpu.memory_space<vmem>>, %arg7: memref<16384xf32, #tpu.memory_space<vmem>>, %arg8: memref<!tpu.dma_semaphore, #tpu.memory_space<semaphore_mem>>, %arg9: memref<!tpu.dma_semaphore, #tpu.memory_space<semaphore_mem>>, %arg10: memref<!tpu.dma_semaphore, #tpu.memory_space<semaphore_mem>>, %arg11: memref<!tpu.dma_semaphore, #tpu.memory_space<semaphore_mem>>, %arg12: memref<!tpu.dma_semaphore, #tpu.memory_space<semaphore_mem>>, %arg13: memref<!tpu.dma_semaphore, #tpu.memory_space<semaphore_mem>>, %arg14: memref<!tpu.dma_semaphore, #tpu.memory_space<semaphore_mem>>, %arg15: memref<!tpu.dma_semaphore, #tpu.memory_space<semaphore_mem>>) attributes {dimension_semantics = [#tpu.dimension_semantics<core_parallel>, #tpu.dimension_semantics<subcore_parallel>], iteration_bounds = array<i64: 2, 16>, scalar_prefetch = 0 : i64, scratch_operands = 12 : i64, tpu.core_type = #tpu.core_type<sc_vector_subcore>, window_params = [{transform_indices = #map}, {transform_indices = #map}]} {
    %mul3A = arith.constant 2 : i32
    %mul3A_0 = arith.muli %arg1, %mul3A : i32
    %add3A = arith.addi %mul3A_0, %arg0 : i32
    %mul3A_1 = arith.constant 8192 : i32
    %mul3A_2 = arith.muli %add3A, %mul3A_1 : i32
    %mul3A_3 = arith.constant 128 : i32
    %mul3A_4 = arith.muli %mul3A_2, %mul3A_3 : i32
    %iota3A = tpu.iota {dimensions = array<i32: 0>} : vector<16xi32>
    %broadcast_in_dim3A = arith.constant 2.000000e+00 : f32
    %broadcast_in_dim3A_5 = vector.broadcast %broadcast_in_dim3A : f32 to vector<16xf32>
    %add3A_6 = arith.constant 0 : i32
    %add3A_7 = vector.broadcast %add3A_6 : i32 to vector<16xi32>
    %add3A_8 = arith.addi %iota3A, %add3A_7 : vector<16xi32>
    %and3A = arith.constant 15 : i32
    %and3A_9 = vector.broadcast %and3A : i32 to vector<16xi32>
    %and3A_10 = arith.andi %add3A_8, %and3A_9 : vector<16xi32>
    %add3A_11 = arith.constant 1 : i32
    %add3A_12 = vector.broadcast %add3A_11 : i32 to vector<16xi32>
    %add3A_13 = arith.addi %iota3A, %add3A_12 : vector<16xi32>
    %and3A_14 = arith.constant 15 : i32
    %and3A_15 = vector.broadcast %and3A_14 : i32 to vector<16xi32>
    %and3A_16 = arith.andi %add3A_13, %and3A_15 : vector<16xi32>
    %add3A_17 = arith.constant 2 : i32
    %add3A_18 = vector.broadcast %add3A_17 : i32 to vector<16xi32>
    %add3A_19 = arith.addi %iota3A, %add3A_18 : vector<16xi32>
    %and3A_20 = arith.constant 15 : i32
    %and3A_21 = vector.broadcast %and3A_20 : i32 to vector<16xi32>
    %and3A_22 = arith.andi %add3A_19, %and3A_21 : vector<16xi32>
    %add3A_23 = arith.constant 3 : i32
    %add3A_24 = vector.broadcast %add3A_23 : i32 to vector<16xi32>
    %add3A_25 = arith.addi %iota3A, %add3A_24 : vector<16xi32>
    %and3A_26 = arith.constant 15 : i32
    %and3A_27 = vector.broadcast %and3A_26 : i32 to vector<16xi32>
    %and3A_28 = arith.andi %add3A_25, %and3A_27 : vector<16xi32>
    %add3A_29 = arith.constant 4 : i32
    %add3A_30 = vector.broadcast %add3A_29 : i32 to vector<16xi32>
    %add3A_31 = arith.addi %iota3A, %add3A_30 : vector<16xi32>
    %and3A_32 = arith.constant 15 : i32
    %and3A_33 = vector.broadcast %and3A_32 : i32 to vector<16xi32>
    %and3A_34 = arith.andi %add3A_31, %and3A_33 : vector<16xi32>
    %add3A_35 = arith.constant 5 : i32
    %add3A_36 = vector.broadcast %add3A_35 : i32 to vector<16xi32>
    %add3A_37 = arith.addi %iota3A, %add3A_36 : vector<16xi32>
    %and3A_38 = arith.constant 15 : i32
    %and3A_39 = vector.broadcast %and3A_38 : i32 to vector<16xi32>
    %and3A_40 = arith.andi %add3A_37, %and3A_39 : vector<16xi32>
    %add3A_41 = arith.constant 6 : i32
    %add3A_42 = vector.broadcast %add3A_41 : i32 to vector<16xi32>
    %add3A_43 = arith.addi %iota3A, %add3A_42 : vector<16xi32>
    %and3A_44 = arith.constant 15 : i32
    %and3A_45 = vector.broadcast %and3A_44 : i32 to vector<16xi32>
    %and3A_46 = arith.andi %add3A_43, %and3A_45 : vector<16xi32>
    %add3A_47 = arith.constant 7 : i32
    %add3A_48 = vector.broadcast %add3A_47 : i32 to vector<16xi32>
    %add3A_49 = arith.addi %iota3A, %add3A_48 : vector<16xi32>
    %and3A_50 = arith.constant 15 : i32
    %and3A_51 = vector.broadcast %and3A_50 : i32 to vector<16xi32>
    %and3A_52 = arith.andi %add3A_49, %and3A_51 : vector<16xi32>
    %add3A_53 = arith.constant 8 : i32
    %add3A_54 = vector.broadcast %add3A_53 : i32 to vector<16xi32>
    %add3A_55 = arith.addi %iota3A, %add3A_54 : vector<16xi32>
    %and3A_56 = arith.constant 15 : i32
    %and3A_57 = vector.broadcast %and3A_56 : i32 to vector<16xi32>
    %and3A_58 = arith.andi %add3A_55, %and3A_57 : vector<16xi32>
    %add3A_59 = arith.constant 9 : i32
    %add3A_60 = vector.broadcast %add3A_59 : i32 to vector<16xi32>
    %add3A_61 = arith.addi %iota3A, %add3A_60 : vector<16xi32>
    %and3A_62 = arith.constant 15 : i32
    %and3A_63 = vector.broadcast %and3A_62 : i32 to vector<16xi32>
    %and3A_64 = arith.andi %add3A_61, %and3A_63 : vector<16xi32>
    %add3A_65 = arith.constant 10 : i32
    %add3A_66 = vector.broadcast %add3A_65 : i32 to vector<16xi32>
    %add3A_67 = arith.addi %iota3A, %add3A_66 : vector<16xi32>
    %and3A_68 = arith.constant 15 : i32
    %and3A_69 = vector.broadcast %and3A_68 : i32 to vector<16xi32>
    %and3A_70 = arith.andi %add3A_67, %and3A_69 : vector<16xi32>
    %add3A_71 = arith.constant 11 : i32
    %add3A_72 = vector.broadcast %add3A_71 : i32 to vector<16xi32>
    %add3A_73 = arith.addi %iota3A, %add3A_72 : vector<16xi32>
    %and3A_74 = arith.constant 15 : i32
    %and3A_75 = vector.broadcast %and3A_74 : i32 to vector<16xi32>
    %and3A_76 = arith.andi %add3A_73, %and3A_75 : vector<16xi32>
    %add3A_77 = arith.constant 12 : i32
    %add3A_78 = vector.broadcast %add3A_77 : i32 to vector<16xi32>
    %add3A_79 = arith.addi %iota3A, %add3A_78 : vector<16xi32>
    %and3A_80 = arith.constant 15 : i32
    %and3A_81 = vector.broadcast %and3A_80 : i32 to vector<16xi32>
    %and3A_82 = arith.andi %add3A_79, %and3A_81 : vector<16xi32>
    %add3A_83 = arith.constant 13 : i32
    %add3A_84 = vector.broadcast %add3A_83 : i32 to vector<16xi32>
    %add3A_85 = arith.addi %iota3A, %add3A_84 : vector<16xi32>
    %and3A_86 = arith.constant 15 : i32
    %and3A_87 = vector.broadcast %and3A_86 : i32 to vector<16xi32>
    %and3A_88 = arith.andi %add3A_85, %and3A_87 : vector<16xi32>
    %add3A_89 = arith.constant 14 : i32
    %add3A_90 = vector.broadcast %add3A_89 : i32 to vector<16xi32>
    %add3A_91 = arith.addi %iota3A, %add3A_90 : vector<16xi32>
    %and3A_92 = arith.constant 15 : i32
    %and3A_93 = vector.broadcast %and3A_92 : i32 to vector<16xi32>
    %and3A_94 = arith.andi %add3A_91, %and3A_93 : vector<16xi32>
    %add3A_95 = arith.constant 15 : i32
    %add3A_96 = vector.broadcast %add3A_95 : i32 to vector<16xi32>
    %add3A_97 = arith.addi %iota3A, %add3A_96 : vector<16xi32>
    %and3A_98 = arith.constant 15 : i32
    %and3A_99 = vector.broadcast %and3A_98 : i32 to vector<16xi32>
    %and3A_100 = arith.andi %add3A_97, %and3A_99 : vector<16xi32>
    %broadcast_in_dim3A_101 = arith.constant 16 : i32
    %broadcast_in_dim3A_102 = vector.broadcast %broadcast_in_dim3A_101 : i32 to vector<16xi32>
    %add3A_103 = arith.constant 0 : i32
    %add3A_104 = arith.addi %mul3A_4, %add3A_103 : i32
    %dma_start3A = tpu.memref_slice %arg2[%add3A_104] : memref<33554432xf32, #tpu.memory_space<hbm>> -> memref<16384xf32, #tpu.memory_space<hbm>>
    %dma_start3A_105 = tpu.memref_slice %arg2[%add3A_104] : memref<33554432xf32, #tpu.memory_space<hbm>> -> memref<16384xf32, #tpu.memory_space<hbm>>
    tpu.enqueue_dma source(%dma_start3A_105 : memref<16384xf32, #tpu.memory_space<hbm>>) target(%arg4 : memref<16384xf32, #tpu.memory_space<vmem>>) target_semaphore(%arg8 : memref<!tpu.dma_semaphore, #tpu.memory_space<semaphore_mem>>)
    %add3A_106 = arith.constant 16384 : i32
    %add3A_107 = arith.addi %mul3A_4, %add3A_106 : i32
    %dma_start3A_108 = tpu.memref_slice %arg2[%add3A_107] : memref<33554432xf32, #tpu.memory_space<hbm>> -> memref<16384xf32, #tpu.memory_space<hbm>>
    %dma_start3A_109 = tpu.memref_slice %arg2[%add3A_107] : memref<33554432xf32, #tpu.memory_space<hbm>> -> memref<16384xf32, #tpu.memory_space<hbm>>
    tpu.enqueue_dma source(%dma_start3A_109 : memref<16384xf32, #tpu.memory_space<hbm>>) target(%arg5 : memref<16384xf32, #tpu.memory_space<vmem>>) target_semaphore(%arg9 : memref<!tpu.dma_semaphore, #tpu.memory_space<semaphore_mem>>)
    %scan3A = arith.constant 0 : i32
    %scan3A_110 = arith.constant 0 : i32
    %scan3A_111 = arith.constant 16 : i32
    %scan3A_112 = arith.addi %scan3A_110, %scan3A_111 : i32
    %scan3A_113 = arith.constant 1 : i32
    scf.for %scan3A_122 = %scan3A_110 to %scan3A_112 step %scan3A_113  : i32 {
      %mul3A_123 = arith.constant 4 : i32
      %mul3A_124 = arith.muli %scan3A_122, %mul3A_123 : i32
      %add3A_125 = arith.constant 0 : i32
      %add3A_126 = arith.addi %mul3A_124, %add3A_125 : i32
      %mul3A_127 = arith.constant 16384 : i32
      %mul3A_128 = arith.muli %add3A_126, %mul3A_127 : i32
      %add3A_129 = arith.addi %mul3A_4, %mul3A_128 : i32
      %dma_wait3A_130 = tpu.memref_slice %arg2[%add3A_129] : memref<33554432xf32, #tpu.memory_space<hbm>> -> memref<16384xf32, #tpu.memory_space<hbm>>
      %dma_wait3A_131 = tpu.memref_slice %arg2[%add3A_129] : memref<33554432xf32, #tpu.memory_space<hbm>> -> memref<16384xf32, #tpu.memory_space<hbm>>
      tpu.wait_dma2 semaphore(%arg8 : memref<!tpu.dma_semaphore, #tpu.memory_space<semaphore_mem>>) src(%dma_wait3A_131 : memref<16384xf32, #tpu.memory_space<hbm>>) dst(%arg4 : memref<16384xf32, #tpu.memory_space<vmem>>)
      %ge3A = arith.constant 2 : i32
      %ge3A_132 = arith.cmpi sge, %add3A_126, %ge3A : i32
      %convert_element_type3A = arith.extui %ge3A_132 : i1 to i32
      %cond3A = arith.constant 0 : i32
      %cond3A_133 = arith.cmpi ne, %convert_element_type3A, %cond3A : i32
      scf.if %cond3A_133 {
        %sub3A = arith.constant 2 : i32
        %sub3A_247 = arith.subi %add3A_126, %sub3A : i32
        %mul3A_248 = arith.constant 16384 : i32
        %mul3A_249 = arith.muli %sub3A_247, %mul3A_248 : i32
        %add3A_250 = arith.addi %mul3A_4, %mul3A_249 : i32
        %dma_wait3A_251 = tpu.memref_slice %arg3[%add3A_250] : memref<33554432xf32, #tpu.memory_space<hbm>> -> memref<16384xf32, #tpu.memory_space<hbm>>
        %dma_wait3A_252 = tpu.memref_slice %arg3[%add3A_250] : memref<33554432xf32, #tpu.memory_space<hbm>> -> memref<16384xf32, #tpu.memory_space<hbm>>
        tpu.wait_dma2 semaphore(%arg14 : memref<!tpu.dma_semaphore, #tpu.memory_space<semaphore_mem>>) src(%arg6 : memref<16384xf32, #tpu.memory_space<vmem>>) dst(%dma_wait3A_252 : memref<16384xf32, #tpu.memory_space<hbm>>)
      } else {
      }
      %add3A_134 = arith.constant 2 : i32
      %add3A_135 = arith.addi %add3A_126, %add3A_134 : i32
      %lt3A = arith.constant 64 : i32
      %lt3A_136 = arith.cmpi slt, %add3A_135, %lt3A : i32
      %convert_element_type3A_137 = arith.extui %lt3A_136 : i1 to i32
      %cond3A_138 = arith.constant 0 : i32
      %cond3A_139 = arith.cmpi ne, %convert_element_type3A_137, %cond3A_138 : i32
      scf.if %cond3A_139 {
        %add3A_247 = arith.constant 2 : i32
        %add3A_248 = arith.addi %add3A_126, %add3A_247 : i32
        %mul3A_249 = arith.constant 16384 : i32
        %mul3A_250 = arith.muli %add3A_248, %mul3A_249 : i32
        %add3A_251 = arith.addi %mul3A_4, %mul3A_250 : i32
        %dma_start3A_252 = tpu.memref_slice %arg2[%add3A_251] : memref<33554432xf32, #tpu.memory_space<hbm>> -> memref<16384xf32, #tpu.memory_space<hbm>>
        %dma_start3A_253 = tpu.memref_slice %arg2[%add3A_251] : memref<33554432xf32, #tpu.memory_space<hbm>> -> memref<16384xf32, #tpu.memory_space<hbm>>
        tpu.enqueue_dma source(%dma_start3A_253 : memref<16384xf32, #tpu.memory_space<hbm>>) target(%arg6 : memref<16384xf32, #tpu.memory_space<vmem>>) target_semaphore(%arg10 : memref<!tpu.dma_semaphore, #tpu.memory_space<semaphore_mem>>)
      } else {
      }
      %scan3A_140 = arith.constant 0 : i32
      %scan3A_141 = arith.constant 0 : i32
      %scan3A_142 = arith.constant 8 : i32
      %scan3A_143 = arith.addi %scan3A_141, %scan3A_142 : i32
      %scan3A_144 = arith.constant 1 : i32
      scf.for %scan3A_247 = %scan3A_141 to %scan3A_143 step %scan3A_144  : i32 {
        %mul3A_248 = arith.constant 16 : i32
        %mul3A_249 = arith.muli %scan3A_247, %mul3A_248 : i32
        %add3A_250 = vector.broadcast %mul3A_249 : i32 to vector<16xi32>
        %add3A_251 = arith.addi %iota3A, %add3A_250 : vector<16xi32>
        %mul3A_252 = arith.constant 128 : i32
        %mul3A_253 = vector.broadcast %mul3A_252 : i32 to vector<16xi32>
        %mul3A_254 = arith.muli %add3A_251, %mul3A_253 : vector<16xi32>
        %gather3A = tpu.vector_load_idx %arg4[%mul3A_254] : memref<16384xf32, #tpu.memory_space<vmem>>[vector<16xi32>], vector<16xf32>,
        %add3A_255 = arith.constant 1 : i32
        %add3A_256 = vector.broadcast %add3A_255 : i32 to vector<16xi32>
        %add3A_257 = arith.addi %mul3A_254, %add3A_256 : vector<16xi32>
        %gather3A_258 = tpu.vector_load_idx %arg4[%add3A_257] : memref<16384xf32, #tpu.memory_space<vmem>>[vector<16xi32>], vector<16xf32>,
        %ge3A_259 = arith.constant 5.000000e-01 : f32
        %ge3A_260 = vector.broadcast %ge3A_259 : f32 to vector<16xf32>
        %ge3A_261 = arith.cmpf oge, %gather3A, %ge3A_260 : vector<16xf32>
        %ge3A_262 = arith.constant 5.000000e-01 : f32
        %ge3A_263 = vector.broadcast %ge3A_262 : f32 to vector<16xf32>
        %ge3A_264 = arith.cmpf oge, %gather3A_258, %ge3A_263 : vector<16xf32>
        %and3A_265 = arith.andi %ge3A_261, %ge3A_264 : vector<16xi1>
        %add3A_266 = arith.constant 16 : i32
        %add3A_267 = vector.broadcast %add3A_266 : i32 to vector<16xi32>
        %add3A_268 = arith.addi %mul3A_254, %add3A_267 : vector<16xi32>
        %add3A_269 = arith.addi %add3A_268, %and3A_10 : vector<16xi32>
        %gather3A_270 = tpu.vector_load_idx %arg4[%add3A_269] : memref<16384xf32, #tpu.memory_space<vmem>>[vector<16xi32>], vector<16xf32>,
        %add3A_271 = arith.addi %add3A_268, %and3A_16 : vector<16xi32>
        %gather3A_272 = tpu.vector_load_idx %arg4[%add3A_271] : memref<16384xf32, #tpu.memory_space<vmem>>[vector<16xi32>], vector<16xf32>,
        %add3A_273 = arith.addi %add3A_268, %and3A_22 : vector<16xi32>
        %gather3A_274 = tpu.vector_load_idx %arg4[%add3A_273] : memref<16384xf32, #tpu.memory_space<vmem>>[vector<16xi32>], vector<16xf32>,
        %add3A_275 = arith.addi %add3A_268, %and3A_28 : vector<16xi32>
        %gather3A_276 = tpu.vector_load_idx %arg4[%add3A_275] : memref<16384xf32, #tpu.memory_space<vmem>>[vector<16xi32>], vector<16xf32>,
        %add3A_277 = arith.addi %add3A_268, %and3A_34 : vector<16xi32>
        %gather3A_278 = tpu.vector_load_idx %arg4[%add3A_277] : memref<16384xf32, #tpu.memory_space<vmem>>[vector<16xi32>], vector<16xf32>,
        %add3A_279 = arith.addi %add3A_268, %and3A_40 : vector<16xi32>
        %gather3A_280 = tpu.vector_load_idx %arg4[%add3A_279] : memref<16384xf32, #tpu.memory_space<vmem>>[vector<16xi32>], vector<16xf32>,
        %add3A_281 = arith.addi %add3A_268, %and3A_46 : vector<16xi32>
        %gather3A_282 = tpu.vector_load_idx %arg4[%add3A_281] : memref<16384xf32, #tpu.memory_space<vmem>>[vector<16xi32>], vector<16xf32>,
        %add3A_283 = arith.addi %add3A_268, %and3A_52 : vector<16xi32>
        %gather3A_284 = tpu.vector_load_idx %arg4[%add3A_283] : memref<16384xf32, #tpu.memory_space<vmem>>[vector<16xi32>], vector<16xf32>,
        %add3A_285 = arith.addi %add3A_268, %and3A_58 : vector<16xi32>
        %gather3A_286 = tpu.vector_load_idx %arg4[%add3A_285] : memref<16384xf32, #tpu.memory_space<vmem>>[vector<16xi32>], vector<16xf32>,
        %add3A_287 = arith.addi %add3A_268, %and3A_64 : vector<16xi32>
        %gather3A_288 = tpu.vector_load_idx %arg4[%add3A_287] : memref<16384xf32, #tpu.memory_space<vmem>>[vector<16xi32>], vector<16xf32>,
        %add3A_289 = arith.addi %add3A_268, %and3A_70 : vector<16xi32>
        %gather3A_290 = tpu.vector_load_idx %arg4[%add3A_289] : memref<16384xf32, #tpu.memory_space<vmem>>[vector<16xi32>], vector<16xf32>,
        %add3A_291 = arith.addi %add3A_268, %and3A_76 : vector<16xi32>
        %gather3A_292 = tpu.vector_load_idx %arg4[%add3A_291] : memref<16384xf32, #tpu.memory_space<vmem>>[vector<16xi32>], vector<16xf32>,
        %add3A_293 = arith.addi %add3A_268, %and3A_82 : vector<16xi32>
        %gather3A_294 = tpu.vector_load_idx %arg4[%add3A_293] : memref<16384xf32, #tpu.memory_space<vmem>>[vector<16xi32>], vector<16xf32>,
        %add3A_295 = arith.addi %add3A_268, %and3A_88 : vector<16xi32>
        %gather3A_296 = tpu.vector_load_idx %arg4[%add3A_295] : memref<16384xf32, #tpu.memory_space<vmem>>[vector<16xi32>], vector<16xf32>,
        %add3A_297 = arith.addi %add3A_268, %and3A_94 : vector<16xi32>
        %gather3A_298 = tpu.vector_load_idx %arg4[%add3A_297] : memref<16384xf32, #tpu.memory_space<vmem>>[vector<16xi32>], vector<16xf32>,
        %add3A_299 = arith.addi %add3A_268, %and3A_100 : vector<16xi32>
        %gather3A_300 = tpu.vector_load_idx %arg4[%add3A_299] : memref<16384xf32, #tpu.memory_space<vmem>>[vector<16xi32>], vector<16xf32>,
        %max3A = arith.maximumf %gather3A_270, %gather3A_272 : vector<16xf32>
        %max3A_301 = arith.maximumf %gather3A_274, %gather3A_276 : vector<16xf32>
        %max3A_302 = arith.maximumf %gather3A_278, %gather3A_280 : vector<16xf32>
        %max3A_303 = arith.maximumf %gather3A_282, %gather3A_284 : vector<16xf32>
        %max3A_304 = arith.maximumf %gather3A_286, %gather3A_288 : vector<16xf32>
        %max3A_305 = arith.maximumf %gather3A_290, %gather3A_292 : vector<16xf32>
        %max3A_306 = arith.maximumf %gather3A_294, %gather3A_296 : vector<16xf32>
        %max3A_307 = arith.maximumf %gather3A_298, %gather3A_300 : vector<16xf32>
        %max3A_308 = arith.maximumf %max3A, %max3A_301 : vector<16xf32>
        %max3A_309 = arith.maximumf %max3A_302, %max3A_303 : vector<16xf32>
        %max3A_310 = arith.maximumf %max3A_304, %max3A_305 : vector<16xf32>
        %max3A_311 = arith.maximumf %max3A_306, %max3A_307 : vector<16xf32>
        %max3A_312 = arith.maximumf %max3A_308, %max3A_309 : vector<16xf32>
        %max3A_313 = arith.maximumf %max3A_310, %max3A_311 : vector<16xf32>
        %max3A_314 = arith.maximumf %max3A_312, %max3A_313 : vector<16xf32>
        %eq3A = arith.cmpf oeq, %gather3A_270, %max3A_314 : vector<16xf32>
        %select_n3A = arith.select %eq3A, %and3A_10, %broadcast_in_dim3A_102 : vector<16xi1>, vector<16xi32>
        %eq3A_315 = arith.cmpf oeq, %gather3A_272, %max3A_314 : vector<16xf32>
        %select_n3A_316 = arith.select %eq3A_315, %and3A_16, %broadcast_in_dim3A_102 : vector<16xi1>, vector<16xi32>
        %eq3A_317 = arith.cmpf oeq, %gather3A_274, %max3A_314 : vector<16xf32>
        %select_n3A_318 = arith.select %eq3A_317, %and3A_22, %broadcast_in_dim3A_102 : vector<16xi1>, vector<16xi32>
        %eq3A_319 = arith.cmpf oeq, %gather3A_276, %max3A_314 : vector<16xf32>
        %select_n3A_320 = arith.select %eq3A_319, %and3A_28, %broadcast_in_dim3A_102 : vector<16xi1>, vector<16xi32>
        %eq3A_321 = arith.cmpf oeq, %gather3A_278, %max3A_314 : vector<16xf32>
        %select_n3A_322 = arith.select %eq3A_321, %and3A_34, %broadcast_in_dim3A_102 : vector<16xi1>, vector<16xi32>
        %eq3A_323 = arith.cmpf oeq, %gather3A_280, %max3A_314 : vector<16xf32>
        %select_n3A_324 = arith.select %eq3A_323, %and3A_40, %broadcast_in_dim3A_102 : vector<16xi1>, vector<16xi32>
        %eq3A_325 = arith.cmpf oeq, %gather3A_282, %max3A_314 : vector<16xf32>
        %select_n3A_326 = arith.select %eq3A_325, %and3A_46, %broadcast_in_dim3A_102 : vector<16xi1>, vector<16xi32>
        %eq3A_327 = arith.cmpf oeq, %gather3A_284, %max3A_314 : vector<16xf32>
        %select_n3A_328 = arith.select %eq3A_327, %and3A_52, %broadcast_in_dim3A_102 : vector<16xi1>, vector<16xi32>
        %eq3A_329 = arith.cmpf oeq, %gather3A_286, %max3A_314 : vector<16xf32>
        %select_n3A_330 = arith.select %eq3A_329, %and3A_58, %broadcast_in_dim3A_102 : vector<16xi1>, vector<16xi32>
        %eq3A_331 = arith.cmpf oeq, %gather3A_288, %max3A_314 : vector<16xf32>
        %select_n3A_332 = arith.select %eq3A_331, %and3A_64, %broadcast_in_dim3A_102 : vector<16xi1>, vector<16xi32>
        %eq3A_333 = arith.cmpf oeq, %gather3A_290, %max3A_314 : vector<16xf32>
        %select_n3A_334 = arith.select %eq3A_333, %and3A_70, %broadcast_in_dim3A_102 : vector<16xi1>, vector<16xi32>
        %eq3A_335 = arith.cmpf oeq, %gather3A_292, %max3A_314 : vector<16xf32>
        %select_n3A_336 = arith.select %eq3A_335, %and3A_76, %broadcast_in_dim3A_102 : vector<16xi1>, vector<16xi32>
        %eq3A_337 = arith.cmpf oeq, %gather3A_294, %max3A_314 : vector<16xf32>
        %select_n3A_338 = arith.select %eq3A_337, %and3A_82, %broadcast_in_dim3A_102 : vector<16xi1>, vector<16xi32>
        %eq3A_339 = arith.cmpf oeq, %gather3A_296, %max3A_314 : vector<16xf32>
        %select_n3A_340 = arith.select %eq3A_339, %and3A_88, %broadcast_in_dim3A_102 : vector<16xi1>, vector<16xi32>
        %eq3A_341 = arith.cmpf oeq, %gather3A_298, %max3A_314 : vector<16xf32>
        %select_n3A_342 = arith.select %eq3A_341, %and3A_94, %broadcast_in_dim3A_102 : vector<16xi1>, vector<16xi32>
        %eq3A_343 = arith.cmpf oeq, %gather3A_300, %max3A_314 : vector<16xf32>
        %select_n3A_344 = arith.select %eq3A_343, %and3A_100, %broadcast_in_dim3A_102 : vector<16xi1>, vector<16xi32>
        %min3A = arith.minsi %select_n3A, %select_n3A_316 : vector<16xi32>
        %min3A_345 = arith.minsi %select_n3A_318, %select_n3A_320 : vector<16xi32>
        %min3A_346 = arith.minsi %select_n3A_322, %select_n3A_324 : vector<16xi32>
        %min3A_347 = arith.minsi %select_n3A_326, %select_n3A_328 : vector<16xi32>
        %min3A_348 = arith.minsi %select_n3A_330, %select_n3A_332 : vector<16xi32>
        %min3A_349 = arith.minsi %select_n3A_334, %select_n3A_336 : vector<16xi32>
        %min3A_350 = arith.minsi %select_n3A_338, %select_n3A_340 : vector<16xi32>
        %min3A_351 = arith.minsi %select_n3A_342, %select_n3A_344 : vector<16xi32>
        %min3A_352 = arith.minsi %min3A, %min3A_345 : vector<16xi32>
        %min3A_353 = arith.minsi %min3A_346, %min3A_347 : vector<16xi32>
        %min3A_354 = arith.minsi %min3A_348, %min3A_349 : vector<16xi32>
        %min3A_355 = arith.minsi %min3A_350, %min3A_351 : vector<16xi32>
        %min3A_356 = arith.minsi %min3A_352, %min3A_353 : vector<16xi32>
        %min3A_357 = arith.minsi %min3A_354, %min3A_355 : vector<16xi32>
        %min3A_358 = arith.minsi %min3A_356, %min3A_357 : vector<16xi32>
        %add3A_359 = arith.constant 32 : i32
        %add3A_360 = vector.broadcast %add3A_359 : i32 to vector<16xi32>
        %add3A_361 = arith.addi %mul3A_254, %add3A_360 : vector<16xi32>
        %add3A_362 = arith.addi %add3A_361, %and3A_10 : vector<16xi32>
        %gather3A_363 = tpu.vector_load_idx %arg4[%add3A_362] : memref<16384xf32, #tpu.memory_space<vmem>>[vector<16xi32>], vector<16xf32>,
        %add3A_364 = arith.addi %add3A_361, %and3A_16 : vector<16xi32>
        %gather3A_365 = tpu.vector_load_idx %arg4[%add3A_364] : memref<16384xf32, #tpu.memory_space<vmem>>[vector<16xi32>], vector<16xf32>,
        %add3A_366 = arith.addi %add3A_361, %and3A_22 : vector<16xi32>
        %gather3A_367 = tpu.vector_load_idx %arg4[%add3A_366] : memref<16384xf32, #tpu.memory_space<vmem>>[vector<16xi32>], vector<16xf32>,
        %add3A_368 = arith.addi %add3A_361, %and3A_28 : vector<16xi32>
        %gather3A_369 = tpu.vector_load_idx %arg4[%add3A_368] : memref<16384xf32, #tpu.memory_space<vmem>>[vector<16xi32>], vector<16xf32>,
        %add3A_370 = arith.addi %add3A_361, %and3A_34 : vector<16xi32>
        %gather3A_371 = tpu.vector_load_idx %arg4[%add3A_370] : memref<16384xf32, #tpu.memory_space<vmem>>[vector<16xi32>], vector<16xf32>,
        %add3A_372 = arith.addi %add3A_361, %and3A_40 : vector<16xi32>
        %gather3A_373 = tpu.vector_load_idx %arg4[%add3A_372] : memref<16384xf32, #tpu.memory_space<vmem>>[vector<16xi32>], vector<16xf32>,
        %add3A_374 = arith.addi %add3A_361, %and3A_46 : vector<16xi32>
        %gather3A_375 = tpu.vector_load_idx %arg4[%add3A_374] : memref<16384xf32, #tpu.memory_space<vmem>>[vector<16xi32>], vector<16xf32>,
        %add3A_376 = arith.addi %add3A_361, %and3A_52 : vector<16xi32>
        %gather3A_377 = tpu.vector_load_idx %arg4[%add3A_376] : memref<16384xf32, #tpu.memory_space<vmem>>[vector<16xi32>], vector<16xf32>,
        %add3A_378 = arith.addi %add3A_361, %and3A_58 : vector<16xi32>
        %gather3A_379 = tpu.vector_load_idx %arg4[%add3A_378] : memref<16384xf32, #tpu.memory_space<vmem>>[vector<16xi32>], vector<16xf32>,
        %add3A_380 = arith.addi %add3A_361, %and3A_64 : vector<16xi32>
        %gather3A_381 = tpu.vector_load_idx %arg4[%add3A_380] : memref<16384xf32, #tpu.memory_space<vmem>>[vector<16xi32>], vector<16xf32>,
        %add3A_382 = arith.addi %add3A_361, %and3A_70 : vector<16xi32>
        %gather3A_383 = tpu.vector_load_idx %arg4[%add3A_382] : memref<16384xf32, #tpu.memory_space<vmem>>[vector<16xi32>], vector<16xf32>,
        %add3A_384 = arith.addi %add3A_361, %and3A_76 : vector<16xi32>
        %gather3A_385 = tpu.vector_load_idx %arg4[%add3A_384] : memref<16384xf32, #tpu.memory_space<vmem>>[vector<16xi32>], vector<16xf32>,
        %add3A_386 = arith.addi %add3A_361, %and3A_82 : vector<16xi32>
        %gather3A_387 = tpu.vector_load_idx %arg4[%add3A_386] : memref<16384xf32, #tpu.memory_space<vmem>>[vector<16xi32>], vector<16xf32>,
        %add3A_388 = arith.addi %add3A_361, %and3A_88 : vector<16xi32>
        %gather3A_389 = tpu.vector_load_idx %arg4[%add3A_388] : memref<16384xf32, #tpu.memory_space<vmem>>[vector<16xi32>], vector<16xf32>,
        %add3A_390 = arith.addi %add3A_361, %and3A_94 : vector<16xi32>
        %gather3A_391 = tpu.vector_load_idx %arg4[%add3A_390] : memref<16384xf32, #tpu.memory_space<vmem>>[vector<16xi32>], vector<16xf32>,
        %add3A_392 = arith.addi %add3A_361, %and3A_100 : vector<16xi32>
        %gather3A_393 = tpu.vector_load_idx %arg4[%add3A_392] : memref<16384xf32, #tpu.memory_space<vmem>>[vector<16xi32>], vector<16xf32>,
        %max3A_394 = arith.maximumf %gather3A_363, %gather3A_365 : vector<16xf32>
        %max3A_395 = arith.maximumf %gather3A_367, %gather3A_369 : vector<16xf32>
        %max3A_396 = arith.maximumf %gather3A_371, %gather3A_373 : vector<16xf32>
        %max3A_397 = arith.maximumf %gather3A_375, %gather3A_377 : vector<16xf32>
        %max3A_398 = arith.maximumf %gather3A_379, %gather3A_381 : vector<16xf32>
        %max3A_399 = arith.maximumf %gather3A_383, %gather3A_385 : vector<16xf32>
        %max3A_400 = arith.maximumf %gather3A_387, %gather3A_389 : vector<16xf32>
        %max3A_401 = arith.maximumf %gather3A_391, %gather3A_393 : vector<16xf32>
        %max3A_402 = arith.maximumf %max3A_394, %max3A_395 : vector<16xf32>
        %max3A_403 = arith.maximumf %max3A_396, %max3A_397 : vector<16xf32>
        %max3A_404 = arith.maximumf %max3A_398, %max3A_399 : vector<16xf32>
        %max3A_405 = arith.maximumf %max3A_400, %max3A_401 : vector<16xf32>
        %max3A_406 = arith.maximumf %max3A_402, %max3A_403 : vector<16xf32>
        %max3A_407 = arith.maximumf %max3A_404, %max3A_405 : vector<16xf32>
        %max3A_408 = arith.maximumf %max3A_406, %max3A_407 : vector<16xf32>
        %eq3A_409 = arith.cmpf oeq, %gather3A_363, %max3A_408 : vector<16xf32>
        %select_n3A_410 = arith.select %eq3A_409, %and3A_10, %broadcast_in_dim3A_102 : vector<16xi1>, vector<16xi32>
        %eq3A_411 = arith.cmpf oeq, %gather3A_365, %max3A_408 : vector<16xf32>
        %select_n3A_412 = arith.select %eq3A_411, %and3A_16, %broadcast_in_dim3A_102 : vector<16xi1>, vector<16xi32>
        %eq3A_413 = arith.cmpf oeq, %gather3A_367, %max3A_408 : vector<16xf32>
        %select_n3A_414 = arith.select %eq3A_413, %and3A_22, %broadcast_in_dim3A_102 : vector<16xi1>, vector<16xi32>
        %eq3A_415 = arith.cmpf oeq, %gather3A_369, %max3A_408 : vector<16xf32>
        %select_n3A_416 = arith.select %eq3A_415, %and3A_28, %broadcast_in_dim3A_102 : vector<16xi1>, vector<16xi32>
        %eq3A_417 = arith.cmpf oeq, %gather3A_371, %max3A_408 : vector<16xf32>
        %select_n3A_418 = arith.select %eq3A_417, %and3A_34, %broadcast_in_dim3A_102 : vector<16xi1>, vector<16xi32>
        %eq3A_419 = arith.cmpf oeq, %gather3A_373, %max3A_408 : vector<16xf32>
        %select_n3A_420 = arith.select %eq3A_419, %and3A_40, %broadcast_in_dim3A_102 : vector<16xi1>, vector<16xi32>
        %eq3A_421 = arith.cmpf oeq, %gather3A_375, %max3A_408 : vector<16xf32>
        %select_n3A_422 = arith.select %eq3A_421, %and3A_46, %broadcast_in_dim3A_102 : vector<16xi1>, vector<16xi32>
        %eq3A_423 = arith.cmpf oeq, %gather3A_377, %max3A_408 : vector<16xf32>
        %select_n3A_424 = arith.select %eq3A_423, %and3A_52, %broadcast_in_dim3A_102 : vector<16xi1>, vector<16xi32>
        %eq3A_425 = arith.cmpf oeq, %gather3A_379, %max3A_408 : vector<16xf32>
        %select_n3A_426 = arith.select %eq3A_425, %and3A_58, %broadcast_in_dim3A_102 : vector<16xi1>, vector<16xi32>
        %eq3A_427 = arith.cmpf oeq, %gather3A_381, %max3A_408 : vector<16xf32>
        %select_n3A_428 = arith.select %eq3A_427, %and3A_64, %broadcast_in_dim3A_102 : vector<16xi1>, vector<16xi32>
        %eq3A_429 = arith.cmpf oeq, %gather3A_383, %max3A_408 : vector<16xf32>
        %select_n3A_430 = arith.select %eq3A_429, %and3A_70, %broadcast_in_dim3A_102 : vector<16xi1>, vector<16xi32>
        %eq3A_431 = arith.cmpf oeq, %gather3A_385, %max3A_408 : vector<16xf32>
        %select_n3A_432 = arith.select %eq3A_431, %and3A_76, %broadcast_in_dim3A_102 : vector<16xi1>, vector<16xi32>
        %eq3A_433 = arith.cmpf oeq, %gather3A_387, %max3A_408 : vector<16xf32>
        %select_n3A_434 = arith.select %eq3A_433, %and3A_82, %broadcast_in_dim3A_102 : vector<16xi1>, vector<16xi32>
        %eq3A_435 = arith.cmpf oeq, %gather3A_389, %max3A_408 : vector<16xf32>
        %select_n3A_436 = arith.select %eq3A_435, %and3A_88, %broadcast_in_dim3A_102 : vector<16xi1>, vector<16xi32>
        %eq3A_437 = arith.cmpf oeq, %gather3A_391, %max3A_408 : vector<16xf32>
        %select_n3A_438 = arith.select %eq3A_437, %and3A_94, %broadcast_in_dim3A_102 : vector<16xi1>, vector<16xi32>
        %eq3A_439 = arith.cmpf oeq, %gather3A_393, %max3A_408 : vector<16xf32>
        %select_n3A_440 = arith.select %eq3A_439, %and3A_100, %broadcast_in_dim3A_102 : vector<16xi1>, vector<16xi32>
        %min3A_441 = arith.minsi %select_n3A_410, %select_n3A_412 : vector<16xi32>
        %min3A_442 = arith.minsi %select_n3A_414, %select_n3A_416 : vector<16xi32>
        %min3A_443 = arith.minsi %select_n3A_418, %select_n3A_420 : vector<16xi32>
        %min3A_444 = arith.minsi %select_n3A_422, %select_n3A_424 : vector<16xi32>
        %min3A_445 = arith.minsi %select_n3A_426, %select_n3A_428 : vector<16xi32>
        %min3A_446 = arith.minsi %select_n3A_430, %select_n3A_432 : vector<16xi32>
        %min3A_447 = arith.minsi %select_n3A_434, %select_n3A_436 : vector<16xi32>
        %min3A_448 = arith.minsi %select_n3A_438, %select_n3A_440 : vector<16xi32>
        %min3A_449 = arith.minsi %min3A_441, %min3A_442 : vector<16xi32>
        %min3A_450 = arith.minsi %min3A_443, %min3A_444 : vector<16xi32>
        %min3A_451 = arith.minsi %min3A_445, %min3A_446 : vector<16xi32>
        %min3A_452 = arith.minsi %min3A_447, %min3A_448 : vector<16xi32>
        %min3A_453 = arith.minsi %min3A_449, %min3A_450 : vector<16xi32>
        %min3A_454 = arith.minsi %min3A_451, %min3A_452 : vector<16xi32>
        %min3A_455 = arith.minsi %min3A_453, %min3A_454 : vector<16xi32>
        %shift_left3A = arith.constant 4 : i32
        %shift_left3A_456 = vector.broadcast %shift_left3A : i32 to vector<16xi32>
        %shift_left3A_457 = arith.shli %min3A_455, %shift_left3A_456 : vector<16xi32>
        %add3A_458 = arith.addi %min3A_358, %shift_left3A_457 : vector<16xi32>
        %add3A_459 = arith.constant 48 : i32
        %add3A_460 = vector.broadcast %add3A_459 : i32 to vector<16xi32>
        %add3A_461 = arith.addi %mul3A_254, %add3A_460 : vector<16xi32>
        %add3A_462 = arith.addi %add3A_461, %and3A_10 : vector<16xi32>
        %gather3A_463 = tpu.vector_load_idx %arg4[%add3A_462] : memref<16384xf32, #tpu.memory_space<vmem>>[vector<16xi32>], vector<16xf32>,
        %add3A_464 = arith.addi %add3A_461, %and3A_16 : vector<16xi32>
        %gather3A_465 = tpu.vector_load_idx %arg4[%add3A_464] : memref<16384xf32, #tpu.memory_space<vmem>>[vector<16xi32>], vector<16xf32>,
        %add3A_466 = arith.addi %add3A_461, %and3A_22 : vector<16xi32>
        %gather3A_467 = tpu.vector_load_idx %arg4[%add3A_466] : memref<16384xf32, #tpu.memory_space<vmem>>[vector<16xi32>], vector<16xf32>,
        %add3A_468 = arith.addi %add3A_461, %and3A_28 : vector<16xi32>
        %gather3A_469 = tpu.vector_load_idx %arg4[%add3A_468] : memref<16384xf32, #tpu.memory_space<vmem>>[vector<16xi32>], vector<16xf32>,
        %add3A_470 = arith.addi %add3A_461, %and3A_34 : vector<16xi32>
        %gather3A_471 = tpu.vector_load_idx %arg4[%add3A_470] : memref<16384xf32, #tpu.memory_space<vmem>>[vector<16xi32>], vector<16xf32>,
        %add3A_472 = arith.addi %add3A_461, %and3A_40 : vector<16xi32>
        %gather3A_473 = tpu.vector_load_idx %arg4[%add3A_472] : memref<16384xf32, #tpu.memory_space<vmem>>[vector<16xi32>], vector<16xf32>,
        %add3A_474 = arith.addi %add3A_461, %and3A_46 : vector<16xi32>
        %gather3A_475 = tpu.vector_load_idx %arg4[%add3A_474] : memref<16384xf32, #tpu.memory_space<vmem>>[vector<16xi32>], vector<16xf32>,
        %add3A_476 = arith.addi %add3A_461, %and3A_52 : vector<16xi32>
        %gather3A_477 = tpu.vector_load_idx %arg4[%add3A_476] : memref<16384xf32, #tpu.memory_space<vmem>>[vector<16xi32>], vector<16xf32>,
        %add3A_478 = arith.addi %add3A_461, %and3A_58 : vector<16xi32>
        %gather3A_479 = tpu.vector_load_idx %arg4[%add3A_478] : memref<16384xf32, #tpu.memory_space<vmem>>[vector<16xi32>], vector<16xf32>,
        %add3A_480 = arith.addi %add3A_461, %and3A_64 : vector<16xi32>
        %gather3A_481 = tpu.vector_load_idx %arg4[%add3A_480] : memref<16384xf32, #tpu.memory_space<vmem>>[vector<16xi32>], vector<16xf32>,
        %add3A_482 = arith.addi %add3A_461, %and3A_70 : vector<16xi32>
        %gather3A_483 = tpu.vector_load_idx %arg4[%add3A_482] : memref<16384xf32, #tpu.memory_space<vmem>>[vector<16xi32>], vector<16xf32>,
        %add3A_484 = arith.addi %add3A_461, %and3A_76 : vector<16xi32>
        %gather3A_485 = tpu.vector_load_idx %arg4[%add3A_484] : memref<16384xf32, #tpu.memory_space<vmem>>[vector<16xi32>], vector<16xf32>,
        %add3A_486 = arith.addi %add3A_461, %and3A_82 : vector<16xi32>
        %gather3A_487 = tpu.vector_load_idx %arg4[%add3A_486] : memref<16384xf32, #tpu.memory_space<vmem>>[vector<16xi32>], vector<16xf32>,
        %add3A_488 = arith.addi %add3A_461, %and3A_88 : vector<16xi32>
        %gather3A_489 = tpu.vector_load_idx %arg4[%add3A_488] : memref<16384xf32, #tpu.memory_space<vmem>>[vector<16xi32>], vector<16xf32>,
        %add3A_490 = arith.addi %add3A_461, %and3A_94 : vector<16xi32>
        %gather3A_491 = tpu.vector_load_idx %arg4[%add3A_490] : memref<16384xf32, #tpu.memory_space<vmem>>[vector<16xi32>], vector<16xf32>,
        %add3A_492 = arith.addi %add3A_461, %and3A_100 : vector<16xi32>
        %gather3A_493 = tpu.vector_load_idx %arg4[%add3A_492] : memref<16384xf32, #tpu.memory_space<vmem>>[vector<16xi32>], vector<16xf32>,
        %max3A_494 = arith.maximumf %gather3A_463, %gather3A_465 : vector<16xf32>
        %max3A_495 = arith.maximumf %gather3A_467, %gather3A_469 : vector<16xf32>
        %max3A_496 = arith.maximumf %gather3A_471, %gather3A_473 : vector<16xf32>
        %max3A_497 = arith.maximumf %gather3A_475, %gather3A_477 : vector<16xf32>
        %max3A_498 = arith.maximumf %gather3A_479, %gather3A_481 : vector<16xf32>
        %max3A_499 = arith.maximumf %gather3A_483, %gather3A_485 : vector<16xf32>
        %max3A_500 = arith.maximumf %gather3A_487, %gather3A_489 : vector<16xf32>
        %max3A_501 = arith.maximumf %gather3A_491, %gather3A_493 : vector<16xf32>
        %max3A_502 = arith.maximumf %max3A_494, %max3A_495 : vector<16xf32>
        %max3A_503 = arith.maximumf %max3A_496, %max3A_497 : vector<16xf32>
        %max3A_504 = arith.maximumf %max3A_498, %max3A_499 : vector<16xf32>
        %max3A_505 = arith.maximumf %max3A_500, %max3A_501 : vector<16xf32>
        %max3A_506 = arith.maximumf %max3A_502, %max3A_503 : vector<16xf32>
        %max3A_507 = arith.maximumf %max3A_504, %max3A_505 : vector<16xf32>
        %max3A_508 = arith.maximumf %max3A_506, %max3A_507 : vector<16xf32>
        %eq3A_509 = arith.cmpf oeq, %gather3A_463, %max3A_508 : vector<16xf32>
        %select_n3A_510 = arith.select %eq3A_509, %and3A_10, %broadcast_in_dim3A_102 : vector<16xi1>, vector<16xi32>
        %eq3A_511 = arith.cmpf oeq, %gather3A_465, %max3A_508 : vector<16xf32>
        %select_n3A_512 = arith.select %eq3A_511, %and3A_16, %broadcast_in_dim3A_102 : vector<16xi1>, vector<16xi32>
        %eq3A_513 = arith.cmpf oeq, %gather3A_467, %max3A_508 : vector<16xf32>
        %select_n3A_514 = arith.select %eq3A_513, %and3A_22, %broadcast_in_dim3A_102 : vector<16xi1>, vector<16xi32>
        %eq3A_515 = arith.cmpf oeq, %gather3A_469, %max3A_508 : vector<16xf32>
        %select_n3A_516 = arith.select %eq3A_515, %and3A_28, %broadcast_in_dim3A_102 : vector<16xi1>, vector<16xi32>
        %eq3A_517 = arith.cmpf oeq, %gather3A_471, %max3A_508 : vector<16xf32>
        %select_n3A_518 = arith.select %eq3A_517, %and3A_34, %broadcast_in_dim3A_102 : vector<16xi1>, vector<16xi32>
        %eq3A_519 = arith.cmpf oeq, %gather3A_473, %max3A_508 : vector<16xf32>
        %select_n3A_520 = arith.select %eq3A_519, %and3A_40, %broadcast_in_dim3A_102 : vector<16xi1>, vector<16xi32>
        %eq3A_521 = arith.cmpf oeq, %gather3A_475, %max3A_508 : vector<16xf32>
        %select_n3A_522 = arith.select %eq3A_521, %and3A_46, %broadcast_in_dim3A_102 : vector<16xi1>, vector<16xi32>
        %eq3A_523 = arith.cmpf oeq, %gather3A_477, %max3A_508 : vector<16xf32>
        %select_n3A_524 = arith.select %eq3A_523, %and3A_52, %broadcast_in_dim3A_102 : vector<16xi1>, vector<16xi32>
        %eq3A_525 = arith.cmpf oeq, %gather3A_479, %max3A_508 : vector<16xf32>
        %select_n3A_526 = arith.select %eq3A_525, %and3A_58, %broadcast_in_dim3A_102 : vector<16xi1>, vector<16xi32>
        %eq3A_527 = arith.cmpf oeq, %gather3A_481, %max3A_508 : vector<16xf32>
        %select_n3A_528 = arith.select %eq3A_527, %and3A_64, %broadcast_in_dim3A_102 : vector<16xi1>, vector<16xi32>
        %eq3A_529 = arith.cmpf oeq, %gather3A_483, %max3A_508 : vector<16xf32>
        %select_n3A_530 = arith.select %eq3A_529, %and3A_70, %broadcast_in_dim3A_102 : vector<16xi1>, vector<16xi32>
        %eq3A_531 = arith.cmpf oeq, %gather3A_485, %max3A_508 : vector<16xf32>
        %select_n3A_532 = arith.select %eq3A_531, %and3A_76, %broadcast_in_dim3A_102 : vector<16xi1>, vector<16xi32>
        %eq3A_533 = arith.cmpf oeq, %gather3A_487, %max3A_508 : vector<16xf32>
        %select_n3A_534 = arith.select %eq3A_533, %and3A_82, %broadcast_in_dim3A_102 : vector<16xi1>, vector<16xi32>
        %eq3A_535 = arith.cmpf oeq, %gather3A_489, %max3A_508 : vector<16xf32>
        %select_n3A_536 = arith.select %eq3A_535, %and3A_88, %broadcast_in_dim3A_102 : vector<16xi1>, vector<16xi32>
        %eq3A_537 = arith.cmpf oeq, %gather3A_491, %max3A_508 : vector<16xf32>
        %select_n3A_538 = arith.select %eq3A_537, %and3A_94, %broadcast_in_dim3A_102 : vector<16xi1>, vector<16xi32>
        %eq3A_539 = arith.cmpf oeq, %gather3A_493, %max3A_508 : vector<16xf32>
        %select_n3A_540 = arith.select %eq3A_539, %and3A_100, %broadcast_in_dim3A_102 : vector<16xi1>, vector<16xi32>
        %min3A_541 = arith.minsi %select_n3A_510, %select_n3A_512 : vector<16xi32>
        %min3A_542 = arith.minsi %select_n3A_514, %select_n3A_516 : vector<16xi32>
        %min3A_543 = arith.minsi %select_n3A_518, %select_n3A_520 : vector<16xi32>
        %min3A_544 = arith.minsi %select_n3A_522, %select_n3A_524 : vector<16xi32>
        %min3A_545 = arith.minsi %select_n3A_526, %select_n3A_528 : vector<16xi32>
        %min3A_546 = arith.minsi %select_n3A_530, %select_n3A_532 : vector<16xi32>
        %min3A_547 = arith.minsi %select_n3A_534, %select_n3A_536 : vector<16xi32>
        %min3A_548 = arith.minsi %select_n3A_538, %select_n3A_540 : vector<16xi32>
        %min3A_549 = arith.minsi %min3A_541, %min3A_542 : vector<16xi32>
        %min3A_550 = arith.minsi %min3A_543, %min3A_544 : vector<16xi32>
        %min3A_551 = arith.minsi %min3A_545, %min3A_546 : vector<16xi32>
        %min3A_552 = arith.minsi %min3A_547, %min3A_548 : vector<16xi32>
        %min3A_553 = arith.minsi %min3A_549, %min3A_550 : vector<16xi32>
        %min3A_554 = arith.minsi %min3A_551, %min3A_552 : vector<16xi32>
        %min3A_555 = arith.minsi %min3A_553, %min3A_554 : vector<16xi32>
        %add3A_556 = arith.constant 64 : i32
        %add3A_557 = vector.broadcast %add3A_556 : i32 to vector<16xi32>
        %add3A_558 = arith.addi %mul3A_254, %add3A_557 : vector<16xi32>
        %add3A_559 = arith.addi %add3A_558, %and3A_10 : vector<16xi32>
        %gather3A_560 = tpu.vector_load_idx %arg4[%add3A_559] : memref<16384xf32, #tpu.memory_space<vmem>>[vector<16xi32>], vector<16xf32>,
        %add3A_561 = arith.addi %add3A_558, %and3A_16 : vector<16xi32>
        %gather3A_562 = tpu.vector_load_idx %arg4[%add3A_561] : memref<16384xf32, #tpu.memory_space<vmem>>[vector<16xi32>], vector<16xf32>,
        %add3A_563 = arith.addi %add3A_558, %and3A_22 : vector<16xi32>
        %gather3A_564 = tpu.vector_load_idx %arg4[%add3A_563] : memref<16384xf32, #tpu.memory_space<vmem>>[vector<16xi32>], vector<16xf32>,
        %add3A_565 = arith.addi %add3A_558, %and3A_28 : vector<16xi32>
        %gather3A_566 = tpu.vector_load_idx %arg4[%add3A_565] : memref<16384xf32, #tpu.memory_space<vmem>>[vector<16xi32>], vector<16xf32>,
        %add3A_567 = arith.addi %add3A_558, %and3A_34 : vector<16xi32>
        %gather3A_568 = tpu.vector_load_idx %arg4[%add3A_567] : memref<16384xf32, #tpu.memory_space<vmem>>[vector<16xi32>], vector<16xf32>,
        %add3A_569 = arith.addi %add3A_558, %and3A_40 : vector<16xi32>
        %gather3A_570 = tpu.vector_load_idx %arg4[%add3A_569] : memref<16384xf32, #tpu.memory_space<vmem>>[vector<16xi32>], vector<16xf32>,
        %add3A_571 = arith.addi %add3A_558, %and3A_46 : vector<16xi32>
        %gather3A_572 = tpu.vector_load_idx %arg4[%add3A_571] : memref<16384xf32, #tpu.memory_space<vmem>>[vector<16xi32>], vector<16xf32>,
        %add3A_573 = arith.addi %add3A_558, %and3A_52 : vector<16xi32>
        %gather3A_574 = tpu.vector_load_idx %arg4[%add3A_573] : memref<16384xf32, #tpu.memory_space<vmem>>[vector<16xi32>], vector<16xf32>,
        %add3A_575 = arith.addi %add3A_558, %and3A_58 : vector<16xi32>
        %gather3A_576 = tpu.vector_load_idx %arg4[%add3A_575] : memref<16384xf32, #tpu.memory_space<vmem>>[vector<16xi32>], vector<16xf32>,
        %add3A_577 = arith.addi %add3A_558, %and3A_64 : vector<16xi32>
        %gather3A_578 = tpu.vector_load_idx %arg4[%add3A_577] : memref<16384xf32, #tpu.memory_space<vmem>>[vector<16xi32>], vector<16xf32>,
        %add3A_579 = arith.addi %add3A_558, %and3A_70 : vector<16xi32>
        %gather3A_580 = tpu.vector_load_idx %arg4[%add3A_579] : memref<16384xf32, #tpu.memory_space<vmem>>[vector<16xi32>], vector<16xf32>,
        %add3A_581 = arith.addi %add3A_558, %and3A_76 : vector<16xi32>
        %gather3A_582 = tpu.vector_load_idx %arg4[%add3A_581] : memref<16384xf32, #tpu.memory_space<vmem>>[vector<16xi32>], vector<16xf32>,
        %add3A_583 = arith.addi %add3A_558, %and3A_82 : vector<16xi32>
        %gather3A_584 = tpu.vector_load_idx %arg4[%add3A_583] : memref<16384xf32, #tpu.memory_space<vmem>>[vector<16xi32>], vector<16xf32>,
        %add3A_585 = arith.addi %add3A_558, %and3A_88 : vector<16xi32>
        %gather3A_586 = tpu.vector_load_idx %arg4[%add3A_585] : memref<16384xf32, #tpu.memory_space<vmem>>[vector<16xi32>], vector<16xf32>,
        %add3A_587 = arith.addi %add3A_558, %and3A_94 : vector<16xi32>
        %gather3A_588 = tpu.vector_load_idx %arg4[%add3A_587] : memref<16384xf32, #tpu.memory_space<vmem>>[vector<16xi32>], vector<16xf32>,
        %add3A_589 = arith.addi %add3A_558, %and3A_100 : vector<16xi32>
        %gather3A_590 = tpu.vector_load_idx %arg4[%add3A_589] : memref<16384xf32, #tpu.memory_space<vmem>>[vector<16xi32>], vector<16xf32>,
        %max3A_591 = arith.maximumf %gather3A_560, %gather3A_562 : vector<16xf32>
        %max3A_592 = arith.maximumf %gather3A_564, %gather3A_566 : vector<16xf32>
        %max3A_593 = arith.maximumf %gather3A_568, %gather3A_570 : vector<16xf32>
        %max3A_594 = arith.maximumf %gather3A_572, %gather3A_574 : vector<16xf32>
        %max3A_595 = arith.maximumf %gather3A_576, %gather3A_578 : vector<16xf32>
        %max3A_596 = arith.maximumf %gather3A_580, %gather3A_582 : vector<16xf32>
        %max3A_597 = arith.maximumf %gather3A_584, %gather3A_586 : vector<16xf32>
        %max3A_598 = arith.maximumf %gather3A_588, %gather3A_590 : vector<16xf32>
        %max3A_599 = arith.maximumf %max3A_591, %max3A_592 : vector<16xf32>
        %max3A_600 = arith.maximumf %max3A_593, %max3A_594 : vector<16xf32>
        %max3A_601 = arith.maximumf %max3A_595, %max3A_596 : vector<16xf32>
        %max3A_602 = arith.maximumf %max3A_597, %max3A_598 : vector<16xf32>
        %max3A_603 = arith.maximumf %max3A_599, %max3A_600 : vector<16xf32>
        %max3A_604 = arith.maximumf %max3A_601, %max3A_602 : vector<16xf32>
        %max3A_605 = arith.maximumf %max3A_603, %max3A_604 : vector<16xf32>
        %eq3A_606 = arith.cmpf oeq, %gather3A_560, %max3A_605 : vector<16xf32>
        %select_n3A_607 = arith.select %eq3A_606, %and3A_10, %broadcast_in_dim3A_102 : vector<16xi1>, vector<16xi32>
        %eq3A_608 = arith.cmpf oeq, %gather3A_562, %max3A_605 : vector<16xf32>
        %select_n3A_609 = arith.select %eq3A_608, %and3A_16, %broadcast_in_dim3A_102 : vector<16xi1>, vector<16xi32>
        %eq3A_610 = arith.cmpf oeq, %gather3A_564, %max3A_605 : vector<16xf32>
        %select_n3A_611 = arith.select %eq3A_610, %and3A_22, %broadcast_in_dim3A_102 : vector<16xi1>, vector<16xi32>
        %eq3A_612 = arith.cmpf oeq, %gather3A_566, %max3A_605 : vector<16xf32>
        %select_n3A_613 = arith.select %eq3A_612, %and3A_28, %broadcast_in_dim3A_102 : vector<16xi1>, vector<16xi32>
        %eq3A_614 = arith.cmpf oeq, %gather3A_568, %max3A_605 : vector<16xf32>
        %select_n3A_615 = arith.select %eq3A_614, %and3A_34, %broadcast_in_dim3A_102 : vector<16xi1>, vector<16xi32>
        %eq3A_616 = arith.cmpf oeq, %gather3A_570, %max3A_605 : vector<16xf32>
        %select_n3A_617 = arith.select %eq3A_616, %and3A_40, %broadcast_in_dim3A_102 : vector<16xi1>, vector<16xi32>
        %eq3A_618 = arith.cmpf oeq, %gather3A_572, %max3A_605 : vector<16xf32>
        %select_n3A_619 = arith.select %eq3A_618, %and3A_46, %broadcast_in_dim3A_102 : vector<16xi1>, vector<16xi32>
        %eq3A_620 = arith.cmpf oeq, %gather3A_574, %max3A_605 : vector<16xf32>
        %select_n3A_621 = arith.select %eq3A_620, %and3A_52, %broadcast_in_dim3A_102 : vector<16xi1>, vector<16xi32>
        %eq3A_622 = arith.cmpf oeq, %gather3A_576, %max3A_605 : vector<16xf32>
        %select_n3A_623 = arith.select %eq3A_622, %and3A_58, %broadcast_in_dim3A_102 : vector<16xi1>, vector<16xi32>
        %eq3A_624 = arith.cmpf oeq, %gather3A_578, %max3A_605 : vector<16xf32>
        %select_n3A_625 = arith.select %eq3A_624, %and3A_64, %broadcast_in_dim3A_102 : vector<16xi1>, vector<16xi32>
        %eq3A_626 = arith.cmpf oeq, %gather3A_580, %max3A_605 : vector<16xf32>
        %select_n3A_627 = arith.select %eq3A_626, %and3A_70, %broadcast_in_dim3A_102 : vector<16xi1>, vector<16xi32>
        %eq3A_628 = arith.cmpf oeq, %gather3A_582, %max3A_605 : vector<16xf32>
        %select_n3A_629 = arith.select %eq3A_628, %and3A_76, %broadcast_in_dim3A_102 : vector<16xi1>, vector<16xi32>
        %eq3A_630 = arith.cmpf oeq, %gather3A_584, %max3A_605 : vector<16xf32>
        %select_n3A_631 = arith.select %eq3A_630, %and3A_82, %broadcast_in_dim3A_102 : vector<16xi1>, vector<16xi32>
        %eq3A_632 = arith.cmpf oeq, %gather3A_586, %max3A_605 : vector<16xf32>
        %select_n3A_633 = arith.select %eq3A_632, %and3A_88, %broadcast_in_dim3A_102 : vector<16xi1>, vector<16xi32>
        %eq3A_634 = arith.cmpf oeq, %gather3A_588, %max3A_605 : vector<16xf32>
        %select_n3A_635 = arith.select %eq3A_634, %and3A_94, %broadcast_in_dim3A_102 : vector<16xi1>, vector<16xi32>
        %eq3A_636 = arith.cmpf oeq, %gather3A_590, %max3A_605 : vector<16xf32>
        %select_n3A_637 = arith.select %eq3A_636, %and3A_100, %broadcast_in_dim3A_102 : vector<16xi1>, vector<16xi32>
        %min3A_638 = arith.minsi %select_n3A_607, %select_n3A_609 : vector<16xi32>
        %min3A_639 = arith.minsi %select_n3A_611, %select_n3A_613 : vector<16xi32>
        %min3A_640 = arith.minsi %select_n3A_615, %select_n3A_617 : vector<16xi32>
        %min3A_641 = arith.minsi %select_n3A_619, %select_n3A_621 : vector<16xi32>
        %min3A_642 = arith.minsi %select_n3A_623, %select_n3A_625 : vector<16xi32>
        %min3A_643 = arith.minsi %select_n3A_627, %select_n3A_629 : vector<16xi32>
        %min3A_644 = arith.minsi %select_n3A_631, %select_n3A_633 : vector<16xi32>
        %min3A_645 = arith.minsi %select_n3A_635, %select_n3A_637 : vector<16xi32>
        %min3A_646 = arith.minsi %min3A_638, %min3A_639 : vector<16xi32>
        %min3A_647 = arith.minsi %min3A_640, %min3A_641 : vector<16xi32>
        %min3A_648 = arith.minsi %min3A_642, %min3A_643 : vector<16xi32>
        %min3A_649 = arith.minsi %min3A_644, %min3A_645 : vector<16xi32>
        %min3A_650 = arith.minsi %min3A_646, %min3A_647 : vector<16xi32>
        %min3A_651 = arith.minsi %min3A_648, %min3A_649 : vector<16xi32>
        %min3A_652 = arith.minsi %min3A_650, %min3A_651 : vector<16xi32>
        %shift_left3A_653 = arith.constant 4 : i32
        %shift_left3A_654 = vector.broadcast %shift_left3A_653 : i32 to vector<16xi32>
        %shift_left3A_655 = arith.shli %min3A_652, %shift_left3A_654 : vector<16xi32>
        %add3A_656 = arith.addi %min3A_555, %shift_left3A_655 : vector<16xi32>
        %mul3A_657 = arith.muli %add3A_458, %add3A_656 : vector<16xi32>
        %and3A_658 = arith.constant 255 : i32
        %and3A_659 = vector.broadcast %and3A_658 : i32 to vector<16xi32>
        %and3A_660 = arith.andi %mul3A_657, %and3A_659 : vector<16xi32>
        %add3A_661 = arith.constant 80 : i32
        %add3A_662 = vector.broadcast %add3A_661 : i32 to vector<16xi32>
        %add3A_663 = arith.addi %mul3A_254, %add3A_662 : vector<16xi32>
        %and3A_664 = arith.constant 15 : i32
        %and3A_665 = vector.broadcast %and3A_664 : i32 to vector<16xi32>
        %and3A_666 = arith.andi %and3A_660, %and3A_665 : vector<16xi32>
        %add3A_667 = arith.addi %add3A_663, %and3A_666 : vector<16xi32>
        tpu.vector_store_idx %arg4[%add3A_667], %broadcast_in_dim3A_5 masked %and3A_265 {add = true} : memref<16384xf32, #tpu.memory_space<vmem>>[vector<16xi32>], vector<16xf32>, vector<16xi1>
        %add3A_668 = arith.constant 96 : i32
        %add3A_669 = vector.broadcast %add3A_668 : i32 to vector<16xi32>
        %add3A_670 = arith.addi %mul3A_254, %add3A_669 : vector<16xi32>
        %shift_right_arithmetic3A = arith.constant 4 : i32
        %shift_right_arithmetic3A_671 = vector.broadcast %shift_right_arithmetic3A : i32 to vector<16xi32>
        %shift_right_arithmetic3A_672 = arith.shrsi %and3A_660, %shift_right_arithmetic3A_671 : vector<16xi32>
        %add3A_673 = arith.addi %add3A_670, %shift_right_arithmetic3A_672 : vector<16xi32>
        tpu.vector_store_idx %arg4[%add3A_673], %broadcast_in_dim3A_5 masked %and3A_265 {add = true} : memref<16384xf32, #tpu.memory_space<vmem>>[vector<16xi32>], vector<16xf32>, vector<16xi1>
      }
      %scan3A_145 = arith.constant 8 : i32
      %mul3A_146 = arith.constant 16384 : i32
      %mul3A_147 = arith.muli %add3A_126, %mul3A_146 : i32
      %add3A_148 = arith.addi %mul3A_4, %mul3A_147 : i32
      %dma_start3A_149 = tpu.memref_slice %arg3[%add3A_148] : memref<33554432xf32, #tpu.memory_space<hbm>> -> memref<16384xf32, #tpu.memory_space<hbm>>
      %dma_start3A_150 = tpu.memref_slice %arg3[%add3A_148] : memref<33554432xf32, #tpu.memory_space<hbm>> -> memref<16384xf32, #tpu.memory_space<hbm>>
      tpu.enqueue_dma source(%arg4 : memref<16384xf32, #tpu.memory_space<vmem>>) target(%dma_start3A_150 : memref<16384xf32, #tpu.memory_space<hbm>>) target_semaphore(%arg12 : memref<!tpu.dma_semaphore, #tpu.memory_space<semaphore_mem>>)
      %mul3A_151 = arith.constant 4 : i32
      %mul3A_152 = arith.muli %scan3A_122, %mul3A_151 : i32
      %add3A_153 = arith.constant 1 : i32
      %add3A_154 = arith.addi %mul3A_152, %add3A_153 : i32
      %mul3A_155 = arith.constant 16384 : i32
      %mul3A_156 = arith.muli %add3A_154, %mul3A_155 : i32
      %add3A_157 = arith.addi %mul3A_4, %mul3A_156 : i32
      %dma_wait3A_158 = tpu.memref_slice %arg2[%add3A_157] : memref<33554432xf32, #tpu.memory_space<hbm>> -> memref<16384xf32, #tpu.memory_space<hbm>>
      %dma_wait3A_159 = tpu.memref_slice %arg2[%add3A_157] : memref<33554432xf32, #tpu.memory_space<hbm>> -> memref<16384xf32, #tpu.memory_space<hbm>>
      tpu.wait_dma2 semaphore(%arg9 : memref<!tpu.dma_semaphore, #tpu.memory_space<semaphore_mem>>) src(%dma_wait3A_159 : memref<16384xf32, #tpu.memory_space<hbm>>) dst(%arg5 : memref<16384xf32, #tpu.memory_space<vmem>>)
      %ge3A_160 = arith.constant 2 : i32
      %ge3A_161 = arith.cmpi sge, %add3A_154, %ge3A_160 : i32
      %convert_element_type3A_162 = arith.extui %ge3A_161 : i1 to i32
      %cond3A_163 = arith.constant 0 : i32
      %cond3A_164 = arith.cmpi ne, %convert_element_type3A_162, %cond3A_163 : i32
      scf.if %cond3A_164 {
        %sub3A = arith.constant 2 : i32
        %sub3A_247 = arith.subi %add3A_154, %sub3A : i32
        %mul3A_248 = arith.constant 16384 : i32
        %mul3A_249 = arith.muli %sub3A_247, %mul3A_248 : i32
        %add3A_250 = arith.addi %mul3A_4, %mul3A_249 : i32
        %dma_wait3A_251 = tpu.memref_slice %arg3[%add3A_250] : memref<33554432xf32, #tpu.memory_space<hbm>> -> memref<16384xf32, #tpu.memory_space<hbm>>
        %dma_wait3A_252 = tpu.memref_slice %arg3[%add3A_250] : memref<33554432xf32, #tpu.memory_space<hbm>> -> memref<16384xf32, #tpu.memory_space<hbm>>
        tpu.wait_dma2 semaphore(%arg15 : memref<!tpu.dma_semaphore, #tpu.memory_space<semaphore_mem>>) src(%arg7 : memref<16384xf32, #tpu.memory_space<vmem>>) dst(%dma_wait3A_252 : memref<16384xf32, #tpu.memory_space<hbm>>)
      } else {
      }
      %add3A_165 = arith.constant 2 : i32
      %add3A_166 = arith.addi %add3A_154, %add3A_165 : i32
      %lt3A_167 = arith.constant 64 : i32
      %lt3A_168 = arith.cmpi slt, %add3A_166, %lt3A_167 : i32
      %convert_element_type3A_169 = arith.extui %lt3A_168 : i1 to i32
      %cond3A_170 = arith.constant 0 : i32
      %cond3A_171 = arith.cmpi ne, %convert_element_type3A_169, %cond3A_170 : i32
      scf.if %cond3A_171 {
        %add3A_247 = arith.constant 2 : i32
        %add3A_248 = arith.addi %add3A_154, %add3A_247 : i32
        %mul3A_249 = arith.constant 16384 : i32
        %mul3A_250 = arith.muli %add3A_248, %mul3A_249 : i32
        %add3A_251 = arith.addi %mul3A_4, %mul3A_250 : i32
        %dma_start3A_252 = tpu.memref_slice %arg2[%add3A_251] : memref<33554432xf32, #tpu.memory_space<hbm>> -> memref<16384xf32, #tpu.memory_space<hbm>>
        %dma_start3A_253 = tpu.memref_slice %arg2[%add3A_251] : memref<33554432xf32, #tpu.memory_space<hbm>> -> memref<16384xf32, #tpu.memory_space<hbm>>
        tpu.enqueue_dma source(%dma_start3A_253 : memref<16384xf32, #tpu.memory_space<hbm>>) target(%arg7 : memref<16384xf32, #tpu.memory_space<vmem>>) target_semaphore(%arg11 : memref<!tpu.dma_semaphore, #tpu.memory_space<semaphore_mem>>)
      } else {
      }
      %scan3A_172 = arith.constant 0 : i32
      %scan3A_173 = arith.constant 0 : i32
      %scan3A_174 = arith.constant 8 : i32
      %scan3A_175 = arith.addi %scan3A_173, %scan3A_174 : i32
      %scan3A_176 = arith.constant 1 : i32
      scf.for %scan3A_247 = %scan3A_173 to %scan3A_175 step %scan3A_176  : i32 {
        %mul3A_248 = arith.constant 16 : i32
        %mul3A_249 = arith.muli %scan3A_247, %mul3A_248 : i32
        %add3A_250 = vector.broadcast %mul3A_249 : i32 to vector<16xi32>
        %add3A_251 = arith.addi %iota3A, %add3A_250 : vector<16xi32>
        %mul3A_252 = arith.constant 128 : i32
        %mul3A_253 = vector.broadcast %mul3A_252 : i32 to vector<16xi32>
        %mul3A_254 = arith.muli %add3A_251, %mul3A_253 : vector<16xi32>
        %gather3A = tpu.vector_load_idx %arg5[%mul3A_254] : memref<16384xf32, #tpu.memory_space<vmem>>[vector<16xi32>], vector<16xf32>,
        %add3A_255 = arith.constant 1 : i32
        %add3A_256 = vector.broadcast %add3A_255 : i32 to vector<16xi32>
        %add3A_257 = arith.addi %mul3A_254, %add3A_256 : vector<16xi32>
        %gather3A_258 = tpu.vector_load_idx %arg5[%add3A_257] : memref<16384xf32, #tpu.memory_space<vmem>>[vector<16xi32>], vector<16xf32>,
        %ge3A_259 = arith.constant 5.000000e-01 : f32
        %ge3A_260 = vector.broadcast %ge3A_259 : f32 to vector<16xf32>
        %ge3A_261 = arith.cmpf oge, %gather3A, %ge3A_260 : vector<16xf32>
        %ge3A_262 = arith.constant 5.000000e-01 : f32
        %ge3A_263 = vector.broadcast %ge3A_262 : f32 to vector<16xf32>
        %ge3A_264 = arith.cmpf oge, %gather3A_258, %ge3A_263 : vector<16xf32>
        %and3A_265 = arith.andi %ge3A_261, %ge3A_264 : vector<16xi1>
        %add3A_266 = arith.constant 16 : i32
        %add3A_267 = vector.broadcast %add3A_266 : i32 to vector<16xi32>
        %add3A_268 = arith.addi %mul3A_254, %add3A_267 : vector<16xi32>
        %add3A_269 = arith.addi %add3A_268, %and3A_10 : vector<16xi32>
        %gather3A_270 = tpu.vector_load_idx %arg5[%add3A_269] : memref<16384xf32, #tpu.memory_space<vmem>>[vector<16xi32>], vector<16xf32>,
        %add3A_271 = arith.addi %add3A_268, %and3A_16 : vector<16xi32>
        %gather3A_272 = tpu.vector_load_idx %arg5[%add3A_271] : memref<16384xf32, #tpu.memory_space<vmem>>[vector<16xi32>], vector<16xf32>,
        %add3A_273 = arith.addi %add3A_268, %and3A_22 : vector<16xi32>
        %gather3A_274 = tpu.vector_load_idx %arg5[%add3A_273] : memref<16384xf32, #tpu.memory_space<vmem>>[vector<16xi32>], vector<16xf32>,
        %add3A_275 = arith.addi %add3A_268, %and3A_28 : vector<16xi32>
        %gather3A_276 = tpu.vector_load_idx %arg5[%add3A_275] : memref<16384xf32, #tpu.memory_space<vmem>>[vector<16xi32>], vector<16xf32>,
        %add3A_277 = arith.addi %add3A_268, %and3A_34 : vector<16xi32>
        %gather3A_278 = tpu.vector_load_idx %arg5[%add3A_277] : memref<16384xf32, #tpu.memory_space<vmem>>[vector<16xi32>], vector<16xf32>,
        %add3A_279 = arith.addi %add3A_268, %and3A_40 : vector<16xi32>
        %gather3A_280 = tpu.vector_load_idx %arg5[%add3A_279] : memref<16384xf32, #tpu.memory_space<vmem>>[vector<16xi32>], vector<16xf32>,
        %add3A_281 = arith.addi %add3A_268, %and3A_46 : vector<16xi32>
        %gather3A_282 = tpu.vector_load_idx %arg5[%add3A_281] : memref<16384xf32, #tpu.memory_space<vmem>>[vector<16xi32>], vector<16xf32>,
        %add3A_283 = arith.addi %add3A_268, %and3A_52 : vector<16xi32>
        %gather3A_284 = tpu.vector_load_idx %arg5[%add3A_283] : memref<16384xf32, #tpu.memory_space<vmem>>[vector<16xi32>], vector<16xf32>,
        %add3A_285 = arith.addi %add3A_268, %and3A_58 : vector<16xi32>
        %gather3A_286 = tpu.vector_load_idx %arg5[%add3A_285] : memref<16384xf32, #tpu.memory_space<vmem>>[vector<16xi32>], vector<16xf32>,
        %add3A_287 = arith.addi %add3A_268, %and3A_64 : vector<16xi32>
        %gather3A_288 = tpu.vector_load_idx %arg5[%add3A_287] : memref<16384xf32, #tpu.memory_space<vmem>>[vector<16xi32>], vector<16xf32>,
        %add3A_289 = arith.addi %add3A_268, %and3A_70 : vector<16xi32>
        %gather3A_290 = tpu.vector_load_idx %arg5[%add3A_289] : memref<16384xf32, #tpu.memory_space<vmem>>[vector<16xi32>], vector<16xf32>,
        %add3A_291 = arith.addi %add3A_268, %and3A_76 : vector<16xi32>
        %gather3A_292 = tpu.vector_load_idx %arg5[%add3A_291] : memref<16384xf32, #tpu.memory_space<vmem>>[vector<16xi32>], vector<16xf32>,
        %add3A_293 = arith.addi %add3A_268, %and3A_82 : vector<16xi32>
        %gather3A_294 = tpu.vector_load_idx %arg5[%add3A_293] : memref<16384xf32, #tpu.memory_space<vmem>>[vector<16xi32>], vector<16xf32>,
        %add3A_295 = arith.addi %add3A_268, %and3A_88 : vector<16xi32>
        %gather3A_296 = tpu.vector_load_idx %arg5[%add3A_295] : memref<16384xf32, #tpu.memory_space<vmem>>[vector<16xi32>], vector<16xf32>,
        %add3A_297 = arith.addi %add3A_268, %and3A_94 : vector<16xi32>
        %gather3A_298 = tpu.vector_load_idx %arg5[%add3A_297] : memref<16384xf32, #tpu.memory_space<vmem>>[vector<16xi32>], vector<16xf32>,
        %add3A_299 = arith.addi %add3A_268, %and3A_100 : vector<16xi32>
        %gather3A_300 = tpu.vector_load_idx %arg5[%add3A_299] : memref<16384xf32, #tpu.memory_space<vmem>>[vector<16xi32>], vector<16xf32>,
        %max3A = arith.maximumf %gather3A_270, %gather3A_272 : vector<16xf32>
        %max3A_301 = arith.maximumf %gather3A_274, %gather3A_276 : vector<16xf32>
        %max3A_302 = arith.maximumf %gather3A_278, %gather3A_280 : vector<16xf32>
        %max3A_303 = arith.maximumf %gather3A_282, %gather3A_284 : vector<16xf32>
        %max3A_304 = arith.maximumf %gather3A_286, %gather3A_288 : vector<16xf32>
        %max3A_305 = arith.maximumf %gather3A_290, %gather3A_292 : vector<16xf32>
        %max3A_306 = arith.maximumf %gather3A_294, %gather3A_296 : vector<16xf32>
        %max3A_307 = arith.maximumf %gather3A_298, %gather3A_300 : vector<16xf32>
        %max3A_308 = arith.maximumf %max3A, %max3A_301 : vector<16xf32>
        %max3A_309 = arith.maximumf %max3A_302, %max3A_303 : vector<16xf32>
        %max3A_310 = arith.maximumf %max3A_304, %max3A_305 : vector<16xf32>
        %max3A_311 = arith.maximumf %max3A_306, %max3A_307 : vector<16xf32>
        %max3A_312 = arith.maximumf %max3A_308, %max3A_309 : vector<16xf32>
        %max3A_313 = arith.maximumf %max3A_310, %max3A_311 : vector<16xf32>
        %max3A_314 = arith.maximumf %max3A_312, %max3A_313 : vector<16xf32>
        %eq3A = arith.cmpf oeq, %gather3A_270, %max3A_314 : vector<16xf32>
        %select_n3A = arith.select %eq3A, %and3A_10, %broadcast_in_dim3A_102 : vector<16xi1>, vector<16xi32>
        %eq3A_315 = arith.cmpf oeq, %gather3A_272, %max3A_314 : vector<16xf32>
        %select_n3A_316 = arith.select %eq3A_315, %and3A_16, %broadcast_in_dim3A_102 : vector<16xi1>, vector<16xi32>
        %eq3A_317 = arith.cmpf oeq, %gather3A_274, %max3A_314 : vector<16xf32>
        %select_n3A_318 = arith.select %eq3A_317, %and3A_22, %broadcast_in_dim3A_102 : vector<16xi1>, vector<16xi32>
        %eq3A_319 = arith.cmpf oeq, %gather3A_276, %max3A_314 : vector<16xf32>
        %select_n3A_320 = arith.select %eq3A_319, %and3A_28, %broadcast_in_dim3A_102 : vector<16xi1>, vector<16xi32>
        %eq3A_321 = arith.cmpf oeq, %gather3A_278, %max3A_314 : vector<16xf32>
        %select_n3A_322 = arith.select %eq3A_321, %and3A_34, %broadcast_in_dim3A_102 : vector<16xi1>, vector<16xi32>
        %eq3A_323 = arith.cmpf oeq, %gather3A_280, %max3A_314 : vector<16xf32>
        %select_n3A_324 = arith.select %eq3A_323, %and3A_40, %broadcast_in_dim3A_102 : vector<16xi1>, vector<16xi32>
        %eq3A_325 = arith.cmpf oeq, %gather3A_282, %max3A_314 : vector<16xf32>
        %select_n3A_326 = arith.select %eq3A_325, %and3A_46, %broadcast_in_dim3A_102 : vector<16xi1>, vector<16xi32>
        %eq3A_327 = arith.cmpf oeq, %gather3A_284, %max3A_314 : vector<16xf32>
        %select_n3A_328 = arith.select %eq3A_327, %and3A_52, %broadcast_in_dim3A_102 : vector<16xi1>, vector<16xi32>
        %eq3A_329 = arith.cmpf oeq, %gather3A_286, %max3A_314 : vector<16xf32>
        %select_n3A_330 = arith.select %eq3A_329, %and3A_58, %broadcast_in_dim3A_102 : vector<16xi1>, vector<16xi32>
        %eq3A_331 = arith.cmpf oeq, %gather3A_288, %max3A_314 : vector<16xf32>
        %select_n3A_332 = arith.select %eq3A_331, %and3A_64, %broadcast_in_dim3A_102 : vector<16xi1>, vector<16xi32>
        %eq3A_333 = arith.cmpf oeq, %gather3A_290, %max3A_314 : vector<16xf32>
        %select_n3A_334 = arith.select %eq3A_333, %and3A_70, %broadcast_in_dim3A_102 : vector<16xi1>, vector<16xi32>
        %eq3A_335 = arith.cmpf oeq, %gather3A_292, %max3A_314 : vector<16xf32>
        %select_n3A_336 = arith.select %eq3A_335, %and3A_76, %broadcast_in_dim3A_102 : vector<16xi1>, vector<16xi32>
        %eq3A_337 = arith.cmpf oeq, %gather3A_294, %max3A_314 : vector<16xf32>
        %select_n3A_338 = arith.select %eq3A_337, %and3A_82, %broadcast_in_dim3A_102 : vector<16xi1>, vector<16xi32>
        %eq3A_339 = arith.cmpf oeq, %gather3A_296, %max3A_314 : vector<16xf32>
        %select_n3A_340 = arith.select %eq3A_339, %and3A_88, %broadcast_in_dim3A_102 : vector<16xi1>, vector<16xi32>
        %eq3A_341 = arith.cmpf oeq, %gather3A_298, %max3A_314 : vector<16xf32>
        %select_n3A_342 = arith.select %eq3A_341, %and3A_94, %broadcast_in_dim3A_102 : vector<16xi1>, vector<16xi32>
        %eq3A_343 = arith.cmpf oeq, %gather3A_300, %max3A_314 : vector<16xf32>
        %select_n3A_344 = arith.select %eq3A_343, %and3A_100, %broadcast_in_dim3A_102 : vector<16xi1>, vector<16xi32>
        %min3A = arith.minsi %select_n3A, %select_n3A_316 : vector<16xi32>
        %min3A_345 = arith.minsi %select_n3A_318, %select_n3A_320 : vector<16xi32>
        %min3A_346 = arith.minsi %select_n3A_322, %select_n3A_324 : vector<16xi32>
        %min3A_347 = arith.minsi %select_n3A_326, %select_n3A_328 : vector<16xi32>
        %min3A_348 = arith.minsi %select_n3A_330, %select_n3A_332 : vector<16xi32>
        %min3A_349 = arith.minsi %select_n3A_334, %select_n3A_336 : vector<16xi32>
        %min3A_350 = arith.minsi %select_n3A_338, %select_n3A_340 : vector<16xi32>
        %min3A_351 = arith.minsi %select_n3A_342, %select_n3A_344 : vector<16xi32>
        %min3A_352 = arith.minsi %min3A, %min3A_345 : vector<16xi32>
        %min3A_353 = arith.minsi %min3A_346, %min3A_347 : vector<16xi32>
        %min3A_354 = arith.minsi %min3A_348, %min3A_349 : vector<16xi32>
        %min3A_355 = arith.minsi %min3A_350, %min3A_351 : vector<16xi32>
        %min3A_356 = arith.minsi %min3A_352, %min3A_353 : vector<16xi32>
        %min3A_357 = arith.minsi %min3A_354, %min3A_355 : vector<16xi32>
        %min3A_358 = arith.minsi %min3A_356, %min3A_357 : vector<16xi32>
        %add3A_359 = arith.constant 32 : i32
        %add3A_360 = vector.broadcast %add3A_359 : i32 to vector<16xi32>
        %add3A_361 = arith.addi %mul3A_254, %add3A_360 : vector<16xi32>
        %add3A_362 = arith.addi %add3A_361, %and3A_10 : vector<16xi32>
        %gather3A_363 = tpu.vector_load_idx %arg5[%add3A_362] : memref<16384xf32, #tpu.memory_space<vmem>>[vector<16xi32>], vector<16xf32>,
        %add3A_364 = arith.addi %add3A_361, %and3A_16 : vector<16xi32>
        %gather3A_365 = tpu.vector_load_idx %arg5[%add3A_364] : memref<16384xf32, #tpu.memory_space<vmem>>[vector<16xi32>], vector<16xf32>,
        %add3A_366 = arith.addi %add3A_361, %and3A_22 : vector<16xi32>
        %gather3A_367 = tpu.vector_load_idx %arg5[%add3A_366] : memref<16384xf32, #tpu.memory_space<vmem>>[vector<16xi32>], vector<16xf32>,
        %add3A_368 = arith.addi %add3A_361, %and3A_28 : vector<16xi32>
        %gather3A_369 = tpu.vector_load_idx %arg5[%add3A_368] : memref<16384xf32, #tpu.memory_space<vmem>>[vector<16xi32>], vector<16xf32>,
        %add3A_370 = arith.addi %add3A_361, %and3A_34 : vector<16xi32>
        %gather3A_371 = tpu.vector_load_idx %arg5[%add3A_370] : memref<16384xf32, #tpu.memory_space<vmem>>[vector<16xi32>], vector<16xf32>,
        %add3A_372 = arith.addi %add3A_361, %and3A_40 : vector<16xi32>
        %gather3A_373 = tpu.vector_load_idx %arg5[%add3A_372] : memref<16384xf32, #tpu.memory_space<vmem>>[vector<16xi32>], vector<16xf32>,
        %add3A_374 = arith.addi %add3A_361, %and3A_46 : vector<16xi32>
        %gather3A_375 = tpu.vector_load_idx %arg5[%add3A_374] : memref<16384xf32, #tpu.memory_space<vmem>>[vector<16xi32>], vector<16xf32>,
        %add3A_376 = arith.addi %add3A_361, %and3A_52 : vector<16xi32>
        %gather3A_377 = tpu.vector_load_idx %arg5[%add3A_376] : memref<16384xf32, #tpu.memory_space<vmem>>[vector<16xi32>], vector<16xf32>,
        %add3A_378 = arith.addi %add3A_361, %and3A_58 : vector<16xi32>
        %gather3A_379 = tpu.vector_load_idx %arg5[%add3A_378] : memref<16384xf32, #tpu.memory_space<vmem>>[vector<16xi32>], vector<16xf32>,
        %add3A_380 = arith.addi %add3A_361, %and3A_64 : vector<16xi32>
        %gather3A_381 = tpu.vector_load_idx %arg5[%add3A_380] : memref<16384xf32, #tpu.memory_space<vmem>>[vector<16xi32>], vector<16xf32>,
        %add3A_382 = arith.addi %add3A_361, %and3A_70 : vector<16xi32>
        %gather3A_383 = tpu.vector_load_idx %arg5[%add3A_382] : memref<16384xf32, #tpu.memory_space<vmem>>[vector<16xi32>], vector<16xf32>,
        %add3A_384 = arith.addi %add3A_361, %and3A_76 : vector<16xi32>
        %gather3A_385 = tpu.vector_load_idx %arg5[%add3A_384] : memref<16384xf32, #tpu.memory_space<vmem>>[vector<16xi32>], vector<16xf32>,
        %add3A_386 = arith.addi %add3A_361, %and3A_82 : vector<16xi32>
        %gather3A_387 = tpu.vector_load_idx %arg5[%add3A_386] : memref<16384xf32, #tpu.memory_space<vmem>>[vector<16xi32>], vector<16xf32>,
        %add3A_388 = arith.addi %add3A_361, %and3A_88 : vector<16xi32>
        %gather3A_389 = tpu.vector_load_idx %arg5[%add3A_388] : memref<16384xf32, #tpu.memory_space<vmem>>[vector<16xi32>], vector<16xf32>,
        %add3A_390 = arith.addi %add3A_361, %and3A_94 : vector<16xi32>
        %gather3A_391 = tpu.vector_load_idx %arg5[%add3A_390] : memref<16384xf32, #tpu.memory_space<vmem>>[vector<16xi32>], vector<16xf32>,
        %add3A_392 = arith.addi %add3A_361, %and3A_100 : vector<16xi32>
        %gather3A_393 = tpu.vector_load_idx %arg5[%add3A_392] : memref<16384xf32, #tpu.memory_space<vmem>>[vector<16xi32>], vector<16xf32>,
        %max3A_394 = arith.maximumf %gather3A_363, %gather3A_365 : vector<16xf32>
        %max3A_395 = arith.maximumf %gather3A_367, %gather3A_369 : vector<16xf32>
        %max3A_396 = arith.maximumf %gather3A_371, %gather3A_373 : vector<16xf32>
        %max3A_397 = arith.maximumf %gather3A_375, %gather3A_377 : vector<16xf32>
        %max3A_398 = arith.maximumf %gather3A_379, %gather3A_381 : vector<16xf32>
        %max3A_399 = arith.maximumf %gather3A_383, %gather3A_385 : vector<16xf32>
        %max3A_400 = arith.maximumf %gather3A_387, %gather3A_389 : vector<16xf32>
        %max3A_401 = arith.maximumf %gather3A_391, %gather3A_393 : vector<16xf32>
        %max3A_402 = arith.maximumf %max3A_394, %max3A_395 : vector<16xf32>
        %max3A_403 = arith.maximumf %max3A_396, %max3A_397 : vector<16xf32>
        %max3A_404 = arith.maximumf %max3A_398, %max3A_399 : vector<16xf32>
        %max3A_405 = arith.maximumf %max3A_400, %max3A_401 : vector<16xf32>
        %max3A_406 = arith.maximumf %max3A_402, %max3A_403 : vector<16xf32>
        %max3A_407 = arith.maximumf %max3A_404, %max3A_405 : vector<16xf32>
        %max3A_408 = arith.maximumf %max3A_406, %max3A_407 : vector<16xf32>
        %eq3A_409 = arith.cmpf oeq, %gather3A_363, %max3A_408 : vector<16xf32>
        %select_n3A_410 = arith.select %eq3A_409, %and3A_10, %broadcast_in_dim3A_102 : vector<16xi1>, vector<16xi32>
        %eq3A_411 = arith.cmpf oeq, %gather3A_365, %max3A_408 : vector<16xf32>
        %select_n3A_412 = arith.select %eq3A_411, %and3A_16, %broadcast_in_dim3A_102 : vector<16xi1>, vector<16xi32>
        %eq3A_413 = arith.cmpf oeq, %gather3A_367, %max3A_408 : vector<16xf32>
        %select_n3A_414 = arith.select %eq3A_413, %and3A_22, %broadcast_in_dim3A_102 : vector<16xi1>, vector<16xi32>
        %eq3A_415 = arith.cmpf oeq, %gather3A_369, %max3A_408 : vector<16xf32>
        %select_n3A_416 = arith.select %eq3A_415, %and3A_28, %broadcast_in_dim3A_102 : vector<16xi1>, vector<16xi32>
        %eq3A_417 = arith.cmpf oeq, %gather3A_371, %max3A_408 : vector<16xf32>
        %select_n3A_418 = arith.select %eq3A_417, %and3A_34, %broadcast_in_dim3A_102 : vector<16xi1>, vector<16xi32>
        %eq3A_419 = arith.cmpf oeq, %gather3A_373, %max3A_408 : vector<16xf32>
        %select_n3A_420 = arith.select %eq3A_419, %and3A_40, %broadcast_in_dim3A_102 : vector<16xi1>, vector<16xi32>
        %eq3A_421 = arith.cmpf oeq, %gather3A_375, %max3A_408 : vector<16xf32>
        %select_n3A_422 = arith.select %eq3A_421, %and3A_46, %broadcast_in_dim3A_102 : vector<16xi1>, vector<16xi32>
        %eq3A_423 = arith.cmpf oeq, %gather3A_377, %max3A_408 : vector<16xf32>
        %select_n3A_424 = arith.select %eq3A_423, %and3A_52, %broadcast_in_dim3A_102 : vector<16xi1>, vector<16xi32>
        %eq3A_425 = arith.cmpf oeq, %gather3A_379, %max3A_408 : vector<16xf32>
        %select_n3A_426 = arith.select %eq3A_425, %and3A_58, %broadcast_in_dim3A_102 : vector<16xi1>, vector<16xi32>
        %eq3A_427 = arith.cmpf oeq, %gather3A_381, %max3A_408 : vector<16xf32>
        %select_n3A_428 = arith.select %eq3A_427, %and3A_64, %broadcast_in_dim3A_102 : vector<16xi1>, vector<16xi32>
        %eq3A_429 = arith.cmpf oeq, %gather3A_383, %max3A_408 : vector<16xf32>
        %select_n3A_430 = arith.select %eq3A_429, %and3A_70, %broadcast_in_dim3A_102 : vector<16xi1>, vector<16xi32>
        %eq3A_431 = arith.cmpf oeq, %gather3A_385, %max3A_408 : vector<16xf32>
        %select_n3A_432 = arith.select %eq3A_431, %and3A_76, %broadcast_in_dim3A_102 : vector<16xi1>, vector<16xi32>
        %eq3A_433 = arith.cmpf oeq, %gather3A_387, %max3A_408 : vector<16xf32>
        %select_n3A_434 = arith.select %eq3A_433, %and3A_82, %broadcast_in_dim3A_102 : vector<16xi1>, vector<16xi32>
        %eq3A_435 = arith.cmpf oeq, %gather3A_389, %max3A_408 : vector<16xf32>
        %select_n3A_436 = arith.select %eq3A_435, %and3A_88, %broadcast_in_dim3A_102 : vector<16xi1>, vector<16xi32>
        %eq3A_437 = arith.cmpf oeq, %gather3A_391, %max3A_408 : vector<16xf32>
        %select_n3A_438 = arith.select %eq3A_437, %and3A_94, %broadcast_in_dim3A_102 : vector<16xi1>, vector<16xi32>
        %eq3A_439 = arith.cmpf oeq, %gather3A_393, %max3A_408 : vector<16xf32>
        %select_n3A_440 = arith.select %eq3A_439, %and3A_100, %broadcast_in_dim3A_102 : vector<16xi1>, vector<16xi32>
        %min3A_441 = arith.minsi %select_n3A_410, %select_n3A_412 : vector<16xi32>
        %min3A_442 = arith.minsi %select_n3A_414, %select_n3A_416 : vector<16xi32>
        %min3A_443 = arith.minsi %select_n3A_418, %select_n3A_420 : vector<16xi32>
        %min3A_444 = arith.minsi %select_n3A_422, %select_n3A_424 : vector<16xi32>
        %min3A_445 = arith.minsi %select_n3A_426, %select_n3A_428 : vector<16xi32>
        %min3A_446 = arith.minsi %select_n3A_430, %select_n3A_432 : vector<16xi32>
        %min3A_447 = arith.minsi %select_n3A_434, %select_n3A_436 : vector<16xi32>
        %min3A_448 = arith.minsi %select_n3A_438, %select_n3A_440 : vector<16xi32>
        %min3A_449 = arith.minsi %min3A_441, %min3A_442 : vector<16xi32>
        %min3A_450 = arith.minsi %min3A_443, %min3A_444 : vector<16xi32>
        %min3A_451 = arith.minsi %min3A_445, %min3A_446 : vector<16xi32>
        %min3A_452 = arith.minsi %min3A_447, %min3A_448 : vector<16xi32>
        %min3A_453 = arith.minsi %min3A_449, %min3A_450 : vector<16xi32>
        %min3A_454 = arith.minsi %min3A_451, %min3A_452 : vector<16xi32>
        %min3A_455 = arith.minsi %min3A_453, %min3A_454 : vector<16xi32>
        %shift_left3A = arith.constant 4 : i32
        %shift_left3A_456 = vector.broadcast %shift_left3A : i32 to vector<16xi32>
        %shift_left3A_457 = arith.shli %min3A_455, %shift_left3A_456 : vector<16xi32>
        %add3A_458 = arith.addi %min3A_358, %shift_left3A_457 : vector<16xi32>
        %add3A_459 = arith.constant 48 : i32
        %add3A_460 = vector.broadcast %add3A_459 : i32 to vector<16xi32>
        %add3A_461 = arith.addi %mul3A_254, %add3A_460 : vector<16xi32>
        %add3A_462 = arith.addi %add3A_461, %and3A_10 : vector<16xi32>
        %gather3A_463 = tpu.vector_load_idx %arg5[%add3A_462] : memref<16384xf32, #tpu.memory_space<vmem>>[vector<16xi32>], vector<16xf32>,
        %add3A_464 = arith.addi %add3A_461, %and3A_16 : vector<16xi32>
        %gather3A_465 = tpu.vector_load_idx %arg5[%add3A_464] : memref<16384xf32, #tpu.memory_space<vmem>>[vector<16xi32>], vector<16xf32>,
        %add3A_466 = arith.addi %add3A_461, %and3A_22 : vector<16xi32>
        %gather3A_467 = tpu.vector_load_idx %arg5[%add3A_466] : memref<16384xf32, #tpu.memory_space<vmem>>[vector<16xi32>], vector<16xf32>,
        %add3A_468 = arith.addi %add3A_461, %and3A_28 : vector<16xi32>
        %gather3A_469 = tpu.vector_load_idx %arg5[%add3A_468] : memref<16384xf32, #tpu.memory_space<vmem>>[vector<16xi32>], vector<16xf32>,
        %add3A_470 = arith.addi %add3A_461, %and3A_34 : vector<16xi32>
        %gather3A_471 = tpu.vector_load_idx %arg5[%add3A_470] : memref<16384xf32, #tpu.memory_space<vmem>>[vector<16xi32>], vector<16xf32>,
        %add3A_472 = arith.addi %add3A_461, %and3A_40 : vector<16xi32>
        %gather3A_473 = tpu.vector_load_idx %arg5[%add3A_472] : memref<16384xf32, #tpu.memory_space<vmem>>[vector<16xi32>], vector<16xf32>,
        %add3A_474 = arith.addi %add3A_461, %and3A_46 : vector<16xi32>
        %gather3A_475 = tpu.vector_load_idx %arg5[%add3A_474] : memref<16384xf32, #tpu.memory_space<vmem>>[vector<16xi32>], vector<16xf32>,
        %add3A_476 = arith.addi %add3A_461, %and3A_52 : vector<16xi32>
        %gather3A_477 = tpu.vector_load_idx %arg5[%add3A_476] : memref<16384xf32, #tpu.memory_space<vmem>>[vector<16xi32>], vector<16xf32>,
        %add3A_478 = arith.addi %add3A_461, %and3A_58 : vector<16xi32>
        %gather3A_479 = tpu.vector_load_idx %arg5[%add3A_478] : memref<16384xf32, #tpu.memory_space<vmem>>[vector<16xi32>], vector<16xf32>,
        %add3A_480 = arith.addi %add3A_461, %and3A_64 : vector<16xi32>
        %gather3A_481 = tpu.vector_load_idx %arg5[%add3A_480] : memref<16384xf32, #tpu.memory_space<vmem>>[vector<16xi32>], vector<16xf32>,
        %add3A_482 = arith.addi %add3A_461, %and3A_70 : vector<16xi32>
        %gather3A_483 = tpu.vector_load_idx %arg5[%add3A_482] : memref<16384xf32, #tpu.memory_space<vmem>>[vector<16xi32>], vector<16xf32>,
        %add3A_484 = arith.addi %add3A_461, %and3A_76 : vector<16xi32>
        %gather3A_485 = tpu.vector_load_idx %arg5[%add3A_484] : memref<16384xf32, #tpu.memory_space<vmem>>[vector<16xi32>], vector<16xf32>,
        %add3A_486 = arith.addi %add3A_461, %and3A_82 : vector<16xi32>
        %gather3A_487 = tpu.vector_load_idx %arg5[%add3A_486] : memref<16384xf32, #tpu.memory_space<vmem>>[vector<16xi32>], vector<16xf32>,
        %add3A_488 = arith.addi %add3A_461, %and3A_88 : vector<16xi32>
        %gather3A_489 = tpu.vector_load_idx %arg5[%add3A_488] : memref<16384xf32, #tpu.memory_space<vmem>>[vector<16xi32>], vector<16xf32>,
        %add3A_490 = arith.addi %add3A_461, %and3A_94 : vector<16xi32>
        %gather3A_491 = tpu.vector_load_idx %arg5[%add3A_490] : memref<16384xf32, #tpu.memory_space<vmem>>[vector<16xi32>], vector<16xf32>,
        %add3A_492 = arith.addi %add3A_461, %and3A_100 : vector<16xi32>
        %gather3A_493 = tpu.vector_load_idx %arg5[%add3A_492] : memref<16384xf32, #tpu.memory_space<vmem>>[vector<16xi32>], vector<16xf32>,
        %max3A_494 = arith.maximumf %gather3A_463, %gather3A_465 : vector<16xf32>
        %max3A_495 = arith.maximumf %gather3A_467, %gather3A_469 : vector<16xf32>
        %max3A_496 = arith.maximumf %gather3A_471, %gather3A_473 : vector<16xf32>
        %max3A_497 = arith.maximumf %gather3A_475, %gather3A_477 : vector<16xf32>
        %max3A_498 = arith.maximumf %gather3A_479, %gather3A_481 : vector<16xf32>
        %max3A_499 = arith.maximumf %gather3A_483, %gather3A_485 : vector<16xf32>
        %max3A_500 = arith.maximumf %gather3A_487, %gather3A_489 : vector<16xf32>
        %max3A_501 = arith.maximumf %gather3A_491, %gather3A_493 : vector<16xf32>
        %max3A_502 = arith.maximumf %max3A_494, %max3A_495 : vector<16xf32>
        %max3A_503 = arith.maximumf %max3A_496, %max3A_497 : vector<16xf32>
        %max3A_504 = arith.maximumf %max3A_498, %max3A_499 : vector<16xf32>
        %max3A_505 = arith.maximumf %max3A_500, %max3A_501 : vector<16xf32>
        %max3A_506 = arith.maximumf %max3A_502, %max3A_503 : vector<16xf32>
        %max3A_507 = arith.maximumf %max3A_504, %max3A_505 : vector<16xf32>
        %max3A_508 = arith.maximumf %max3A_506, %max3A_507 : vector<16xf32>
        %eq3A_509 = arith.cmpf oeq, %gather3A_463, %max3A_508 : vector<16xf32>
        %select_n3A_510 = arith.select %eq3A_509, %and3A_10, %broadcast_in_dim3A_102 : vector<16xi1>, vector<16xi32>
        %eq3A_511 = arith.cmpf oeq, %gather3A_465, %max3A_508 : vector<16xf32>
        %select_n3A_512 = arith.select %eq3A_511, %and3A_16, %broadcast_in_dim3A_102 : vector<16xi1>, vector<16xi32>
        %eq3A_513 = arith.cmpf oeq, %gather3A_467, %max3A_508 : vector<16xf32>
        %select_n3A_514 = arith.select %eq3A_513, %and3A_22, %broadcast_in_dim3A_102 : vector<16xi1>, vector<16xi32>
        %eq3A_515 = arith.cmpf oeq, %gather3A_469, %max3A_508 : vector<16xf32>
        %select_n3A_516 = arith.select %eq3A_515, %and3A_28, %broadcast_in_dim3A_102 : vector<16xi1>, vector<16xi32>
        %eq3A_517 = arith.cmpf oeq, %gather3A_471, %max3A_508 : vector<16xf32>
        %select_n3A_518 = arith.select %eq3A_517, %and3A_34, %broadcast_in_dim3A_102 : vector<16xi1>, vector<16xi32>
        %eq3A_519 = arith.cmpf oeq, %gather3A_473, %max3A_508 : vector<16xf32>
        %select_n3A_520 = arith.select %eq3A_519, %and3A_40, %broadcast_in_dim3A_102 : vector<16xi1>, vector<16xi32>
        %eq3A_521 = arith.cmpf oeq, %gather3A_475, %max3A_508 : vector<16xf32>
        %select_n3A_522 = arith.select %eq3A_521, %and3A_46, %broadcast_in_dim3A_102 : vector<16xi1>, vector<16xi32>
        %eq3A_523 = arith.cmpf oeq, %gather3A_477, %max3A_508 : vector<16xf32>
        %select_n3A_524 = arith.select %eq3A_523, %and3A_52, %broadcast_in_dim3A_102 : vector<16xi1>, vector<16xi32>
        %eq3A_525 = arith.cmpf oeq, %gather3A_479, %max3A_508 : vector<16xf32>
        %select_n3A_526 = arith.select %eq3A_525, %and3A_58, %broadcast_in_dim3A_102 : vector<16xi1>, vector<16xi32>
        %eq3A_527 = arith.cmpf oeq, %gather3A_481, %max3A_508 : vector<16xf32>
        %select_n3A_528 = arith.select %eq3A_527, %and3A_64, %broadcast_in_dim3A_102 : vector<16xi1>, vector<16xi32>
        %eq3A_529 = arith.cmpf oeq, %gather3A_483, %max3A_508 : vector<16xf32>
        %select_n3A_530 = arith.select %eq3A_529, %and3A_70, %broadcast_in_dim3A_102 : vector<16xi1>, vector<16xi32>
        %eq3A_531 = arith.cmpf oeq, %gather3A_485, %max3A_508 : vector<16xf32>
        %select_n3A_532 = arith.select %eq3A_531, %and3A_76, %broadcast_in_dim3A_102 : vector<16xi1>, vector<16xi32>
        %eq3A_533 = arith.cmpf oeq, %gather3A_487, %max3A_508 : vector<16xf32>
        %select_n3A_534 = arith.select %eq3A_533, %and3A_82, %broadcast_in_dim3A_102 : vector<16xi1>, vector<16xi32>
        %eq3A_535 = arith.cmpf oeq, %gather3A_489, %max3A_508 : vector<16xf32>
        %select_n3A_536 = arith.select %eq3A_535, %and3A_88, %broadcast_in_dim3A_102 : vector<16xi1>, vector<16xi32>
        %eq3A_537 = arith.cmpf oeq, %gather3A_491, %max3A_508 : vector<16xf32>
        %select_n3A_538 = arith.select %eq3A_537, %and3A_94, %broadcast_in_dim3A_102 : vector<16xi1>, vector<16xi32>
        %eq3A_539 = arith.cmpf oeq, %gather3A_493, %max3A_508 : vector<16xf32>
        %select_n3A_540 = arith.select %eq3A_539, %and3A_100, %broadcast_in_dim3A_102 : vector<16xi1>, vector<16xi32>
        %min3A_541 = arith.minsi %select_n3A_510, %select_n3A_512 : vector<16xi32>
        %min3A_542 = arith.minsi %select_n3A_514, %select_n3A_516 : vector<16xi32>
        %min3A_543 = arith.minsi %select_n3A_518, %select_n3A_520 : vector<16xi32>
        %min3A_544 = arith.minsi %select_n3A_522, %select_n3A_524 : vector<16xi32>
        %min3A_545 = arith.minsi %select_n3A_526, %select_n3A_528 : vector<16xi32>
        %min3A_546 = arith.minsi %select_n3A_530, %select_n3A_532 : vector<16xi32>
        %min3A_547 = arith.minsi %select_n3A_534, %select_n3A_536 : vector<16xi32>
        %min3A_548 = arith.minsi %select_n3A_538, %select_n3A_540 : vector<16xi32>
        %min3A_549 = arith.minsi %min3A_541, %min3A_542 : vector<16xi32>
        %min3A_550 = arith.minsi %min3A_543, %min3A_544 : vector<16xi32>
        %min3A_551 = arith.minsi %min3A_545, %min3A_546 : vector<16xi32>
        %min3A_552 = arith.minsi %min3A_547, %min3A_548 : vector<16xi32>
        %min3A_553 = arith.minsi %min3A_549, %min3A_550 : vector<16xi32>
        %min3A_554 = arith.minsi %min3A_551, %min3A_552 : vector<16xi32>
        %min3A_555 = arith.minsi %min3A_553, %min3A_554 : vector<16xi32>
        %add3A_556 = arith.constant 64 : i32
        %add3A_557 = vector.broadcast %add3A_556 : i32 to vector<16xi32>
        %add3A_558 = arith.addi %mul3A_254, %add3A_557 : vector<16xi32>
        %add3A_559 = arith.addi %add3A_558, %and3A_10 : vector<16xi32>
        %gather3A_560 = tpu.vector_load_idx %arg5[%add3A_559] : memref<16384xf32, #tpu.memory_space<vmem>>[vector<16xi32>], vector<16xf32>,
        %add3A_561 = arith.addi %add3A_558, %and3A_16 : vector<16xi32>
        %gather3A_562 = tpu.vector_load_idx %arg5[%add3A_561] : memref<16384xf32, #tpu.memory_space<vmem>>[vector<16xi32>], vector<16xf32>,
        %add3A_563 = arith.addi %add3A_558, %and3A_22 : vector<16xi32>
        %gather3A_564 = tpu.vector_load_idx %arg5[%add3A_563] : memref<16384xf32, #tpu.memory_space<vmem>>[vector<16xi32>], vector<16xf32>,
        %add3A_565 = arith.addi %add3A_558, %and3A_28 : vector<16xi32>
        %gather3A_566 = tpu.vector_load_idx %arg5[%add3A_565] : memref<16384xf32, #tpu.memory_space<vmem>>[vector<16xi32>], vector<16xf32>,
        %add3A_567 = arith.addi %add3A_558, %and3A_34 : vector<16xi32>
        %gather3A_568 = tpu.vector_load_idx %arg5[%add3A_567] : memref<16384xf32, #tpu.memory_space<vmem>>[vector<16xi32>], vector<16xf32>,
        %add3A_569 = arith.addi %add3A_558, %and3A_40 : vector<16xi32>
        %gather3A_570 = tpu.vector_load_idx %arg5[%add3A_569] : memref<16384xf32, #tpu.memory_space<vmem>>[vector<16xi32>], vector<16xf32>,
        %add3A_571 = arith.addi %add3A_558, %and3A_46 : vector<16xi32>
        %gather3A_572 = tpu.vector_load_idx %arg5[%add3A_571] : memref<16384xf32, #tpu.memory_space<vmem>>[vector<16xi32>], vector<16xf32>,
        %add3A_573 = arith.addi %add3A_558, %and3A_52 : vector<16xi32>
        %gather3A_574 = tpu.vector_load_idx %arg5[%add3A_573] : memref<16384xf32, #tpu.memory_space<vmem>>[vector<16xi32>], vector<16xf32>,
        %add3A_575 = arith.addi %add3A_558, %and3A_58 : vector<16xi32>
        %gather3A_576 = tpu.vector_load_idx %arg5[%add3A_575] : memref<16384xf32, #tpu.memory_space<vmem>>[vector<16xi32>], vector<16xf32>,
        %add3A_577 = arith.addi %add3A_558, %and3A_64 : vector<16xi32>
        %gather3A_578 = tpu.vector_load_idx %arg5[%add3A_577] : memref<16384xf32, #tpu.memory_space<vmem>>[vector<16xi32>], vector<16xf32>,
        %add3A_579 = arith.addi %add3A_558, %and3A_70 : vector<16xi32>
        %gather3A_580 = tpu.vector_load_idx %arg5[%add3A_579] : memref<16384xf32, #tpu.memory_space<vmem>>[vector<16xi32>], vector<16xf32>,
        %add3A_581 = arith.addi %add3A_558, %and3A_76 : vector<16xi32>
        %gather3A_582 = tpu.vector_load_idx %arg5[%add3A_581] : memref<16384xf32, #tpu.memory_space<vmem>>[vector<16xi32>], vector<16xf32>,
        %add3A_583 = arith.addi %add3A_558, %and3A_82 : vector<16xi32>
        %gather3A_584 = tpu.vector_load_idx %arg5[%add3A_583] : memref<16384xf32, #tpu.memory_space<vmem>>[vector<16xi32>], vector<16xf32>,
        %add3A_585 = arith.addi %add3A_558, %and3A_88 : vector<16xi32>
        %gather3A_586 = tpu.vector_load_idx %arg5[%add3A_585] : memref<16384xf32, #tpu.memory_space<vmem>>[vector<16xi32>], vector<16xf32>,
        %add3A_587 = arith.addi %add3A_558, %and3A_94 : vector<16xi32>
        %gather3A_588 = tpu.vector_load_idx %arg5[%add3A_587] : memref<16384xf32, #tpu.memory_space<vmem>>[vector<16xi32>], vector<16xf32>,
        %add3A_589 = arith.addi %add3A_558, %and3A_100 : vector<16xi32>
        %gather3A_590 = tpu.vector_load_idx %arg5[%add3A_589] : memref<16384xf32, #tpu.memory_space<vmem>>[vector<16xi32>], vector<16xf32>,
        %max3A_591 = arith.maximumf %gather3A_560, %gather3A_562 : vector<16xf32>
        %max3A_592 = arith.maximumf %gather3A_564, %gather3A_566 : vector<16xf32>
        %max3A_593 = arith.maximumf %gather3A_568, %gather3A_570 : vector<16xf32>
        %max3A_594 = arith.maximumf %gather3A_572, %gather3A_574 : vector<16xf32>
        %max3A_595 = arith.maximumf %gather3A_576, %gather3A_578 : vector<16xf32>
        %max3A_596 = arith.maximumf %gather3A_580, %gather3A_582 : vector<16xf32>
        %max3A_597 = arith.maximumf %gather3A_584, %gather3A_586 : vector<16xf32>
        %max3A_598 = arith.maximumf %gather3A_588, %gather3A_590 : vector<16xf32>
        %max3A_599 = arith.maximumf %max3A_591, %max3A_592 : vector<16xf32>
        %max3A_600 = arith.maximumf %max3A_593, %max3A_594 : vector<16xf32>
        %max3A_601 = arith.maximumf %max3A_595, %max3A_596 : vector<16xf32>
        %max3A_602 = arith.maximumf %max3A_597, %max3A_598 : vector<16xf32>
        %max3A_603 = arith.maximumf %max3A_599, %max3A_600 : vector<16xf32>
        %max3A_604 = arith.maximumf %max3A_601, %max3A_602 : vector<16xf32>
        %max3A_605 = arith.maximumf %max3A_603, %max3A_604 : vector<16xf32>
        %eq3A_606 = arith.cmpf oeq, %gather3A_560, %max3A_605 : vector<16xf32>
        %select_n3A_607 = arith.select %eq3A_606, %and3A_10, %broadcast_in_dim3A_102 : vector<16xi1>, vector<16xi32>
        %eq3A_608 = arith.cmpf oeq, %gather3A_562, %max3A_605 : vector<16xf32>
        %select_n3A_609 = arith.select %eq3A_608, %and3A_16, %broadcast_in_dim3A_102 : vector<16xi1>, vector<16xi32>
        %eq3A_610 = arith.cmpf oeq, %gather3A_564, %max3A_605 : vector<16xf32>
        %select_n3A_611 = arith.select %eq3A_610, %and3A_22, %broadcast_in_dim3A_102 : vector<16xi1>, vector<16xi32>
        %eq3A_612 = arith.cmpf oeq, %gather3A_566, %max3A_605 : vector<16xf32>
        %select_n3A_613 = arith.select %eq3A_612, %and3A_28, %broadcast_in_dim3A_102 : vector<16xi1>, vector<16xi32>
        %eq3A_614 = arith.cmpf oeq, %gather3A_568, %max3A_605 : vector<16xf32>
        %select_n3A_615 = arith.select %eq3A_614, %and3A_34, %broadcast_in_dim3A_102 : vector<16xi1>, vector<16xi32>
        %eq3A_616 = arith.cmpf oeq, %gather3A_570, %max3A_605 : vector<16xf32>
        %select_n3A_617 = arith.select %eq3A_616, %and3A_40, %broadcast_in_dim3A_102 : vector<16xi1>, vector<16xi32>
        %eq3A_618 = arith.cmpf oeq, %gather3A_572, %max3A_605 : vector<16xf32>
        %select_n3A_619 = arith.select %eq3A_618, %and3A_46, %broadcast_in_dim3A_102 : vector<16xi1>, vector<16xi32>
        %eq3A_620 = arith.cmpf oeq, %gather3A_574, %max3A_605 : vector<16xf32>
        %select_n3A_621 = arith.select %eq3A_620, %and3A_52, %broadcast_in_dim3A_102 : vector<16xi1>, vector<16xi32>
        %eq3A_622 = arith.cmpf oeq, %gather3A_576, %max3A_605 : vector<16xf32>
        %select_n3A_623 = arith.select %eq3A_622, %and3A_58, %broadcast_in_dim3A_102 : vector<16xi1>, vector<16xi32>
        %eq3A_624 = arith.cmpf oeq, %gather3A_578, %max3A_605 : vector<16xf32>
        %select_n3A_625 = arith.select %eq3A_624, %and3A_64, %broadcast_in_dim3A_102 : vector<16xi1>, vector<16xi32>
        %eq3A_626 = arith.cmpf oeq, %gather3A_580, %max3A_605 : vector<16xf32>
        %select_n3A_627 = arith.select %eq3A_626, %and3A_70, %broadcast_in_dim3A_102 : vector<16xi1>, vector<16xi32>
        %eq3A_628 = arith.cmpf oeq, %gather3A_582, %max3A_605 : vector<16xf32>
        %select_n3A_629 = arith.select %eq3A_628, %and3A_76, %broadcast_in_dim3A_102 : vector<16xi1>, vector<16xi32>
        %eq3A_630 = arith.cmpf oeq, %gather3A_584, %max3A_605 : vector<16xf32>
        %select_n3A_631 = arith.select %eq3A_630, %and3A_82, %broadcast_in_dim3A_102 : vector<16xi1>, vector<16xi32>
        %eq3A_632 = arith.cmpf oeq, %gather3A_586, %max3A_605 : vector<16xf32>
        %select_n3A_633 = arith.select %eq3A_632, %and3A_88, %broadcast_in_dim3A_102 : vector<16xi1>, vector<16xi32>
        %eq3A_634 = arith.cmpf oeq, %gather3A_588, %max3A_605 : vector<16xf32>
        %select_n3A_635 = arith.select %eq3A_634, %and3A_94, %broadcast_in_dim3A_102 : vector<16xi1>, vector<16xi32>
        %eq3A_636 = arith.cmpf oeq, %gather3A_590, %max3A_605 : vector<16xf32>
        %select_n3A_637 = arith.select %eq3A_636, %and3A_100, %broadcast_in_dim3A_102 : vector<16xi1>, vector<16xi32>
        %min3A_638 = arith.minsi %select_n3A_607, %select_n3A_609 : vector<16xi32>
        %min3A_639 = arith.minsi %select_n3A_611, %select_n3A_613 : vector<16xi32>
        %min3A_640 = arith.minsi %select_n3A_615, %select_n3A_617 : vector<16xi32>
        %min3A_641 = arith.minsi %select_n3A_619, %select_n3A_621 : vector<16xi32>
        %min3A_642 = arith.minsi %select_n3A_623, %select_n3A_625 : vector<16xi32>
        %min3A_643 = arith.minsi %select_n3A_627, %select_n3A_629 : vector<16xi32>
        %min3A_644 = arith.minsi %select_n3A_631, %select_n3A_633 : vector<16xi32>
        %min3A_645 = arith.minsi %select_n3A_635, %select_n3A_637 : vector<16xi32>
        %min3A_646 = arith.minsi %min3A_638, %min3A_639 : vector<16xi32>
        %min3A_647 = arith.minsi %min3A_640, %min3A_641 : vector<16xi32>
        %min3A_648 = arith.minsi %min3A_642, %min3A_643 : vector<16xi32>
        %min3A_649 = arith.minsi %min3A_644, %min3A_645 : vector<16xi32>
        %min3A_650 = arith.minsi %min3A_646, %min3A_647 : vector<16xi32>
        %min3A_651 = arith.minsi %min3A_648, %min3A_649 : vector<16xi32>
        %min3A_652 = arith.minsi %min3A_650, %min3A_651 : vector<16xi32>
        %shift_left3A_653 = arith.constant 4 : i32
        %shift_left3A_654 = vector.broadcast %shift_left3A_653 : i32 to vector<16xi32>
        %shift_left3A_655 = arith.shli %min3A_652, %shift_left3A_654 : vector<16xi32>
        %add3A_656 = arith.addi %min3A_555, %shift_left3A_655 : vector<16xi32>
        %mul3A_657 = arith.muli %add3A_458, %add3A_656 : vector<16xi32>
        %and3A_658 = arith.constant 255 : i32
        %and3A_659 = vector.broadcast %and3A_658 : i32 to vector<16xi32>
        %and3A_660 = arith.andi %mul3A_657, %and3A_659 : vector<16xi32>
        %add3A_661 = arith.constant 80 : i32
        %add3A_662 = vector.broadcast %add3A_661 : i32 to vector<16xi32>
        %add3A_663 = arith.addi %mul3A_254, %add3A_662 : vector<16xi32>
        %and3A_664 = arith.constant 15 : i32
        %and3A_665 = vector.broadcast %and3A_664 : i32 to vector<16xi32>
        %and3A_666 = arith.andi %and3A_660, %and3A_665 : vector<16xi32>
        %add3A_667 = arith.addi %add3A_663, %and3A_666 : vector<16xi32>
        tpu.vector_store_idx %arg5[%add3A_667], %broadcast_in_dim3A_5 masked %and3A_265 {add = true} : memref<16384xf32, #tpu.memory_space<vmem>>[vector<16xi32>], vector<16xf32>, vector<16xi1>
        %add3A_668 = arith.constant 96 : i32
        %add3A_669 = vector.broadcast %add3A_668 : i32 to vector<16xi32>
        %add3A_670 = arith.addi %mul3A_254, %add3A_669 : vector<16xi32>
        %shift_right_arithmetic3A = arith.constant 4 : i32
        %shift_right_arithmetic3A_671 = vector.broadcast %shift_right_arithmetic3A : i32 to vector<16xi32>
        %shift_right_arithmetic3A_672 = arith.shrsi %and3A_660, %shift_right_arithmetic3A_671 : vector<16xi32>
        %add3A_673 = arith.addi %add3A_670, %shift_right_arithmetic3A_672 : vector<16xi32>
        tpu.vector_store_idx %arg5[%add3A_673], %broadcast_in_dim3A_5 masked %and3A_265 {add = true} : memref<16384xf32, #tpu.memory_space<vmem>>[vector<16xi32>], vector<16xf32>, vector<16xi1>
      }
      %scan3A_177 = arith.constant 8 : i32
      %mul3A_178 = arith.constant 16384 : i32
      %mul3A_179 = arith.muli %add3A_154, %mul3A_178 : i32
      %add3A_180 = arith.addi %mul3A_4, %mul3A_179 : i32
      %dma_start3A_181 = tpu.memref_slice %arg3[%add3A_180] : memref<33554432xf32, #tpu.memory_space<hbm>> -> memref<16384xf32, #tpu.memory_space<hbm>>
      %dma_start3A_182 = tpu.memref_slice %arg3[%add3A_180] : memref<33554432xf32, #tpu.memory_space<hbm>> -> memref<16384xf32, #tpu.memory_space<hbm>>
      tpu.enqueue_dma source(%arg5 : memref<16384xf32, #tpu.memory_space<vmem>>) target(%dma_start3A_182 : memref<16384xf32, #tpu.memory_space<hbm>>) target_semaphore(%arg13 : memref<!tpu.dma_semaphore, #tpu.memory_space<semaphore_mem>>)
      %mul3A_183 = arith.constant 4 : i32
      %mul3A_184 = arith.muli %scan3A_122, %mul3A_183 : i32
      %add3A_185 = arith.constant 2 : i32
      %add3A_186 = arith.addi %mul3A_184, %add3A_185 : i32
      %mul3A_187 = arith.constant 16384 : i32
      %mul3A_188 = arith.muli %add3A_186, %mul3A_187 : i32
      %add3A_189 = arith.addi %mul3A_4, %mul3A_188 : i32
      %dma_wait3A_190 = tpu.memref_slice %arg2[%add3A_189] : memref<33554432xf32, #tpu.memory_space<hbm>> -> memref<16384xf32, #tpu.memory_space<hbm>>
      %dma_wait3A_191 = tpu.memref_slice %arg2[%add3A_189] : memref<33554432xf32, #tpu.memory_space<hbm>> -> memref<16384xf32, #tpu.memory_space<hbm>>
      tpu.wait_dma2 semaphore(%arg10 : memref<!tpu.dma_semaphore, #tpu.memory_space<semaphore_mem>>) src(%dma_wait3A_191 : memref<16384xf32, #tpu.memory_space<hbm>>) dst(%arg6 : memref<16384xf32, #tpu.memory_space<vmem>>)
      %ge3A_192 = arith.constant 2 : i32
      %ge3A_193 = arith.cmpi sge, %add3A_186, %ge3A_192 : i32
      %convert_element_type3A_194 = arith.extui %ge3A_193 : i1 to i32
      %cond3A_195 = arith.constant 0 : i32
      %cond3A_196 = arith.cmpi ne, %convert_element_type3A_194, %cond3A_195 : i32
      scf.if %cond3A_196 {
        %sub3A = arith.constant 2 : i32
        %sub3A_247 = arith.subi %add3A_186, %sub3A : i32
        %mul3A_248 = arith.constant 16384 : i32
        %mul3A_249 = arith.muli %sub3A_247, %mul3A_248 : i32
        %add3A_250 = arith.addi %mul3A_4, %mul3A_249 : i32
        %dma_wait3A_251 = tpu.memref_slice %arg3[%add3A_250] : memref<33554432xf32, #tpu.memory_space<hbm>> -> memref<16384xf32, #tpu.memory_space<hbm>>
        %dma_wait3A_252 = tpu.memref_slice %arg3[%add3A_250] : memref<33554432xf32, #tpu.memory_space<hbm>> -> memref<16384xf32, #tpu.memory_space<hbm>>
        tpu.wait_dma2 semaphore(%arg12 : memref<!tpu.dma_semaphore, #tpu.memory_space<semaphore_mem>>) src(%arg4 : memref<16384xf32, #tpu.memory_space<vmem>>) dst(%dma_wait3A_252 : memref<16384xf32, #tpu.memory_space<hbm>>)
      } else {
      }
      %add3A_197 = arith.constant 2 : i32
      %add3A_198 = arith.addi %add3A_186, %add3A_197 : i32
      %lt3A_199 = arith.constant 64 : i32
      %lt3A_200 = arith.cmpi slt, %add3A_198, %lt3A_199 : i32
      %convert_element_type3A_201 = arith.extui %lt3A_200 : i1 to i32
      %cond3A_202 = arith.constant 0 : i32
      %cond3A_203 = arith.cmpi ne, %convert_element_type3A_201, %cond3A_202 : i32
      scf.if %cond3A_203 {
        %add3A_247 = arith.constant 2 : i32
        %add3A_248 = arith.addi %add3A_186, %add3A_247 : i32
        %mul3A_249 = arith.constant 16384 : i32
        %mul3A_250 = arith.muli %add3A_248, %mul3A_249 : i32
        %add3A_251 = arith.addi %mul3A_4, %mul3A_250 : i32
        %dma_start3A_252 = tpu.memref_slice %arg2[%add3A_251] : memref<33554432xf32, #tpu.memory_space<hbm>> -> memref<16384xf32, #tpu.memory_space<hbm>>
        %dma_start3A_253 = tpu.memref_slice %arg2[%add3A_251] : memref<33554432xf32, #tpu.memory_space<hbm>> -> memref<16384xf32, #tpu.memory_space<hbm>>
        tpu.enqueue_dma source(%dma_start3A_253 : memref<16384xf32, #tpu.memory_space<hbm>>) target(%arg4 : memref<16384xf32, #tpu.memory_space<vmem>>) target_semaphore(%arg8 : memref<!tpu.dma_semaphore, #tpu.memory_space<semaphore_mem>>)
      } else {
      }
      %scan3A_204 = arith.constant 0 : i32
      %scan3A_205 = arith.constant 0 : i32
      %scan3A_206 = arith.constant 8 : i32
      %scan3A_207 = arith.addi %scan3A_205, %scan3A_206 : i32
      %scan3A_208 = arith.constant 1 : i32
      scf.for %scan3A_247 = %scan3A_205 to %scan3A_207 step %scan3A_208  : i32 {
        %mul3A_248 = arith.constant 16 : i32
        %mul3A_249 = arith.muli %scan3A_247, %mul3A_248 : i32
        %add3A_250 = vector.broadcast %mul3A_249 : i32 to vector<16xi32>
        %add3A_251 = arith.addi %iota3A, %add3A_250 : vector<16xi32>
        %mul3A_252 = arith.constant 128 : i32
        %mul3A_253 = vector.broadcast %mul3A_252 : i32 to vector<16xi32>
        %mul3A_254 = arith.muli %add3A_251, %mul3A_253 : vector<16xi32>
        %gather3A = tpu.vector_load_idx %arg6[%mul3A_254] : memref<16384xf32, #tpu.memory_space<vmem>>[vector<16xi32>], vector<16xf32>,
        %add3A_255 = arith.constant 1 : i32
        %add3A_256 = vector.broadcast %add3A_255 : i32 to vector<16xi32>
        %add3A_257 = arith.addi %mul3A_254, %add3A_256 : vector<16xi32>
        %gather3A_258 = tpu.vector_load_idx %arg6[%add3A_257] : memref<16384xf32, #tpu.memory_space<vmem>>[vector<16xi32>], vector<16xf32>,
        %ge3A_259 = arith.constant 5.000000e-01 : f32
        %ge3A_260 = vector.broadcast %ge3A_259 : f32 to vector<16xf32>
        %ge3A_261 = arith.cmpf oge, %gather3A, %ge3A_260 : vector<16xf32>
        %ge3A_262 = arith.constant 5.000000e-01 : f32
        %ge3A_263 = vector.broadcast %ge3A_262 : f32 to vector<16xf32>
        %ge3A_264 = arith.cmpf oge, %gather3A_258, %ge3A_263 : vector<16xf32>
        %and3A_265 = arith.andi %ge3A_261, %ge3A_264 : vector<16xi1>
        %add3A_266 = arith.constant 16 : i32
        %add3A_267 = vector.broadcast %add3A_266 : i32 to vector<16xi32>
        %add3A_268 = arith.addi %mul3A_254, %add3A_267 : vector<16xi32>
        %add3A_269 = arith.addi %add3A_268, %and3A_10 : vector<16xi32>
        %gather3A_270 = tpu.vector_load_idx %arg6[%add3A_269] : memref<16384xf32, #tpu.memory_space<vmem>>[vector<16xi32>], vector<16xf32>,
        %add3A_271 = arith.addi %add3A_268, %and3A_16 : vector<16xi32>
        %gather3A_272 = tpu.vector_load_idx %arg6[%add3A_271] : memref<16384xf32, #tpu.memory_space<vmem>>[vector<16xi32>], vector<16xf32>,
        %add3A_273 = arith.addi %add3A_268, %and3A_22 : vector<16xi32>
        %gather3A_274 = tpu.vector_load_idx %arg6[%add3A_273] : memref<16384xf32, #tpu.memory_space<vmem>>[vector<16xi32>], vector<16xf32>,
        %add3A_275 = arith.addi %add3A_268, %and3A_28 : vector<16xi32>
        %gather3A_276 = tpu.vector_load_idx %arg6[%add3A_275] : memref<16384xf32, #tpu.memory_space<vmem>>[vector<16xi32>], vector<16xf32>,
        %add3A_277 = arith.addi %add3A_268, %and3A_34 : vector<16xi32>
        %gather3A_278 = tpu.vector_load_idx %arg6[%add3A_277] : memref<16384xf32, #tpu.memory_space<vmem>>[vector<16xi32>], vector<16xf32>,
        %add3A_279 = arith.addi %add3A_268, %and3A_40 : vector<16xi32>
        %gather3A_280 = tpu.vector_load_idx %arg6[%add3A_279] : memref<16384xf32, #tpu.memory_space<vmem>>[vector<16xi32>], vector<16xf32>,
        %add3A_281 = arith.addi %add3A_268, %and3A_46 : vector<16xi32>
        %gather3A_282 = tpu.vector_load_idx %arg6[%add3A_281] : memref<16384xf32, #tpu.memory_space<vmem>>[vector<16xi32>], vector<16xf32>,
        %add3A_283 = arith.addi %add3A_268, %and3A_52 : vector<16xi32>
        %gather3A_284 = tpu.vector_load_idx %arg6[%add3A_283] : memref<16384xf32, #tpu.memory_space<vmem>>[vector<16xi32>], vector<16xf32>,
        %add3A_285 = arith.addi %add3A_268, %and3A_58 : vector<16xi32>
        %gather3A_286 = tpu.vector_load_idx %arg6[%add3A_285] : memref<16384xf32, #tpu.memory_space<vmem>>[vector<16xi32>], vector<16xf32>,
        %add3A_287 = arith.addi %add3A_268, %and3A_64 : vector<16xi32>
        %gather3A_288 = tpu.vector_load_idx %arg6[%add3A_287] : memref<16384xf32, #tpu.memory_space<vmem>>[vector<16xi32>], vector<16xf32>,
        %add3A_289 = arith.addi %add3A_268, %and3A_70 : vector<16xi32>
        %gather3A_290 = tpu.vector_load_idx %arg6[%add3A_289] : memref<16384xf32, #tpu.memory_space<vmem>>[vector<16xi32>], vector<16xf32>,
        %add3A_291 = arith.addi %add3A_268, %and3A_76 : vector<16xi32>
        %gather3A_292 = tpu.vector_load_idx %arg6[%add3A_291] : memref<16384xf32, #tpu.memory_space<vmem>>[vector<16xi32>], vector<16xf32>,
        %add3A_293 = arith.addi %add3A_268, %and3A_82 : vector<16xi32>
        %gather3A_294 = tpu.vector_load_idx %arg6[%add3A_293] : memref<16384xf32, #tpu.memory_space<vmem>>[vector<16xi32>], vector<16xf32>,
        %add3A_295 = arith.addi %add3A_268, %and3A_88 : vector<16xi32>
        %gather3A_296 = tpu.vector_load_idx %arg6[%add3A_295] : memref<16384xf32, #tpu.memory_space<vmem>>[vector<16xi32>], vector<16xf32>,
        %add3A_297 = arith.addi %add3A_268, %and3A_94 : vector<16xi32>
        %gather3A_298 = tpu.vector_load_idx %arg6[%add3A_297] : memref<16384xf32, #tpu.memory_space<vmem>>[vector<16xi32>], vector<16xf32>,
        %add3A_299 = arith.addi %add3A_268, %and3A_100 : vector<16xi32>
        %gather3A_300 = tpu.vector_load_idx %arg6[%add3A_299] : memref<16384xf32, #tpu.memory_space<vmem>>[vector<16xi32>], vector<16xf32>,
        %max3A = arith.maximumf %gather3A_270, %gather3A_272 : vector<16xf32>
        %max3A_301 = arith.maximumf %gather3A_274, %gather3A_276 : vector<16xf32>
        %max3A_302 = arith.maximumf %gather3A_278, %gather3A_280 : vector<16xf32>
        %max3A_303 = arith.maximumf %gather3A_282, %gather3A_284 : vector<16xf32>
        %max3A_304 = arith.maximumf %gather3A_286, %gather3A_288 : vector<16xf32>
        %max3A_305 = arith.maximumf %gather3A_290, %gather3A_292 : vector<16xf32>
        %max3A_306 = arith.maximumf %gather3A_294, %gather3A_296 : vector<16xf32>
        %max3A_307 = arith.maximumf %gather3A_298, %gather3A_300 : vector<16xf32>
        %max3A_308 = arith.maximumf %max3A, %max3A_301 : vector<16xf32>
        %max3A_309 = arith.maximumf %max3A_302, %max3A_303 : vector<16xf32>
        %max3A_310 = arith.maximumf %max3A_304, %max3A_305 : vector<16xf32>
        %max3A_311 = arith.maximumf %max3A_306, %max3A_307 : vector<16xf32>
        %max3A_312 = arith.maximumf %max3A_308, %max3A_309 : vector<16xf32>
        %max3A_313 = arith.maximumf %max3A_310, %max3A_311 : vector<16xf32>
        %max3A_314 = arith.maximumf %max3A_312, %max3A_313 : vector<16xf32>
        %eq3A = arith.cmpf oeq, %gather3A_270, %max3A_314 : vector<16xf32>
        %select_n3A = arith.select %eq3A, %and3A_10, %broadcast_in_dim3A_102 : vector<16xi1>, vector<16xi32>
        %eq3A_315 = arith.cmpf oeq, %gather3A_272, %max3A_314 : vector<16xf32>
        %select_n3A_316 = arith.select %eq3A_315, %and3A_16, %broadcast_in_dim3A_102 : vector<16xi1>, vector<16xi32>
        %eq3A_317 = arith.cmpf oeq, %gather3A_274, %max3A_314 : vector<16xf32>
        %select_n3A_318 = arith.select %eq3A_317, %and3A_22, %broadcast_in_dim3A_102 : vector<16xi1>, vector<16xi32>
        %eq3A_319 = arith.cmpf oeq, %gather3A_276, %max3A_314 : vector<16xf32>
        %select_n3A_320 = arith.select %eq3A_319, %and3A_28, %broadcast_in_dim3A_102 : vector<16xi1>, vector<16xi32>
        %eq3A_321 = arith.cmpf oeq, %gather3A_278, %max3A_314 : vector<16xf32>
        %select_n3A_322 = arith.select %eq3A_321, %and3A_34, %broadcast_in_dim3A_102 : vector<16xi1>, vector<16xi32>
        %eq3A_323 = arith.cmpf oeq, %gather3A_280, %max3A_314 : vector<16xf32>
        %select_n3A_324 = arith.select %eq3A_323, %and3A_40, %broadcast_in_dim3A_102 : vector<16xi1>, vector<16xi32>
        %eq3A_325 = arith.cmpf oeq, %gather3A_282, %max3A_314 : vector<16xf32>
        %select_n3A_326 = arith.select %eq3A_325, %and3A_46, %broadcast_in_dim3A_102 : vector<16xi1>, vector<16xi32>
        %eq3A_327 = arith.cmpf oeq, %gather3A_284, %max3A_314 : vector<16xf32>
        %select_n3A_328 = arith.select %eq3A_327, %and3A_52, %broadcast_in_dim3A_102 : vector<16xi1>, vector<16xi32>
        %eq3A_329 = arith.cmpf oeq, %gather3A_286, %max3A_314 : vector<16xf32>
        %select_n3A_330 = arith.select %eq3A_329, %and3A_58, %broadcast_in_dim3A_102 : vector<16xi1>, vector<16xi32>
        %eq3A_331 = arith.cmpf oeq, %gather3A_288, %max3A_314 : vector<16xf32>
        %select_n3A_332 = arith.select %eq3A_331, %and3A_64, %broadcast_in_dim3A_102 : vector<16xi1>, vector<16xi32>
        %eq3A_333 = arith.cmpf oeq, %gather3A_290, %max3A_314 : vector<16xf32>
        %select_n3A_334 = arith.select %eq3A_333, %and3A_70, %broadcast_in_dim3A_102 : vector<16xi1>, vector<16xi32>
        %eq3A_335 = arith.cmpf oeq, %gather3A_292, %max3A_314 : vector<16xf32>
        %select_n3A_336 = arith.select %eq3A_335, %and3A_76, %broadcast_in_dim3A_102 : vector<16xi1>, vector<16xi32>
        %eq3A_337 = arith.cmpf oeq, %gather3A_294, %max3A_314 : vector<16xf32>
        %select_n3A_338 = arith.select %eq3A_337, %and3A_82, %broadcast_in_dim3A_102 : vector<16xi1>, vector<16xi32>
        %eq3A_339 = arith.cmpf oeq, %gather3A_296, %max3A_314 : vector<16xf32>
        %select_n3A_340 = arith.select %eq3A_339, %and3A_88, %broadcast_in_dim3A_102 : vector<16xi1>, vector<16xi32>
        %eq3A_341 = arith.cmpf oeq, %gather3A_298, %max3A_314 : vector<16xf32>
        %select_n3A_342 = arith.select %eq3A_341, %and3A_94, %broadcast_in_dim3A_102 : vector<16xi1>, vector<16xi32>
        %eq3A_343 = arith.cmpf oeq, %gather3A_300, %max3A_314 : vector<16xf32>
        %select_n3A_344 = arith.select %eq3A_343, %and3A_100, %broadcast_in_dim3A_102 : vector<16xi1>, vector<16xi32>
        %min3A = arith.minsi %select_n3A, %select_n3A_316 : vector<16xi32>
        %min3A_345 = arith.minsi %select_n3A_318, %select_n3A_320 : vector<16xi32>
        %min3A_346 = arith.minsi %select_n3A_322, %select_n3A_324 : vector<16xi32>
        %min3A_347 = arith.minsi %select_n3A_326, %select_n3A_328 : vector<16xi32>
        %min3A_348 = arith.minsi %select_n3A_330, %select_n3A_332 : vector<16xi32>
        %min3A_349 = arith.minsi %select_n3A_334, %select_n3A_336 : vector<16xi32>
        %min3A_350 = arith.minsi %select_n3A_338, %select_n3A_340 : vector<16xi32>
        %min3A_351 = arith.minsi %select_n3A_342, %select_n3A_344 : vector<16xi32>
        %min3A_352 = arith.minsi %min3A, %min3A_345 : vector<16xi32>
        %min3A_353 = arith.minsi %min3A_346, %min3A_347 : vector<16xi32>
        %min3A_354 = arith.minsi %min3A_348, %min3A_349 : vector<16xi32>
        %min3A_355 = arith.minsi %min3A_350, %min3A_351 : vector<16xi32>
        %min3A_356 = arith.minsi %min3A_352, %min3A_353 : vector<16xi32>
        %min3A_357 = arith.minsi %min3A_354, %min3A_355 : vector<16xi32>
        %min3A_358 = arith.minsi %min3A_356, %min3A_357 : vector<16xi32>
        %add3A_359 = arith.constant 32 : i32
        %add3A_360 = vector.broadcast %add3A_359 : i32 to vector<16xi32>
        %add3A_361 = arith.addi %mul3A_254, %add3A_360 : vector<16xi32>
        %add3A_362 = arith.addi %add3A_361, %and3A_10 : vector<16xi32>
        %gather3A_363 = tpu.vector_load_idx %arg6[%add3A_362] : memref<16384xf32, #tpu.memory_space<vmem>>[vector<16xi32>], vector<16xf32>,
        %add3A_364 = arith.addi %add3A_361, %and3A_16 : vector<16xi32>
        %gather3A_365 = tpu.vector_load_idx %arg6[%add3A_364] : memref<16384xf32, #tpu.memory_space<vmem>>[vector<16xi32>], vector<16xf32>,
        %add3A_366 = arith.addi %add3A_361, %and3A_22 : vector<16xi32>
        %gather3A_367 = tpu.vector_load_idx %arg6[%add3A_366] : memref<16384xf32, #tpu.memory_space<vmem>>[vector<16xi32>], vector<16xf32>,
        %add3A_368 = arith.addi %add3A_361, %and3A_28 : vector<16xi32>
        %gather3A_369 = tpu.vector_load_idx %arg6[%add3A_368] : memref<16384xf32, #tpu.memory_space<vmem>>[vector<16xi32>], vector<16xf32>,
        %add3A_370 = arith.addi %add3A_361, %and3A_34 : vector<16xi32>
        %gather3A_371 = tpu.vector_load_idx %arg6[%add3A_370] : memref<16384xf32, #tpu.memory_space<vmem>>[vector<16xi32>], vector<16xf32>,
        %add3A_372 = arith.addi %add3A_361, %and3A_40 : vector<16xi32>
        %gather3A_373 = tpu.vector_load_idx %arg6[%add3A_372] : memref<16384xf32, #tpu.memory_space<vmem>>[vector<16xi32>], vector<16xf32>,
        %add3A_374 = arith.addi %add3A_361, %and3A_46 : vector<16xi32>
        %gather3A_375 = tpu.vector_load_idx %arg6[%add3A_374] : memref<16384xf32, #tpu.memory_space<vmem>>[vector<16xi32>], vector<16xf32>,
        %add3A_376 = arith.addi %add3A_361, %and3A_52 : vector<16xi32>
        %gather3A_377 = tpu.vector_load_idx %arg6[%add3A_376] : memref<16384xf32, #tpu.memory_space<vmem>>[vector<16xi32>], vector<16xf32>,
        %add3A_378 = arith.addi %add3A_361, %and3A_58 : vector<16xi32>
        %gather3A_379 = tpu.vector_load_idx %arg6[%add3A_378] : memref<16384xf32, #tpu.memory_space<vmem>>[vector<16xi32>], vector<16xf32>,
        %add3A_380 = arith.addi %add3A_361, %and3A_64 : vector<16xi32>
        %gather3A_381 = tpu.vector_load_idx %arg6[%add3A_380] : memref<16384xf32, #tpu.memory_space<vmem>>[vector<16xi32>], vector<16xf32>,
        %add3A_382 = arith.addi %add3A_361, %and3A_70 : vector<16xi32>
        %gather3A_383 = tpu.vector_load_idx %arg6[%add3A_382] : memref<16384xf32, #tpu.memory_space<vmem>>[vector<16xi32>], vector<16xf32>,
        %add3A_384 = arith.addi %add3A_361, %and3A_76 : vector<16xi32>
        %gather3A_385 = tpu.vector_load_idx %arg6[%add3A_384] : memref<16384xf32, #tpu.memory_space<vmem>>[vector<16xi32>], vector<16xf32>,
        %add3A_386 = arith.addi %add3A_361, %and3A_82 : vector<16xi32>
        %gather3A_387 = tpu.vector_load_idx %arg6[%add3A_386] : memref<16384xf32, #tpu.memory_space<vmem>>[vector<16xi32>], vector<16xf32>,
        %add3A_388 = arith.addi %add3A_361, %and3A_88 : vector<16xi32>
        %gather3A_389 = tpu.vector_load_idx %arg6[%add3A_388] : memref<16384xf32, #tpu.memory_space<vmem>>[vector<16xi32>], vector<16xf32>,
        %add3A_390 = arith.addi %add3A_361, %and3A_94 : vector<16xi32>
        %gather3A_391 = tpu.vector_load_idx %arg6[%add3A_390] : memref<16384xf32, #tpu.memory_space<vmem>>[vector<16xi32>], vector<16xf32>,
        %add3A_392 = arith.addi %add3A_361, %and3A_100 : vector<16xi32>
        %gather3A_393 = tpu.vector_load_idx %arg6[%add3A_392] : memref<16384xf32, #tpu.memory_space<vmem>>[vector<16xi32>], vector<16xf32>,
        %max3A_394 = arith.maximumf %gather3A_363, %gather3A_365 : vector<16xf32>
        %max3A_395 = arith.maximumf %gather3A_367, %gather3A_369 : vector<16xf32>
        %max3A_396 = arith.maximumf %gather3A_371, %gather3A_373 : vector<16xf32>
        %max3A_397 = arith.maximumf %gather3A_375, %gather3A_377 : vector<16xf32>
        %max3A_398 = arith.maximumf %gather3A_379, %gather3A_381 : vector<16xf32>
        %max3A_399 = arith.maximumf %gather3A_383, %gather3A_385 : vector<16xf32>
        %max3A_400 = arith.maximumf %gather3A_387, %gather3A_389 : vector<16xf32>
        %max3A_401 = arith.maximumf %gather3A_391, %gather3A_393 : vector<16xf32>
        %max3A_402 = arith.maximumf %max3A_394, %max3A_395 : vector<16xf32>
        %max3A_403 = arith.maximumf %max3A_396, %max3A_397 : vector<16xf32>
        %max3A_404 = arith.maximumf %max3A_398, %max3A_399 : vector<16xf32>
        %max3A_405 = arith.maximumf %max3A_400, %max3A_401 : vector<16xf32>
        %max3A_406 = arith.maximumf %max3A_402, %max3A_403 : vector<16xf32>
        %max3A_407 = arith.maximumf %max3A_404, %max3A_405 : vector<16xf32>
        %max3A_408 = arith.maximumf %max3A_406, %max3A_407 : vector<16xf32>
        %eq3A_409 = arith.cmpf oeq, %gather3A_363, %max3A_408 : vector<16xf32>
        %select_n3A_410 = arith.select %eq3A_409, %and3A_10, %broadcast_in_dim3A_102 : vector<16xi1>, vector<16xi32>
        %eq3A_411 = arith.cmpf oeq, %gather3A_365, %max3A_408 : vector<16xf32>
        %select_n3A_412 = arith.select %eq3A_411, %and3A_16, %broadcast_in_dim3A_102 : vector<16xi1>, vector<16xi32>
        %eq3A_413 = arith.cmpf oeq, %gather3A_367, %max3A_408 : vector<16xf32>
        %select_n3A_414 = arith.select %eq3A_413, %and3A_22, %broadcast_in_dim3A_102 : vector<16xi1>, vector<16xi32>
        %eq3A_415 = arith.cmpf oeq, %gather3A_369, %max3A_408 : vector<16xf32>
        %select_n3A_416 = arith.select %eq3A_415, %and3A_28, %broadcast_in_dim3A_102 : vector<16xi1>, vector<16xi32>
        %eq3A_417 = arith.cmpf oeq, %gather3A_371, %max3A_408 : vector<16xf32>
        %select_n3A_418 = arith.select %eq3A_417, %and3A_34, %broadcast_in_dim3A_102 : vector<16xi1>, vector<16xi32>
        %eq3A_419 = arith.cmpf oeq, %gather3A_373, %max3A_408 : vector<16xf32>
        %select_n3A_420 = arith.select %eq3A_419, %and3A_40, %broadcast_in_dim3A_102 : vector<16xi1>, vector<16xi32>
        %eq3A_421 = arith.cmpf oeq, %gather3A_375, %max3A_408 : vector<16xf32>
        %select_n3A_422 = arith.select %eq3A_421, %and3A_46, %broadcast_in_dim3A_102 : vector<16xi1>, vector<16xi32>
        %eq3A_423 = arith.cmpf oeq, %gather3A_377, %max3A_408 : vector<16xf32>
        %select_n3A_424 = arith.select %eq3A_423, %and3A_52, %broadcast_in_dim3A_102 : vector<16xi1>, vector<16xi32>
        %eq3A_425 = arith.cmpf oeq, %gather3A_379, %max3A_408 : vector<16xf32>
        %select_n3A_426 = arith.select %eq3A_425, %and3A_58, %broadcast_in_dim3A_102 : vector<16xi1>, vector<16xi32>
        %eq3A_427 = arith.cmpf oeq, %gather3A_381, %max3A_408 : vector<16xf32>
        %select_n3A_428 = arith.select %eq3A_427, %and3A_64, %broadcast_in_dim3A_102 : vector<16xi1>, vector<16xi32>
        %eq3A_429 = arith.cmpf oeq, %gather3A_383, %max3A_408 : vector<16xf32>
        %select_n3A_430 = arith.select %eq3A_429, %and3A_70, %broadcast_in_dim3A_102 : vector<16xi1>, vector<16xi32>
        %eq3A_431 = arith.cmpf oeq, %gather3A_385, %max3A_408 : vector<16xf32>
        %select_n3A_432 = arith.select %eq3A_431, %and3A_76, %broadcast_in_dim3A_102 : vector<16xi1>, vector<16xi32>
        %eq3A_433 = arith.cmpf oeq, %gather3A_387, %max3A_408 : vector<16xf32>
        %select_n3A_434 = arith.select %eq3A_433, %and3A_82, %broadcast_in_dim3A_102 : vector<16xi1>, vector<16xi32>
        %eq3A_435 = arith.cmpf oeq, %gather3A_389, %max3A_408 : vector<16xf32>
        %select_n3A_436 = arith.select %eq3A_435, %and3A_88, %broadcast_in_dim3A_102 : vector<16xi1>, vector<16xi32>
        %eq3A_437 = arith.cmpf oeq, %gather3A_391, %max3A_408 : vector<16xf32>
        %select_n3A_438 = arith.select %eq3A_437, %and3A_94, %broadcast_in_dim3A_102 : vector<16xi1>, vector<16xi32>
        %eq3A_439 = arith.cmpf oeq, %gather3A_393, %max3A_408 : vector<16xf32>
        %select_n3A_440 = arith.select %eq3A_439, %and3A_100, %broadcast_in_dim3A_102 : vector<16xi1>, vector<16xi32>
        %min3A_441 = arith.minsi %select_n3A_410, %select_n3A_412 : vector<16xi32>
        %min3A_442 = arith.minsi %select_n3A_414, %select_n3A_416 : vector<16xi32>
        %min3A_443 = arith.minsi %select_n3A_418, %select_n3A_420 : vector<16xi32>
        %min3A_444 = arith.minsi %select_n3A_422, %select_n3A_424 : vector<16xi32>
        %min3A_445 = arith.minsi %select_n3A_426, %select_n3A_428 : vector<16xi32>
        %min3A_446 = arith.minsi %select_n3A_430, %select_n3A_432 : vector<16xi32>
        %min3A_447 = arith.minsi %select_n3A_434, %select_n3A_436 : vector<16xi32>
        %min3A_448 = arith.minsi %select_n3A_438, %select_n3A_440 : vector<16xi32>
        %min3A_449 = arith.minsi %min3A_441, %min3A_442 : vector<16xi32>
        %min3A_450 = arith.minsi %min3A_443, %min3A_444 : vector<16xi32>
        %min3A_451 = arith.minsi %min3A_445, %min3A_446 : vector<16xi32>
        %min3A_452 = arith.minsi %min3A_447, %min3A_448 : vector<16xi32>
        %min3A_453 = arith.minsi %min3A_449, %min3A_450 : vector<16xi32>
        %min3A_454 = arith.minsi %min3A_451, %min3A_452 : vector<16xi32>
        %min3A_455 = arith.minsi %min3A_453, %min3A_454 : vector<16xi32>
        %shift_left3A = arith.constant 4 : i32
        %shift_left3A_456 = vector.broadcast %shift_left3A : i32 to vector<16xi32>
        %shift_left3A_457 = arith.shli %min3A_455, %shift_left3A_456 : vector<16xi32>
        %add3A_458 = arith.addi %min3A_358, %shift_left3A_457 : vector<16xi32>
        %add3A_459 = arith.constant 48 : i32
        %add3A_460 = vector.broadcast %add3A_459 : i32 to vector<16xi32>
        %add3A_461 = arith.addi %mul3A_254, %add3A_460 : vector<16xi32>
        %add3A_462 = arith.addi %add3A_461, %and3A_10 : vector<16xi32>
        %gather3A_463 = tpu.vector_load_idx %arg6[%add3A_462] : memref<16384xf32, #tpu.memory_space<vmem>>[vector<16xi32>], vector<16xf32>,
        %add3A_464 = arith.addi %add3A_461, %and3A_16 : vector<16xi32>
        %gather3A_465 = tpu.vector_load_idx %arg6[%add3A_464] : memref<16384xf32, #tpu.memory_space<vmem>>[vector<16xi32>], vector<16xf32>,
        %add3A_466 = arith.addi %add3A_461, %and3A_22 : vector<16xi32>
        %gather3A_467 = tpu.vector_load_idx %arg6[%add3A_466] : memref<16384xf32, #tpu.memory_space<vmem>>[vector<16xi32>], vector<16xf32>,
        %add3A_468 = arith.addi %add3A_461, %and3A_28 : vector<16xi32>
        %gather3A_469 = tpu.vector_load_idx %arg6[%add3A_468] : memref<16384xf32, #tpu.memory_space<vmem>>[vector<16xi32>], vector<16xf32>,
        %add3A_470 = arith.addi %add3A_461, %and3A_34 : vector<16xi32>
        %gather3A_471 = tpu.vector_load_idx %arg6[%add3A_470] : memref<16384xf32, #tpu.memory_space<vmem>>[vector<16xi32>], vector<16xf32>,
        %add3A_472 = arith.addi %add3A_461, %and3A_40 : vector<16xi32>
        %gather3A_473 = tpu.vector_load_idx %arg6[%add3A_472] : memref<16384xf32, #tpu.memory_space<vmem>>[vector<16xi32>], vector<16xf32>,
        %add3A_474 = arith.addi %add3A_461, %and3A_46 : vector<16xi32>
        %gather3A_475 = tpu.vector_load_idx %arg6[%add3A_474] : memref<16384xf32, #tpu.memory_space<vmem>>[vector<16xi32>], vector<16xf32>,
        %add3A_476 = arith.addi %add3A_461, %and3A_52 : vector<16xi32>
        %gather3A_477 = tpu.vector_load_idx %arg6[%add3A_476] : memref<16384xf32, #tpu.memory_space<vmem>>[vector<16xi32>], vector<16xf32>,
        %add3A_478 = arith.addi %add3A_461, %and3A_58 : vector<16xi32>
        %gather3A_479 = tpu.vector_load_idx %arg6[%add3A_478] : memref<16384xf32, #tpu.memory_space<vmem>>[vector<16xi32>], vector<16xf32>,
        %add3A_480 = arith.addi %add3A_461, %and3A_64 : vector<16xi32>
        %gather3A_481 = tpu.vector_load_idx %arg6[%add3A_480] : memref<16384xf32, #tpu.memory_space<vmem>>[vector<16xi32>], vector<16xf32>,
        %add3A_482 = arith.addi %add3A_461, %and3A_70 : vector<16xi32>
        %gather3A_483 = tpu.vector_load_idx %arg6[%add3A_482] : memref<16384xf32, #tpu.memory_space<vmem>>[vector<16xi32>], vector<16xf32>,
        %add3A_484 = arith.addi %add3A_461, %and3A_76 : vector<16xi32>
        %gather3A_485 = tpu.vector_load_idx %arg6[%add3A_484] : memref<16384xf32, #tpu.memory_space<vmem>>[vector<16xi32>], vector<16xf32>,
        %add3A_486 = arith.addi %add3A_461, %and3A_82 : vector<16xi32>
        %gather3A_487 = tpu.vector_load_idx %arg6[%add3A_486] : memref<16384xf32, #tpu.memory_space<vmem>>[vector<16xi32>], vector<16xf32>,
        %add3A_488 = arith.addi %add3A_461, %and3A_88 : vector<16xi32>
        %gather3A_489 = tpu.vector_load_idx %arg6[%add3A_488] : memref<16384xf32, #tpu.memory_space<vmem>>[vector<16xi32>], vector<16xf32>,
        %add3A_490 = arith.addi %add3A_461, %and3A_94 : vector<16xi32>
        %gather3A_491 = tpu.vector_load_idx %arg6[%add3A_490] : memref<16384xf32, #tpu.memory_space<vmem>>[vector<16xi32>], vector<16xf32>,
        %add3A_492 = arith.addi %add3A_461, %and3A_100 : vector<16xi32>
        %gather3A_493 = tpu.vector_load_idx %arg6[%add3A_492] : memref<16384xf32, #tpu.memory_space<vmem>>[vector<16xi32>], vector<16xf32>,
        %max3A_494 = arith.maximumf %gather3A_463, %gather3A_465 : vector<16xf32>
        %max3A_495 = arith.maximumf %gather3A_467, %gather3A_469 : vector<16xf32>
        %max3A_496 = arith.maximumf %gather3A_471, %gather3A_473 : vector<16xf32>
        %max3A_497 = arith.maximumf %gather3A_475, %gather3A_477 : vector<16xf32>
        %max3A_498 = arith.maximumf %gather3A_479, %gather3A_481 : vector<16xf32>
        %max3A_499 = arith.maximumf %gather3A_483, %gather3A_485 : vector<16xf32>
        %max3A_500 = arith.maximumf %gather3A_487, %gather3A_489 : vector<16xf32>
        %max3A_501 = arith.maximumf %gather3A_491, %gather3A_493 : vector<16xf32>
        %max3A_502 = arith.maximumf %max3A_494, %max3A_495 : vector<16xf32>
        %max3A_503 = arith.maximumf %max3A_496, %max3A_497 : vector<16xf32>
        %max3A_504 = arith.maximumf %max3A_498, %max3A_499 : vector<16xf32>
        %max3A_505 = arith.maximumf %max3A_500, %max3A_501 : vector<16xf32>
        %max3A_506 = arith.maximumf %max3A_502, %max3A_503 : vector<16xf32>
        %max3A_507 = arith.maximumf %max3A_504, %max3A_505 : vector<16xf32>
        %max3A_508 = arith.maximumf %max3A_506, %max3A_507 : vector<16xf32>
        %eq3A_509 = arith.cmpf oeq, %gather3A_463, %max3A_508 : vector<16xf32>
        %select_n3A_510 = arith.select %eq3A_509, %and3A_10, %broadcast_in_dim3A_102 : vector<16xi1>, vector<16xi32>
        %eq3A_511 = arith.cmpf oeq, %gather3A_465, %max3A_508 : vector<16xf32>
        %select_n3A_512 = arith.select %eq3A_511, %and3A_16, %broadcast_in_dim3A_102 : vector<16xi1>, vector<16xi32>
        %eq3A_513 = arith.cmpf oeq, %gather3A_467, %max3A_508 : vector<16xf32>
        %select_n3A_514 = arith.select %eq3A_513, %and3A_22, %broadcast_in_dim3A_102 : vector<16xi1>, vector<16xi32>
        %eq3A_515 = arith.cmpf oeq, %gather3A_469, %max3A_508 : vector<16xf32>
        %select_n3A_516 = arith.select %eq3A_515, %and3A_28, %broadcast_in_dim3A_102 : vector<16xi1>, vector<16xi32>
        %eq3A_517 = arith.cmpf oeq, %gather3A_471, %max3A_508 : vector<16xf32>
        %select_n3A_518 = arith.select %eq3A_517, %and3A_34, %broadcast_in_dim3A_102 : vector<16xi1>, vector<16xi32>
        %eq3A_519 = arith.cmpf oeq, %gather3A_473, %max3A_508 : vector<16xf32>
        %select_n3A_520 = arith.select %eq3A_519, %and3A_40, %broadcast_in_dim3A_102 : vector<16xi1>, vector<16xi32>
        %eq3A_521 = arith.cmpf oeq, %gather3A_475, %max3A_508 : vector<16xf32>
        %select_n3A_522 = arith.select %eq3A_521, %and3A_46, %broadcast_in_dim3A_102 : vector<16xi1>, vector<16xi32>
        %eq3A_523 = arith.cmpf oeq, %gather3A_477, %max3A_508 : vector<16xf32>
        %select_n3A_524 = arith.select %eq3A_523, %and3A_52, %broadcast_in_dim3A_102 : vector<16xi1>, vector<16xi32>
        %eq3A_525 = arith.cmpf oeq, %gather3A_479, %max3A_508 : vector<16xf32>
        %select_n3A_526 = arith.select %eq3A_525, %and3A_58, %broadcast_in_dim3A_102 : vector<16xi1>, vector<16xi32>
        %eq3A_527 = arith.cmpf oeq, %gather3A_481, %max3A_508 : vector<16xf32>
        %select_n3A_528 = arith.select %eq3A_527, %and3A_64, %broadcast_in_dim3A_102 : vector<16xi1>, vector<16xi32>
        %eq3A_529 = arith.cmpf oeq, %gather3A_483, %max3A_508 : vector<16xf32>
        %select_n3A_530 = arith.select %eq3A_529, %and3A_70, %broadcast_in_dim3A_102 : vector<16xi1>, vector<16xi32>
        %eq3A_531 = arith.cmpf oeq, %gather3A_485, %max3A_508 : vector<16xf32>
        %select_n3A_532 = arith.select %eq3A_531, %and3A_76, %broadcast_in_dim3A_102 : vector<16xi1>, vector<16xi32>
        %eq3A_533 = arith.cmpf oeq, %gather3A_487, %max3A_508 : vector<16xf32>
        %select_n3A_534 = arith.select %eq3A_533, %and3A_82, %broadcast_in_dim3A_102 : vector<16xi1>, vector<16xi32>
        %eq3A_535 = arith.cmpf oeq, %gather3A_489, %max3A_508 : vector<16xf32>
        %select_n3A_536 = arith.select %eq3A_535, %and3A_88, %broadcast_in_dim3A_102 : vector<16xi1>, vector<16xi32>
        %eq3A_537 = arith.cmpf oeq, %gather3A_491, %max3A_508 : vector<16xf32>
        %select_n3A_538 = arith.select %eq3A_537, %and3A_94, %broadcast_in_dim3A_102 : vector<16xi1>, vector<16xi32>
        %eq3A_539 = arith.cmpf oeq, %gather3A_493, %max3A_508 : vector<16xf32>
        %select_n3A_540 = arith.select %eq3A_539, %and3A_100, %broadcast_in_dim3A_102 : vector<16xi1>, vector<16xi32>
        %min3A_541 = arith.minsi %select_n3A_510, %select_n3A_512 : vector<16xi32>
        %min3A_542 = arith.minsi %select_n3A_514, %select_n3A_516 : vector<16xi32>
        %min3A_543 = arith.minsi %select_n3A_518, %select_n3A_520 : vector<16xi32>
        %min3A_544 = arith.minsi %select_n3A_522, %select_n3A_524 : vector<16xi32>
        %min3A_545 = arith.minsi %select_n3A_526, %select_n3A_528 : vector<16xi32>
        %min3A_546 = arith.minsi %select_n3A_530, %select_n3A_532 : vector<16xi32>
        %min3A_547 = arith.minsi %select_n3A_534, %select_n3A_536 : vector<16xi32>
        %min3A_548 = arith.minsi %select_n3A_538, %select_n3A_540 : vector<16xi32>
        %min3A_549 = arith.minsi %min3A_541, %min3A_542 : vector<16xi32>
        %min3A_550 = arith.minsi %min3A_543, %min3A_544 : vector<16xi32>
        %min3A_551 = arith.minsi %min3A_545, %min3A_546 : vector<16xi32>
        %min3A_552 = arith.minsi %min3A_547, %min3A_548 : vector<16xi32>
        %min3A_553 = arith.minsi %min3A_549, %min3A_550 : vector<16xi32>
        %min3A_554 = arith.minsi %min3A_551, %min3A_552 : vector<16xi32>
        %min3A_555 = arith.minsi %min3A_553, %min3A_554 : vector<16xi32>
        %add3A_556 = arith.constant 64 : i32
        %add3A_557 = vector.broadcast %add3A_556 : i32 to vector<16xi32>
        %add3A_558 = arith.addi %mul3A_254, %add3A_557 : vector<16xi32>
        %add3A_559 = arith.addi %add3A_558, %and3A_10 : vector<16xi32>
        %gather3A_560 = tpu.vector_load_idx %arg6[%add3A_559] : memref<16384xf32, #tpu.memory_space<vmem>>[vector<16xi32>], vector<16xf32>,
        %add3A_561 = arith.addi %add3A_558, %and3A_16 : vector<16xi32>
        %gather3A_562 = tpu.vector_load_idx %arg6[%add3A_561] : memref<16384xf32, #tpu.memory_space<vmem>>[vector<16xi32>], vector<16xf32>,
        %add3A_563 = arith.addi %add3A_558, %and3A_22 : vector<16xi32>
        %gather3A_564 = tpu.vector_load_idx %arg6[%add3A_563] : memref<16384xf32, #tpu.memory_space<vmem>>[vector<16xi32>], vector<16xf32>,
        %add3A_565 = arith.addi %add3A_558, %and3A_28 : vector<16xi32>
        %gather3A_566 = tpu.vector_load_idx %arg6[%add3A_565] : memref<16384xf32, #tpu.memory_space<vmem>>[vector<16xi32>], vector<16xf32>,
        %add3A_567 = arith.addi %add3A_558, %and3A_34 : vector<16xi32>
        %gather3A_568 = tpu.vector_load_idx %arg6[%add3A_567] : memref<16384xf32, #tpu.memory_space<vmem>>[vector<16xi32>], vector<16xf32>,
        %add3A_569 = arith.addi %add3A_558, %and3A_40 : vector<16xi32>
        %gather3A_570 = tpu.vector_load_idx %arg6[%add3A_569] : memref<16384xf32, #tpu.memory_space<vmem>>[vector<16xi32>], vector<16xf32>,
        %add3A_571 = arith.addi %add3A_558, %and3A_46 : vector<16xi32>
        %gather3A_572 = tpu.vector_load_idx %arg6[%add3A_571] : memref<16384xf32, #tpu.memory_space<vmem>>[vector<16xi32>], vector<16xf32>,
        %add3A_573 = arith.addi %add3A_558, %and3A_52 : vector<16xi32>
        %gather3A_574 = tpu.vector_load_idx %arg6[%add3A_573] : memref<16384xf32, #tpu.memory_space<vmem>>[vector<16xi32>], vector<16xf32>,
        %add3A_575 = arith.addi %add3A_558, %and3A_58 : vector<16xi32>
        %gather3A_576 = tpu.vector_load_idx %arg6[%add3A_575] : memref<16384xf32, #tpu.memory_space<vmem>>[vector<16xi32>], vector<16xf32>,
        %add3A_577 = arith.addi %add3A_558, %and3A_64 : vector<16xi32>
        %gather3A_578 = tpu.vector_load_idx %arg6[%add3A_577] : memref<16384xf32, #tpu.memory_space<vmem>>[vector<16xi32>], vector<16xf32>,
        %add3A_579 = arith.addi %add3A_558, %and3A_70 : vector<16xi32>
        %gather3A_580 = tpu.vector_load_idx %arg6[%add3A_579] : memref<16384xf32, #tpu.memory_space<vmem>>[vector<16xi32>], vector<16xf32>,
        %add3A_581 = arith.addi %add3A_558, %and3A_76 : vector<16xi32>
        %gather3A_582 = tpu.vector_load_idx %arg6[%add3A_581] : memref<16384xf32, #tpu.memory_space<vmem>>[vector<16xi32>], vector<16xf32>,
        %add3A_583 = arith.addi %add3A_558, %and3A_82 : vector<16xi32>
        %gather3A_584 = tpu.vector_load_idx %arg6[%add3A_583] : memref<16384xf32, #tpu.memory_space<vmem>>[vector<16xi32>], vector<16xf32>,
        %add3A_585 = arith.addi %add3A_558, %and3A_88 : vector<16xi32>
        %gather3A_586 = tpu.vector_load_idx %arg6[%add3A_585] : memref<16384xf32, #tpu.memory_space<vmem>>[vector<16xi32>], vector<16xf32>,
        %add3A_587 = arith.addi %add3A_558, %and3A_94 : vector<16xi32>
        %gather3A_588 = tpu.vector_load_idx %arg6[%add3A_587] : memref<16384xf32, #tpu.memory_space<vmem>>[vector<16xi32>], vector<16xf32>,
        %add3A_589 = arith.addi %add3A_558, %and3A_100 : vector<16xi32>
        %gather3A_590 = tpu.vector_load_idx %arg6[%add3A_589] : memref<16384xf32, #tpu.memory_space<vmem>>[vector<16xi32>], vector<16xf32>,
        %max3A_591 = arith.maximumf %gather3A_560, %gather3A_562 : vector<16xf32>
        %max3A_592 = arith.maximumf %gather3A_564, %gather3A_566 : vector<16xf32>
        %max3A_593 = arith.maximumf %gather3A_568, %gather3A_570 : vector<16xf32>
        %max3A_594 = arith.maximumf %gather3A_572, %gather3A_574 : vector<16xf32>
        %max3A_595 = arith.maximumf %gather3A_576, %gather3A_578 : vector<16xf32>
        %max3A_596 = arith.maximumf %gather3A_580, %gather3A_582 : vector<16xf32>
        %max3A_597 = arith.maximumf %gather3A_584, %gather3A_586 : vector<16xf32>
        %max3A_598 = arith.maximumf %gather3A_588, %gather3A_590 : vector<16xf32>
        %max3A_599 = arith.maximumf %max3A_591, %max3A_592 : vector<16xf32>
        %max3A_600 = arith.maximumf %max3A_593, %max3A_594 : vector<16xf32>
        %max3A_601 = arith.maximumf %max3A_595, %max3A_596 : vector<16xf32>
        %max3A_602 = arith.maximumf %max3A_597, %max3A_598 : vector<16xf32>
        %max3A_603 = arith.maximumf %max3A_599, %max3A_600 : vector<16xf32>
        %max3A_604 = arith.maximumf %max3A_601, %max3A_602 : vector<16xf32>
        %max3A_605 = arith.maximumf %max3A_603, %max3A_604 : vector<16xf32>
        %eq3A_606 = arith.cmpf oeq, %gather3A_560, %max3A_605 : vector<16xf32>
        %select_n3A_607 = arith.select %eq3A_606, %and3A_10, %broadcast_in_dim3A_102 : vector<16xi1>, vector<16xi32>
        %eq3A_608 = arith.cmpf oeq, %gather3A_562, %max3A_605 : vector<16xf32>
        %select_n3A_609 = arith.select %eq3A_608, %and3A_16, %broadcast_in_dim3A_102 : vector<16xi1>, vector<16xi32>
        %eq3A_610 = arith.cmpf oeq, %gather3A_564, %max3A_605 : vector<16xf32>
        %select_n3A_611 = arith.select %eq3A_610, %and3A_22, %broadcast_in_dim3A_102 : vector<16xi1>, vector<16xi32>
        %eq3A_612 = arith.cmpf oeq, %gather3A_566, %max3A_605 : vector<16xf32>
        %select_n3A_613 = arith.select %eq3A_612, %and3A_28, %broadcast_in_dim3A_102 : vector<16xi1>, vector<16xi32>
        %eq3A_614 = arith.cmpf oeq, %gather3A_568, %max3A_605 : vector<16xf32>
        %select_n3A_615 = arith.select %eq3A_614, %and3A_34, %broadcast_in_dim3A_102 : vector<16xi1>, vector<16xi32>
        %eq3A_616 = arith.cmpf oeq, %gather3A_570, %max3A_605 : vector<16xf32>
        %select_n3A_617 = arith.select %eq3A_616, %and3A_40, %broadcast_in_dim3A_102 : vector<16xi1>, vector<16xi32>
        %eq3A_618 = arith.cmpf oeq, %gather3A_572, %max3A_605 : vector<16xf32>
        %select_n3A_619 = arith.select %eq3A_618, %and3A_46, %broadcast_in_dim3A_102 : vector<16xi1>, vector<16xi32>
        %eq3A_620 = arith.cmpf oeq, %gather3A_574, %max3A_605 : vector<16xf32>
        %select_n3A_621 = arith.select %eq3A_620, %and3A_52, %broadcast_in_dim3A_102 : vector<16xi1>, vector<16xi32>
        %eq3A_622 = arith.cmpf oeq, %gather3A_576, %max3A_605 : vector<16xf32>
        %select_n3A_623 = arith.select %eq3A_622, %and3A_58, %broadcast_in_dim3A_102 : vector<16xi1>, vector<16xi32>
        %eq3A_624 = arith.cmpf oeq, %gather3A_578, %max3A_605 : vector<16xf32>
        %select_n3A_625 = arith.select %eq3A_624, %and3A_64, %broadcast_in_dim3A_102 : vector<16xi1>, vector<16xi32>
        %eq3A_626 = arith.cmpf oeq, %gather3A_580, %max3A_605 : vector<16xf32>
        %select_n3A_627 = arith.select %eq3A_626, %and3A_70, %broadcast_in_dim3A_102 : vector<16xi1>, vector<16xi32>
        %eq3A_628 = arith.cmpf oeq, %gather3A_582, %max3A_605 : vector<16xf32>
        %select_n3A_629 = arith.select %eq3A_628, %and3A_76, %broadcast_in_dim3A_102 : vector<16xi1>, vector<16xi32>
        %eq3A_630 = arith.cmpf oeq, %gather3A_584, %max3A_605 : vector<16xf32>
        %select_n3A_631 = arith.select %eq3A_630, %and3A_82, %broadcast_in_dim3A_102 : vector<16xi1>, vector<16xi32>
        %eq3A_632 = arith.cmpf oeq, %gather3A_586, %max3A_605 : vector<16xf32>
        %select_n3A_633 = arith.select %eq3A_632, %and3A_88, %broadcast_in_dim3A_102 : vector<16xi1>, vector<16xi32>
        %eq3A_634 = arith.cmpf oeq, %gather3A_588, %max3A_605 : vector<16xf32>
        %select_n3A_635 = arith.select %eq3A_634, %and3A_94, %broadcast_in_dim3A_102 : vector<16xi1>, vector<16xi32>
        %eq3A_636 = arith.cmpf oeq, %gather3A_590, %max3A_605 : vector<16xf32>
        %select_n3A_637 = arith.select %eq3A_636, %and3A_100, %broadcast_in_dim3A_102 : vector<16xi1>, vector<16xi32>
        %min3A_638 = arith.minsi %select_n3A_607, %select_n3A_609 : vector<16xi32>
        %min3A_639 = arith.minsi %select_n3A_611, %select_n3A_613 : vector<16xi32>
        %min3A_640 = arith.minsi %select_n3A_615, %select_n3A_617 : vector<16xi32>
        %min3A_641 = arith.minsi %select_n3A_619, %select_n3A_621 : vector<16xi32>
        %min3A_642 = arith.minsi %select_n3A_623, %select_n3A_625 : vector<16xi32>
        %min3A_643 = arith.minsi %select_n3A_627, %select_n3A_629 : vector<16xi32>
        %min3A_644 = arith.minsi %select_n3A_631, %select_n3A_633 : vector<16xi32>
        %min3A_645 = arith.minsi %select_n3A_635, %select_n3A_637 : vector<16xi32>
        %min3A_646 = arith.minsi %min3A_638, %min3A_639 : vector<16xi32>
        %min3A_647 = arith.minsi %min3A_640, %min3A_641 : vector<16xi32>
        %min3A_648 = arith.minsi %min3A_642, %min3A_643 : vector<16xi32>
        %min3A_649 = arith.minsi %min3A_644, %min3A_645 : vector<16xi32>
        %min3A_650 = arith.minsi %min3A_646, %min3A_647 : vector<16xi32>
        %min3A_651 = arith.minsi %min3A_648, %min3A_649 : vector<16xi32>
        %min3A_652 = arith.minsi %min3A_650, %min3A_651 : vector<16xi32>
        %shift_left3A_653 = arith.constant 4 : i32
        %shift_left3A_654 = vector.broadcast %shift_left3A_653 : i32 to vector<16xi32>
        %shift_left3A_655 = arith.shli %min3A_652, %shift_left3A_654 : vector<16xi32>
        %add3A_656 = arith.addi %min3A_555, %shift_left3A_655 : vector<16xi32>
        %mul3A_657 = arith.muli %add3A_458, %add3A_656 : vector<16xi32>
        %and3A_658 = arith.constant 255 : i32
        %and3A_659 = vector.broadcast %and3A_658 : i32 to vector<16xi32>
        %and3A_660 = arith.andi %mul3A_657, %and3A_659 : vector<16xi32>
        %add3A_661 = arith.constant 80 : i32
        %add3A_662 = vector.broadcast %add3A_661 : i32 to vector<16xi32>
        %add3A_663 = arith.addi %mul3A_254, %add3A_662 : vector<16xi32>
        %and3A_664 = arith.constant 15 : i32
        %and3A_665 = vector.broadcast %and3A_664 : i32 to vector<16xi32>
        %and3A_666 = arith.andi %and3A_660, %and3A_665 : vector<16xi32>
        %add3A_667 = arith.addi %add3A_663, %and3A_666 : vector<16xi32>
        tpu.vector_store_idx %arg6[%add3A_667], %broadcast_in_dim3A_5 masked %and3A_265 {add = true} : memref<16384xf32, #tpu.memory_space<vmem>>[vector<16xi32>], vector<16xf32>, vector<16xi1>
        %add3A_668 = arith.constant 96 : i32
        %add3A_669 = vector.broadcast %add3A_668 : i32 to vector<16xi32>
        %add3A_670 = arith.addi %mul3A_254, %add3A_669 : vector<16xi32>
        %shift_right_arithmetic3A = arith.constant 4 : i32
        %shift_right_arithmetic3A_671 = vector.broadcast %shift_right_arithmetic3A : i32 to vector<16xi32>
        %shift_right_arithmetic3A_672 = arith.shrsi %and3A_660, %shift_right_arithmetic3A_671 : vector<16xi32>
        %add3A_673 = arith.addi %add3A_670, %shift_right_arithmetic3A_672 : vector<16xi32>
        tpu.vector_store_idx %arg6[%add3A_673], %broadcast_in_dim3A_5 masked %and3A_265 {add = true} : memref<16384xf32, #tpu.memory_space<vmem>>[vector<16xi32>], vector<16xf32>, vector<16xi1>
      }
      %scan3A_209 = arith.constant 8 : i32
      %mul3A_210 = arith.constant 16384 : i32
      %mul3A_211 = arith.muli %add3A_186, %mul3A_210 : i32
      %add3A_212 = arith.addi %mul3A_4, %mul3A_211 : i32
      %dma_start3A_213 = tpu.memref_slice %arg3[%add3A_212] : memref<33554432xf32, #tpu.memory_space<hbm>> -> memref<16384xf32, #tpu.memory_space<hbm>>
      %dma_start3A_214 = tpu.memref_slice %arg3[%add3A_212] : memref<33554432xf32, #tpu.memory_space<hbm>> -> memref<16384xf32, #tpu.memory_space<hbm>>
      tpu.enqueue_dma source(%arg6 : memref<16384xf32, #tpu.memory_space<vmem>>) target(%dma_start3A_214 : memref<16384xf32, #tpu.memory_space<hbm>>) target_semaphore(%arg14 : memref<!tpu.dma_semaphore, #tpu.memory_space<semaphore_mem>>)
      %mul3A_215 = arith.constant 4 : i32
      %mul3A_216 = arith.muli %scan3A_122, %mul3A_215 : i32
      %add3A_217 = arith.constant 3 : i32
      %add3A_218 = arith.addi %mul3A_216, %add3A_217 : i32
      %mul3A_219 = arith.constant 16384 : i32
      %mul3A_220 = arith.muli %add3A_218, %mul3A_219 : i32
      %add3A_221 = arith.addi %mul3A_4, %mul3A_220 : i32
      %dma_wait3A_222 = tpu.memref_slice %arg2[%add3A_221] : memref<33554432xf32, #tpu.memory_space<hbm>> -> memref<16384xf32, #tpu.memory_space<hbm>>
      %dma_wait3A_223 = tpu.memref_slice %arg2[%add3A_221] : memref<33554432xf32, #tpu.memory_space<hbm>> -> memref<16384xf32, #tpu.memory_space<hbm>>
      tpu.wait_dma2 semaphore(%arg11 : memref<!tpu.dma_semaphore, #tpu.memory_space<semaphore_mem>>) src(%dma_wait3A_223 : memref<16384xf32, #tpu.memory_space<hbm>>) dst(%arg7 : memref<16384xf32, #tpu.memory_space<vmem>>)
      %ge3A_224 = arith.constant 2 : i32
      %ge3A_225 = arith.cmpi sge, %add3A_218, %ge3A_224 : i32
      %convert_element_type3A_226 = arith.extui %ge3A_225 : i1 to i32
      %cond3A_227 = arith.constant 0 : i32
      %cond3A_228 = arith.cmpi ne, %convert_element_type3A_226, %cond3A_227 : i32
      scf.if %cond3A_228 {
        %sub3A = arith.constant 2 : i32
        %sub3A_247 = arith.subi %add3A_218, %sub3A : i32
        %mul3A_248 = arith.constant 16384 : i32
        %mul3A_249 = arith.muli %sub3A_247, %mul3A_248 : i32
        %add3A_250 = arith.addi %mul3A_4, %mul3A_249 : i32
        %dma_wait3A_251 = tpu.memref_slice %arg3[%add3A_250] : memref<33554432xf32, #tpu.memory_space<hbm>> -> memref<16384xf32, #tpu.memory_space<hbm>>
        %dma_wait3A_252 = tpu.memref_slice %arg3[%add3A_250] : memref<33554432xf32, #tpu.memory_space<hbm>> -> memref<16384xf32, #tpu.memory_space<hbm>>
        tpu.wait_dma2 semaphore(%arg13 : memref<!tpu.dma_semaphore, #tpu.memory_space<semaphore_mem>>) src(%arg5 : memref<16384xf32, #tpu.memory_space<vmem>>) dst(%dma_wait3A_252 : memref<16384xf32, #tpu.memory_space<hbm>>)
      } else {
      }
      %add3A_229 = arith.constant 2 : i32
      %add3A_230 = arith.addi %add3A_218, %add3A_229 : i32
      %lt3A_231 = arith.constant 64 : i32
      %lt3A_232 = arith.cmpi slt, %add3A_230, %lt3A_231 : i32
      %convert_element_type3A_233 = arith.extui %lt3A_232 : i1 to i32
      %cond3A_234 = arith.constant 0 : i32
      %cond3A_235 = arith.cmpi ne, %convert_element_type3A_233, %cond3A_234 : i32
      scf.if %cond3A_235 {
        %add3A_247 = arith.constant 2 : i32
        %add3A_248 = arith.addi %add3A_218, %add3A_247 : i32
        %mul3A_249 = arith.constant 16384 : i32
        %mul3A_250 = arith.muli %add3A_248, %mul3A_249 : i32
        %add3A_251 = arith.addi %mul3A_4, %mul3A_250 : i32
        %dma_start3A_252 = tpu.memref_slice %arg2[%add3A_251] : memref<33554432xf32, #tpu.memory_space<hbm>> -> memref<16384xf32, #tpu.memory_space<hbm>>
        %dma_start3A_253 = tpu.memref_slice %arg2[%add3A_251] : memref<33554432xf32, #tpu.memory_space<hbm>> -> memref<16384xf32, #tpu.memory_space<hbm>>
        tpu.enqueue_dma source(%dma_start3A_253 : memref<16384xf32, #tpu.memory_space<hbm>>) target(%arg5 : memref<16384xf32, #tpu.memory_space<vmem>>) target_semaphore(%arg9 : memref<!tpu.dma_semaphore, #tpu.memory_space<semaphore_mem>>)
      } else {
      }
      %scan3A_236 = arith.constant 0 : i32
      %scan3A_237 = arith.constant 0 : i32
      %scan3A_238 = arith.constant 8 : i32
      %scan3A_239 = arith.addi %scan3A_237, %scan3A_238 : i32
      %scan3A_240 = arith.constant 1 : i32
      scf.for %scan3A_247 = %scan3A_237 to %scan3A_239 step %scan3A_240  : i32 {
        %mul3A_248 = arith.constant 16 : i32
        %mul3A_249 = arith.muli %scan3A_247, %mul3A_248 : i32
        %add3A_250 = vector.broadcast %mul3A_249 : i32 to vector<16xi32>
        %add3A_251 = arith.addi %iota3A, %add3A_250 : vector<16xi32>
        %mul3A_252 = arith.constant 128 : i32
        %mul3A_253 = vector.broadcast %mul3A_252 : i32 to vector<16xi32>
        %mul3A_254 = arith.muli %add3A_251, %mul3A_253 : vector<16xi32>
        %gather3A = tpu.vector_load_idx %arg7[%mul3A_254] : memref<16384xf32, #tpu.memory_space<vmem>>[vector<16xi32>], vector<16xf32>,
        %add3A_255 = arith.constant 1 : i32
        %add3A_256 = vector.broadcast %add3A_255 : i32 to vector<16xi32>
        %add3A_257 = arith.addi %mul3A_254, %add3A_256 : vector<16xi32>
        %gather3A_258 = tpu.vector_load_idx %arg7[%add3A_257] : memref<16384xf32, #tpu.memory_space<vmem>>[vector<16xi32>], vector<16xf32>,
        %ge3A_259 = arith.constant 5.000000e-01 : f32
        %ge3A_260 = vector.broadcast %ge3A_259 : f32 to vector<16xf32>
        %ge3A_261 = arith.cmpf oge, %gather3A, %ge3A_260 : vector<16xf32>
        %ge3A_262 = arith.constant 5.000000e-01 : f32
        %ge3A_263 = vector.broadcast %ge3A_262 : f32 to vector<16xf32>
        %ge3A_264 = arith.cmpf oge, %gather3A_258, %ge3A_263 : vector<16xf32>
        %and3A_265 = arith.andi %ge3A_261, %ge3A_264 : vector<16xi1>
        %add3A_266 = arith.constant 16 : i32
        %add3A_267 = vector.broadcast %add3A_266 : i32 to vector<16xi32>
        %add3A_268 = arith.addi %mul3A_254, %add3A_267 : vector<16xi32>
        %add3A_269 = arith.addi %add3A_268, %and3A_10 : vector<16xi32>
        %gather3A_270 = tpu.vector_load_idx %arg7[%add3A_269] : memref<16384xf32, #tpu.memory_space<vmem>>[vector<16xi32>], vector<16xf32>,
        %add3A_271 = arith.addi %add3A_268, %and3A_16 : vector<16xi32>
        %gather3A_272 = tpu.vector_load_idx %arg7[%add3A_271] : memref<16384xf32, #tpu.memory_space<vmem>>[vector<16xi32>], vector<16xf32>,
        %add3A_273 = arith.addi %add3A_268, %and3A_22 : vector<16xi32>
        %gather3A_274 = tpu.vector_load_idx %arg7[%add3A_273] : memref<16384xf32, #tpu.memory_space<vmem>>[vector<16xi32>], vector<16xf32>,
        %add3A_275 = arith.addi %add3A_268, %and3A_28 : vector<16xi32>
        %gather3A_276 = tpu.vector_load_idx %arg7[%add3A_275] : memref<16384xf32, #tpu.memory_space<vmem>>[vector<16xi32>], vector<16xf32>,
        %add3A_277 = arith.addi %add3A_268, %and3A_34 : vector<16xi32>
        %gather3A_278 = tpu.vector_load_idx %arg7[%add3A_277] : memref<16384xf32, #tpu.memory_space<vmem>>[vector<16xi32>], vector<16xf32>,
        %add3A_279 = arith.addi %add3A_268, %and3A_40 : vector<16xi32>
        %gather3A_280 = tpu.vector_load_idx %arg7[%add3A_279] : memref<16384xf32, #tpu.memory_space<vmem>>[vector<16xi32>], vector<16xf32>,
        %add3A_281 = arith.addi %add3A_268, %and3A_46 : vector<16xi32>
        %gather3A_282 = tpu.vector_load_idx %arg7[%add3A_281] : memref<16384xf32, #tpu.memory_space<vmem>>[vector<16xi32>], vector<16xf32>,
        %add3A_283 = arith.addi %add3A_268, %and3A_52 : vector<16xi32>
        %gather3A_284 = tpu.vector_load_idx %arg7[%add3A_283] : memref<16384xf32, #tpu.memory_space<vmem>>[vector<16xi32>], vector<16xf32>,
        %add3A_285 = arith.addi %add3A_268, %and3A_58 : vector<16xi32>
        %gather3A_286 = tpu.vector_load_idx %arg7[%add3A_285] : memref<16384xf32, #tpu.memory_space<vmem>>[vector<16xi32>], vector<16xf32>,
        %add3A_287 = arith.addi %add3A_268, %and3A_64 : vector<16xi32>
        %gather3A_288 = tpu.vector_load_idx %arg7[%add3A_287] : memref<16384xf32, #tpu.memory_space<vmem>>[vector<16xi32>], vector<16xf32>,
        %add3A_289 = arith.addi %add3A_268, %and3A_70 : vector<16xi32>
        %gather3A_290 = tpu.vector_load_idx %arg7[%add3A_289] : memref<16384xf32, #tpu.memory_space<vmem>>[vector<16xi32>], vector<16xf32>,
        %add3A_291 = arith.addi %add3A_268, %and3A_76 : vector<16xi32>
        %gather3A_292 = tpu.vector_load_idx %arg7[%add3A_291] : memref<16384xf32, #tpu.memory_space<vmem>>[vector<16xi32>], vector<16xf32>,
        %add3A_293 = arith.addi %add3A_268, %and3A_82 : vector<16xi32>
        %gather3A_294 = tpu.vector_load_idx %arg7[%add3A_293] : memref<16384xf32, #tpu.memory_space<vmem>>[vector<16xi32>], vector<16xf32>,
        %add3A_295 = arith.addi %add3A_268, %and3A_88 : vector<16xi32>
        %gather3A_296 = tpu.vector_load_idx %arg7[%add3A_295] : memref<16384xf32, #tpu.memory_space<vmem>>[vector<16xi32>], vector<16xf32>,
        %add3A_297 = arith.addi %add3A_268, %and3A_94 : vector<16xi32>
        %gather3A_298 = tpu.vector_load_idx %arg7[%add3A_297] : memref<16384xf32, #tpu.memory_space<vmem>>[vector<16xi32>], vector<16xf32>,
        %add3A_299 = arith.addi %add3A_268, %and3A_100 : vector<16xi32>
        %gather3A_300 = tpu.vector_load_idx %arg7[%add3A_299] : memref<16384xf32, #tpu.memory_space<vmem>>[vector<16xi32>], vector<16xf32>,
        %max3A = arith.maximumf %gather3A_270, %gather3A_272 : vector<16xf32>
        %max3A_301 = arith.maximumf %gather3A_274, %gather3A_276 : vector<16xf32>
        %max3A_302 = arith.maximumf %gather3A_278, %gather3A_280 : vector<16xf32>
        %max3A_303 = arith.maximumf %gather3A_282, %gather3A_284 : vector<16xf32>
        %max3A_304 = arith.maximumf %gather3A_286, %gather3A_288 : vector<16xf32>
        %max3A_305 = arith.maximumf %gather3A_290, %gather3A_292 : vector<16xf32>
        %max3A_306 = arith.maximumf %gather3A_294, %gather3A_296 : vector<16xf32>
        %max3A_307 = arith.maximumf %gather3A_298, %gather3A_300 : vector<16xf32>
        %max3A_308 = arith.maximumf %max3A, %max3A_301 : vector<16xf32>
        %max3A_309 = arith.maximumf %max3A_302, %max3A_303 : vector<16xf32>
        %max3A_310 = arith.maximumf %max3A_304, %max3A_305 : vector<16xf32>
        %max3A_311 = arith.maximumf %max3A_306, %max3A_307 : vector<16xf32>
        %max3A_312 = arith.maximumf %max3A_308, %max3A_309 : vector<16xf32>
        %max3A_313 = arith.maximumf %max3A_310, %max3A_311 : vector<16xf32>
        %max3A_314 = arith.maximumf %max3A_312, %max3A_313 : vector<16xf32>
        %eq3A = arith.cmpf oeq, %gather3A_270, %max3A_314 : vector<16xf32>
        %select_n3A = arith.select %eq3A, %and3A_10, %broadcast_in_dim3A_102 : vector<16xi1>, vector<16xi32>
        %eq3A_315 = arith.cmpf oeq, %gather3A_272, %max3A_314 : vector<16xf32>
        %select_n3A_316 = arith.select %eq3A_315, %and3A_16, %broadcast_in_dim3A_102 : vector<16xi1>, vector<16xi32>
        %eq3A_317 = arith.cmpf oeq, %gather3A_274, %max3A_314 : vector<16xf32>
        %select_n3A_318 = arith.select %eq3A_317, %and3A_22, %broadcast_in_dim3A_102 : vector<16xi1>, vector<16xi32>
        %eq3A_319 = arith.cmpf oeq, %gather3A_276, %max3A_314 : vector<16xf32>
        %select_n3A_320 = arith.select %eq3A_319, %and3A_28, %broadcast_in_dim3A_102 : vector<16xi1>, vector<16xi32>
        %eq3A_321 = arith.cmpf oeq, %gather3A_278, %max3A_314 : vector<16xf32>
        %select_n3A_322 = arith.select %eq3A_321, %and3A_34, %broadcast_in_dim3A_102 : vector<16xi1>, vector<16xi32>
        %eq3A_323 = arith.cmpf oeq, %gather3A_280, %max3A_314 : vector<16xf32>
        %select_n3A_324 = arith.select %eq3A_323, %and3A_40, %broadcast_in_dim3A_102 : vector<16xi1>, vector<16xi32>
        %eq3A_325 = arith.cmpf oeq, %gather3A_282, %max3A_314 : vector<16xf32>
        %select_n3A_326 = arith.select %eq3A_325, %and3A_46, %broadcast_in_dim3A_102 : vector<16xi1>, vector<16xi32>
        %eq3A_327 = arith.cmpf oeq, %gather3A_284, %max3A_314 : vector<16xf32>
        %select_n3A_328 = arith.select %eq3A_327, %and3A_52, %broadcast_in_dim3A_102 : vector<16xi1>, vector<16xi32>
        %eq3A_329 = arith.cmpf oeq, %gather3A_286, %max3A_314 : vector<16xf32>
        %select_n3A_330 = arith.select %eq3A_329, %and3A_58, %broadcast_in_dim3A_102 : vector<16xi1>, vector<16xi32>
        %eq3A_331 = arith.cmpf oeq, %gather3A_288, %max3A_314 : vector<16xf32>
        %select_n3A_332 = arith.select %eq3A_331, %and3A_64, %broadcast_in_dim3A_102 : vector<16xi1>, vector<16xi32>
        %eq3A_333 = arith.cmpf oeq, %gather3A_290, %max3A_314 : vector<16xf32>
        %select_n3A_334 = arith.select %eq3A_333, %and3A_70, %broadcast_in_dim3A_102 : vector<16xi1>, vector<16xi32>
        %eq3A_335 = arith.cmpf oeq, %gather3A_292, %max3A_314 : vector<16xf32>
        %select_n3A_336 = arith.select %eq3A_335, %and3A_76, %broadcast_in_dim3A_102 : vector<16xi1>, vector<16xi32>
        %eq3A_337 = arith.cmpf oeq, %gather3A_294, %max3A_314 : vector<16xf32>
        %select_n3A_338 = arith.select %eq3A_337, %and3A_82, %broadcast_in_dim3A_102 : vector<16xi1>, vector<16xi32>
        %eq3A_339 = arith.cmpf oeq, %gather3A_296, %max3A_314 : vector<16xf32>
        %select_n3A_340 = arith.select %eq3A_339, %and3A_88, %broadcast_in_dim3A_102 : vector<16xi1>, vector<16xi32>
        %eq3A_341 = arith.cmpf oeq, %gather3A_298, %max3A_314 : vector<16xf32>
        %select_n3A_342 = arith.select %eq3A_341, %and3A_94, %broadcast_in_dim3A_102 : vector<16xi1>, vector<16xi32>
        %eq3A_343 = arith.cmpf oeq, %gather3A_300, %max3A_314 : vector<16xf32>
        %select_n3A_344 = arith.select %eq3A_343, %and3A_100, %broadcast_in_dim3A_102 : vector<16xi1>, vector<16xi32>
        %min3A = arith.minsi %select_n3A, %select_n3A_316 : vector<16xi32>
        %min3A_345 = arith.minsi %select_n3A_318, %select_n3A_320 : vector<16xi32>
        %min3A_346 = arith.minsi %select_n3A_322, %select_n3A_324 : vector<16xi32>
        %min3A_347 = arith.minsi %select_n3A_326, %select_n3A_328 : vector<16xi32>
        %min3A_348 = arith.minsi %select_n3A_330, %select_n3A_332 : vector<16xi32>
        %min3A_349 = arith.minsi %select_n3A_334, %select_n3A_336 : vector<16xi32>
        %min3A_350 = arith.minsi %select_n3A_338, %select_n3A_340 : vector<16xi32>
        %min3A_351 = arith.minsi %select_n3A_342, %select_n3A_344 : vector<16xi32>
        %min3A_352 = arith.minsi %min3A, %min3A_345 : vector<16xi32>
        %min3A_353 = arith.minsi %min3A_346, %min3A_347 : vector<16xi32>
        %min3A_354 = arith.minsi %min3A_348, %min3A_349 : vector<16xi32>
        %min3A_355 = arith.minsi %min3A_350, %min3A_351 : vector<16xi32>
        %min3A_356 = arith.minsi %min3A_352, %min3A_353 : vector<16xi32>
        %min3A_357 = arith.minsi %min3A_354, %min3A_355 : vector<16xi32>
        %min3A_358 = arith.minsi %min3A_356, %min3A_357 : vector<16xi32>
        %add3A_359 = arith.constant 32 : i32
        %add3A_360 = vector.broadcast %add3A_359 : i32 to vector<16xi32>
        %add3A_361 = arith.addi %mul3A_254, %add3A_360 : vector<16xi32>
        %add3A_362 = arith.addi %add3A_361, %and3A_10 : vector<16xi32>
        %gather3A_363 = tpu.vector_load_idx %arg7[%add3A_362] : memref<16384xf32, #tpu.memory_space<vmem>>[vector<16xi32>], vector<16xf32>,
        %add3A_364 = arith.addi %add3A_361, %and3A_16 : vector<16xi32>
        %gather3A_365 = tpu.vector_load_idx %arg7[%add3A_364] : memref<16384xf32, #tpu.memory_space<vmem>>[vector<16xi32>], vector<16xf32>,
        %add3A_366 = arith.addi %add3A_361, %and3A_22 : vector<16xi32>
        %gather3A_367 = tpu.vector_load_idx %arg7[%add3A_366] : memref<16384xf32, #tpu.memory_space<vmem>>[vector<16xi32>], vector<16xf32>,
        %add3A_368 = arith.addi %add3A_361, %and3A_28 : vector<16xi32>
        %gather3A_369 = tpu.vector_load_idx %arg7[%add3A_368] : memref<16384xf32, #tpu.memory_space<vmem>>[vector<16xi32>], vector<16xf32>,
        %add3A_370 = arith.addi %add3A_361, %and3A_34 : vector<16xi32>
        %gather3A_371 = tpu.vector_load_idx %arg7[%add3A_370] : memref<16384xf32, #tpu.memory_space<vmem>>[vector<16xi32>], vector<16xf32>,
        %add3A_372 = arith.addi %add3A_361, %and3A_40 : vector<16xi32>
        %gather3A_373 = tpu.vector_load_idx %arg7[%add3A_372] : memref<16384xf32, #tpu.memory_space<vmem>>[vector<16xi32>], vector<16xf32>,
        %add3A_374 = arith.addi %add3A_361, %and3A_46 : vector<16xi32>
        %gather3A_375 = tpu.vector_load_idx %arg7[%add3A_374] : memref<16384xf32, #tpu.memory_space<vmem>>[vector<16xi32>], vector<16xf32>,
        %add3A_376 = arith.addi %add3A_361, %and3A_52 : vector<16xi32>
        %gather3A_377 = tpu.vector_load_idx %arg7[%add3A_376] : memref<16384xf32, #tpu.memory_space<vmem>>[vector<16xi32>], vector<16xf32>,
        %add3A_378 = arith.addi %add3A_361, %and3A_58 : vector<16xi32>
        %gather3A_379 = tpu.vector_load_idx %arg7[%add3A_378] : memref<16384xf32, #tpu.memory_space<vmem>>[vector<16xi32>], vector<16xf32>,
        %add3A_380 = arith.addi %add3A_361, %and3A_64 : vector<16xi32>
        %gather3A_381 = tpu.vector_load_idx %arg7[%add3A_380] : memref<16384xf32, #tpu.memory_space<vmem>>[vector<16xi32>], vector<16xf32>,
        %add3A_382 = arith.addi %add3A_361, %and3A_70 : vector<16xi32>
        %gather3A_383 = tpu.vector_load_idx %arg7[%add3A_382] : memref<16384xf32, #tpu.memory_space<vmem>>[vector<16xi32>], vector<16xf32>,
        %add3A_384 = arith.addi %add3A_361, %and3A_76 : vector<16xi32>
        %gather3A_385 = tpu.vector_load_idx %arg7[%add3A_384] : memref<16384xf32, #tpu.memory_space<vmem>>[vector<16xi32>], vector<16xf32>,
        %add3A_386 = arith.addi %add3A_361, %and3A_82 : vector<16xi32>
        %gather3A_387 = tpu.vector_load_idx %arg7[%add3A_386] : memref<16384xf32, #tpu.memory_space<vmem>>[vector<16xi32>], vector<16xf32>,
        %add3A_388 = arith.addi %add3A_361, %and3A_88 : vector<16xi32>
        %gather3A_389 = tpu.vector_load_idx %arg7[%add3A_388] : memref<16384xf32, #tpu.memory_space<vmem>>[vector<16xi32>], vector<16xf32>,
        %add3A_390 = arith.addi %add3A_361, %and3A_94 : vector<16xi32>
        %gather3A_391 = tpu.vector_load_idx %arg7[%add3A_390] : memref<16384xf32, #tpu.memory_space<vmem>>[vector<16xi32>], vector<16xf32>,
        %add3A_392 = arith.addi %add3A_361, %and3A_100 : vector<16xi32>
        %gather3A_393 = tpu.vector_load_idx %arg7[%add3A_392] : memref<16384xf32, #tpu.memory_space<vmem>>[vector<16xi32>], vector<16xf32>,
        %max3A_394 = arith.maximumf %gather3A_363, %gather3A_365 : vector<16xf32>
        %max3A_395 = arith.maximumf %gather3A_367, %gather3A_369 : vector<16xf32>
        %max3A_396 = arith.maximumf %gather3A_371, %gather3A_373 : vector<16xf32>
        %max3A_397 = arith.maximumf %gather3A_375, %gather3A_377 : vector<16xf32>
        %max3A_398 = arith.maximumf %gather3A_379, %gather3A_381 : vector<16xf32>
        %max3A_399 = arith.maximumf %gather3A_383, %gather3A_385 : vector<16xf32>
        %max3A_400 = arith.maximumf %gather3A_387, %gather3A_389 : vector<16xf32>
        %max3A_401 = arith.maximumf %gather3A_391, %gather3A_393 : vector<16xf32>
        %max3A_402 = arith.maximumf %max3A_394, %max3A_395 : vector<16xf32>
        %max3A_403 = arith.maximumf %max3A_396, %max3A_397 : vector<16xf32>
        %max3A_404 = arith.maximumf %max3A_398, %max3A_399 : vector<16xf32>
        %max3A_405 = arith.maximumf %max3A_400, %max3A_401 : vector<16xf32>
        %max3A_406 = arith.maximumf %max3A_402, %max3A_403 : vector<16xf32>
        %max3A_407 = arith.maximumf %max3A_404, %max3A_405 : vector<16xf32>
        %max3A_408 = arith.maximumf %max3A_406, %max3A_407 : vector<16xf32>
        %eq3A_409 = arith.cmpf oeq, %gather3A_363, %max3A_408 : vector<16xf32>
        %select_n3A_410 = arith.select %eq3A_409, %and3A_10, %broadcast_in_dim3A_102 : vector<16xi1>, vector<16xi32>
        %eq3A_411 = arith.cmpf oeq, %gather3A_365, %max3A_408 : vector<16xf32>
        %select_n3A_412 = arith.select %eq3A_411, %and3A_16, %broadcast_in_dim3A_102 : vector<16xi1>, vector<16xi32>
        %eq3A_413 = arith.cmpf oeq, %gather3A_367, %max3A_408 : vector<16xf32>
        %select_n3A_414 = arith.select %eq3A_413, %and3A_22, %broadcast_in_dim3A_102 : vector<16xi1>, vector<16xi32>
        %eq3A_415 = arith.cmpf oeq, %gather3A_369, %max3A_408 : vector<16xf32>
        %select_n3A_416 = arith.select %eq3A_415, %and3A_28, %broadcast_in_dim3A_102 : vector<16xi1>, vector<16xi32>
        %eq3A_417 = arith.cmpf oeq, %gather3A_371, %max3A_408 : vector<16xf32>
        %select_n3A_418 = arith.select %eq3A_417, %and3A_34, %broadcast_in_dim3A_102 : vector<16xi1>, vector<16xi32>
        %eq3A_419 = arith.cmpf oeq, %gather3A_373, %max3A_408 : vector<16xf32>
        %select_n3A_420 = arith.select %eq3A_419, %and3A_40, %broadcast_in_dim3A_102 : vector<16xi1>, vector<16xi32>
        %eq3A_421 = arith.cmpf oeq, %gather3A_375, %max3A_408 : vector<16xf32>
        %select_n3A_422 = arith.select %eq3A_421, %and3A_46, %broadcast_in_dim3A_102 : vector<16xi1>, vector<16xi32>
        %eq3A_423 = arith.cmpf oeq, %gather3A_377, %max3A_408 : vector<16xf32>
        %select_n3A_424 = arith.select %eq3A_423, %and3A_52, %broadcast_in_dim3A_102 : vector<16xi1>, vector<16xi32>
        %eq3A_425 = arith.cmpf oeq, %gather3A_379, %max3A_408 : vector<16xf32>
        %select_n3A_426 = arith.select %eq3A_425, %and3A_58, %broadcast_in_dim3A_102 : vector<16xi1>, vector<16xi32>
        %eq3A_427 = arith.cmpf oeq, %gather3A_381, %max3A_408 : vector<16xf32>
        %select_n3A_428 = arith.select %eq3A_427, %and3A_64, %broadcast_in_dim3A_102 : vector<16xi1>, vector<16xi32>
        %eq3A_429 = arith.cmpf oeq, %gather3A_383, %max3A_408 : vector<16xf32>
        %select_n3A_430 = arith.select %eq3A_429, %and3A_70, %broadcast_in_dim3A_102 : vector<16xi1>, vector<16xi32>
        %eq3A_431 = arith.cmpf oeq, %gather3A_385, %max3A_408 : vector<16xf32>
        %select_n3A_432 = arith.select %eq3A_431, %and3A_76, %broadcast_in_dim3A_102 : vector<16xi1>, vector<16xi32>
        %eq3A_433 = arith.cmpf oeq, %gather3A_387, %max3A_408 : vector<16xf32>
        %select_n3A_434 = arith.select %eq3A_433, %and3A_82, %broadcast_in_dim3A_102 : vector<16xi1>, vector<16xi32>
        %eq3A_435 = arith.cmpf oeq, %gather3A_389, %max3A_408 : vector<16xf32>
        %select_n3A_436 = arith.select %eq3A_435, %and3A_88, %broadcast_in_dim3A_102 : vector<16xi1>, vector<16xi32>
        %eq3A_437 = arith.cmpf oeq, %gather3A_391, %max3A_408 : vector<16xf32>
        %select_n3A_438 = arith.select %eq3A_437, %and3A_94, %broadcast_in_dim3A_102 : vector<16xi1>, vector<16xi32>
        %eq3A_439 = arith.cmpf oeq, %gather3A_393, %max3A_408 : vector<16xf32>
        %select_n3A_440 = arith.select %eq3A_439, %and3A_100, %broadcast_in_dim3A_102 : vector<16xi1>, vector<16xi32>
        %min3A_441 = arith.minsi %select_n3A_410, %select_n3A_412 : vector<16xi32>
        %min3A_442 = arith.minsi %select_n3A_414, %select_n3A_416 : vector<16xi32>
        %min3A_443 = arith.minsi %select_n3A_418, %select_n3A_420 : vector<16xi32>
        %min3A_444 = arith.minsi %select_n3A_422, %select_n3A_424 : vector<16xi32>
        %min3A_445 = arith.minsi %select_n3A_426, %select_n3A_428 : vector<16xi32>
        %min3A_446 = arith.minsi %select_n3A_430, %select_n3A_432 : vector<16xi32>
        %min3A_447 = arith.minsi %select_n3A_434, %select_n3A_436 : vector<16xi32>
        %min3A_448 = arith.minsi %select_n3A_438, %select_n3A_440 : vector<16xi32>
        %min3A_449 = arith.minsi %min3A_441, %min3A_442 : vector<16xi32>
        %min3A_450 = arith.minsi %min3A_443, %min3A_444 : vector<16xi32>
        %min3A_451 = arith.minsi %min3A_445, %min3A_446 : vector<16xi32>
        %min3A_452 = arith.minsi %min3A_447, %min3A_448 : vector<16xi32>
        %min3A_453 = arith.minsi %min3A_449, %min3A_450 : vector<16xi32>
        %min3A_454 = arith.minsi %min3A_451, %min3A_452 : vector<16xi32>
        %min3A_455 = arith.minsi %min3A_453, %min3A_454 : vector<16xi32>
        %shift_left3A = arith.constant 4 : i32
        %shift_left3A_456 = vector.broadcast %shift_left3A : i32 to vector<16xi32>
        %shift_left3A_457 = arith.shli %min3A_455, %shift_left3A_456 : vector<16xi32>
        %add3A_458 = arith.addi %min3A_358, %shift_left3A_457 : vector<16xi32>
        %add3A_459 = arith.constant 48 : i32
        %add3A_460 = vector.broadcast %add3A_459 : i32 to vector<16xi32>
        %add3A_461 = arith.addi %mul3A_254, %add3A_460 : vector<16xi32>
        %add3A_462 = arith.addi %add3A_461, %and3A_10 : vector<16xi32>
        %gather3A_463 = tpu.vector_load_idx %arg7[%add3A_462] : memref<16384xf32, #tpu.memory_space<vmem>>[vector<16xi32>], vector<16xf32>,
        %add3A_464 = arith.addi %add3A_461, %and3A_16 : vector<16xi32>
        %gather3A_465 = tpu.vector_load_idx %arg7[%add3A_464] : memref<16384xf32, #tpu.memory_space<vmem>>[vector<16xi32>], vector<16xf32>,
        %add3A_466 = arith.addi %add3A_461, %and3A_22 : vector<16xi32>
        %gather3A_467 = tpu.vector_load_idx %arg7[%add3A_466] : memref<16384xf32, #tpu.memory_space<vmem>>[vector<16xi32>], vector<16xf32>,
        %add3A_468 = arith.addi %add3A_461, %and3A_28 : vector<16xi32>
        %gather3A_469 = tpu.vector_load_idx %arg7[%add3A_468] : memref<16384xf32, #tpu.memory_space<vmem>>[vector<16xi32>], vector<16xf32>,
        %add3A_470 = arith.addi %add3A_461, %and3A_34 : vector<16xi32>
        %gather3A_471 = tpu.vector_load_idx %arg7[%add3A_470] : memref<16384xf32, #tpu.memory_space<vmem>>[vector<16xi32>], vector<16xf32>,
        %add3A_472 = arith.addi %add3A_461, %and3A_40 : vector<16xi32>
        %gather3A_473 = tpu.vector_load_idx %arg7[%add3A_472] : memref<16384xf32, #tpu.memory_space<vmem>>[vector<16xi32>], vector<16xf32>,
        %add3A_474 = arith.addi %add3A_461, %and3A_46 : vector<16xi32>
        %gather3A_475 = tpu.vector_load_idx %arg7[%add3A_474] : memref<16384xf32, #tpu.memory_space<vmem>>[vector<16xi32>], vector<16xf32>,
        %add3A_476 = arith.addi %add3A_461, %and3A_52 : vector<16xi32>
        %gather3A_477 = tpu.vector_load_idx %arg7[%add3A_476] : memref<16384xf32, #tpu.memory_space<vmem>>[vector<16xi32>], vector<16xf32>,
        %add3A_478 = arith.addi %add3A_461, %and3A_58 : vector<16xi32>
        %gather3A_479 = tpu.vector_load_idx %arg7[%add3A_478] : memref<16384xf32, #tpu.memory_space<vmem>>[vector<16xi32>], vector<16xf32>,
        %add3A_480 = arith.addi %add3A_461, %and3A_64 : vector<16xi32>
        %gather3A_481 = tpu.vector_load_idx %arg7[%add3A_480] : memref<16384xf32, #tpu.memory_space<vmem>>[vector<16xi32>], vector<16xf32>,
        %add3A_482 = arith.addi %add3A_461, %and3A_70 : vector<16xi32>
        %gather3A_483 = tpu.vector_load_idx %arg7[%add3A_482] : memref<16384xf32, #tpu.memory_space<vmem>>[vector<16xi32>], vector<16xf32>,
        %add3A_484 = arith.addi %add3A_461, %and3A_76 : vector<16xi32>
        %gather3A_485 = tpu.vector_load_idx %arg7[%add3A_484] : memref<16384xf32, #tpu.memory_space<vmem>>[vector<16xi32>], vector<16xf32>,
        %add3A_486 = arith.addi %add3A_461, %and3A_82 : vector<16xi32>
        %gather3A_487 = tpu.vector_load_idx %arg7[%add3A_486] : memref<16384xf32, #tpu.memory_space<vmem>>[vector<16xi32>], vector<16xf32>,
        %add3A_488 = arith.addi %add3A_461, %and3A_88 : vector<16xi32>
        %gather3A_489 = tpu.vector_load_idx %arg7[%add3A_488] : memref<16384xf32, #tpu.memory_space<vmem>>[vector<16xi32>], vector<16xf32>,
        %add3A_490 = arith.addi %add3A_461, %and3A_94 : vector<16xi32>
        %gather3A_491 = tpu.vector_load_idx %arg7[%add3A_490] : memref<16384xf32, #tpu.memory_space<vmem>>[vector<16xi32>], vector<16xf32>,
        %add3A_492 = arith.addi %add3A_461, %and3A_100 : vector<16xi32>
        %gather3A_493 = tpu.vector_load_idx %arg7[%add3A_492] : memref<16384xf32, #tpu.memory_space<vmem>>[vector<16xi32>], vector<16xf32>,
        %max3A_494 = arith.maximumf %gather3A_463, %gather3A_465 : vector<16xf32>
        %max3A_495 = arith.maximumf %gather3A_467, %gather3A_469 : vector<16xf32>
        %max3A_496 = arith.maximumf %gather3A_471, %gather3A_473 : vector<16xf32>
        %max3A_497 = arith.maximumf %gather3A_475, %gather3A_477 : vector<16xf32>
        %max3A_498 = arith.maximumf %gather3A_479, %gather3A_481 : vector<16xf32>
        %max3A_499 = arith.maximumf %gather3A_483, %gather3A_485 : vector<16xf32>
        %max3A_500 = arith.maximumf %gather3A_487, %gather3A_489 : vector<16xf32>
        %max3A_501 = arith.maximumf %gather3A_491, %gather3A_493 : vector<16xf32>
        %max3A_502 = arith.maximumf %max3A_494, %max3A_495 : vector<16xf32>
        %max3A_503 = arith.maximumf %max3A_496, %max3A_497 : vector<16xf32>
        %max3A_504 = arith.maximumf %max3A_498, %max3A_499 : vector<16xf32>
        %max3A_505 = arith.maximumf %max3A_500, %max3A_501 : vector<16xf32>
        %max3A_506 = arith.maximumf %max3A_502, %max3A_503 : vector<16xf32>
        %max3A_507 = arith.maximumf %max3A_504, %max3A_505 : vector<16xf32>
        %max3A_508 = arith.maximumf %max3A_506, %max3A_507 : vector<16xf32>
        %eq3A_509 = arith.cmpf oeq, %gather3A_463, %max3A_508 : vector<16xf32>
        %select_n3A_510 = arith.select %eq3A_509, %and3A_10, %broadcast_in_dim3A_102 : vector<16xi1>, vector<16xi32>
        %eq3A_511 = arith.cmpf oeq, %gather3A_465, %max3A_508 : vector<16xf32>
        %select_n3A_512 = arith.select %eq3A_511, %and3A_16, %broadcast_in_dim3A_102 : vector<16xi1>, vector<16xi32>
        %eq3A_513 = arith.cmpf oeq, %gather3A_467, %max3A_508 : vector<16xf32>
        %select_n3A_514 = arith.select %eq3A_513, %and3A_22, %broadcast_in_dim3A_102 : vector<16xi1>, vector<16xi32>
        %eq3A_515 = arith.cmpf oeq, %gather3A_469, %max3A_508 : vector<16xf32>
        %select_n3A_516 = arith.select %eq3A_515, %and3A_28, %broadcast_in_dim3A_102 : vector<16xi1>, vector<16xi32>
        %eq3A_517 = arith.cmpf oeq, %gather3A_471, %max3A_508 : vector<16xf32>
        %select_n3A_518 = arith.select %eq3A_517, %and3A_34, %broadcast_in_dim3A_102 : vector<16xi1>, vector<16xi32>
        %eq3A_519 = arith.cmpf oeq, %gather3A_473, %max3A_508 : vector<16xf32>
        %select_n3A_520 = arith.select %eq3A_519, %and3A_40, %broadcast_in_dim3A_102 : vector<16xi1>, vector<16xi32>
        %eq3A_521 = arith.cmpf oeq, %gather3A_475, %max3A_508 : vector<16xf32>
        %select_n3A_522 = arith.select %eq3A_521, %and3A_46, %broadcast_in_dim3A_102 : vector<16xi1>, vector<16xi32>
        %eq3A_523 = arith.cmpf oeq, %gather3A_477, %max3A_508 : vector<16xf32>
        %select_n3A_524 = arith.select %eq3A_523, %and3A_52, %broadcast_in_dim3A_102 : vector<16xi1>, vector<16xi32>
        %eq3A_525 = arith.cmpf oeq, %gather3A_479, %max3A_508 : vector<16xf32>
        %select_n3A_526 = arith.select %eq3A_525, %and3A_58, %broadcast_in_dim3A_102 : vector<16xi1>, vector<16xi32>
        %eq3A_527 = arith.cmpf oeq, %gather3A_481, %max3A_508 : vector<16xf32>
        %select_n3A_528 = arith.select %eq3A_527, %and3A_64, %broadcast_in_dim3A_102 : vector<16xi1>, vector<16xi32>
        %eq3A_529 = arith.cmpf oeq, %gather3A_483, %max3A_508 : vector<16xf32>
        %select_n3A_530 = arith.select %eq3A_529, %and3A_70, %broadcast_in_dim3A_102 : vector<16xi1>, vector<16xi32>
        %eq3A_531 = arith.cmpf oeq, %gather3A_485, %max3A_508 : vector<16xf32>
        %select_n3A_532 = arith.select %eq3A_531, %and3A_76, %broadcast_in_dim3A_102 : vector<16xi1>, vector<16xi32>
        %eq3A_533 = arith.cmpf oeq, %gather3A_487, %max3A_508 : vector<16xf32>
        %select_n3A_534 = arith.select %eq3A_533, %and3A_82, %broadcast_in_dim3A_102 : vector<16xi1>, vector<16xi32>
        %eq3A_535 = arith.cmpf oeq, %gather3A_489, %max3A_508 : vector<16xf32>
        %select_n3A_536 = arith.select %eq3A_535, %and3A_88, %broadcast_in_dim3A_102 : vector<16xi1>, vector<16xi32>
        %eq3A_537 = arith.cmpf oeq, %gather3A_491, %max3A_508 : vector<16xf32>
        %select_n3A_538 = arith.select %eq3A_537, %and3A_94, %broadcast_in_dim3A_102 : vector<16xi1>, vector<16xi32>
        %eq3A_539 = arith.cmpf oeq, %gather3A_493, %max3A_508 : vector<16xf32>
        %select_n3A_540 = arith.select %eq3A_539, %and3A_100, %broadcast_in_dim3A_102 : vector<16xi1>, vector<16xi32>
        %min3A_541 = arith.minsi %select_n3A_510, %select_n3A_512 : vector<16xi32>
        %min3A_542 = arith.minsi %select_n3A_514, %select_n3A_516 : vector<16xi32>
        %min3A_543 = arith.minsi %select_n3A_518, %select_n3A_520 : vector<16xi32>
        %min3A_544 = arith.minsi %select_n3A_522, %select_n3A_524 : vector<16xi32>
        %min3A_545 = arith.minsi %select_n3A_526, %select_n3A_528 : vector<16xi32>
        %min3A_546 = arith.minsi %select_n3A_530, %select_n3A_532 : vector<16xi32>
        %min3A_547 = arith.minsi %select_n3A_534, %select_n3A_536 : vector<16xi32>
        %min3A_548 = arith.minsi %select_n3A_538, %select_n3A_540 : vector<16xi32>
        %min3A_549 = arith.minsi %min3A_541, %min3A_542 : vector<16xi32>
        %min3A_550 = arith.minsi %min3A_543, %min3A_544 : vector<16xi32>
        %min3A_551 = arith.minsi %min3A_545, %min3A_546 : vector<16xi32>
        %min3A_552 = arith.minsi %min3A_547, %min3A_548 : vector<16xi32>
        %min3A_553 = arith.minsi %min3A_549, %min3A_550 : vector<16xi32>
        %min3A_554 = arith.minsi %min3A_551, %min3A_552 : vector<16xi32>
        %min3A_555 = arith.minsi %min3A_553, %min3A_554 : vector<16xi32>
        %add3A_556 = arith.constant 64 : i32
        %add3A_557 = vector.broadcast %add3A_556 : i32 to vector<16xi32>
        %add3A_558 = arith.addi %mul3A_254, %add3A_557 : vector<16xi32>
        %add3A_559 = arith.addi %add3A_558, %and3A_10 : vector<16xi32>
        %gather3A_560 = tpu.vector_load_idx %arg7[%add3A_559] : memref<16384xf32, #tpu.memory_space<vmem>>[vector<16xi32>], vector<16xf32>,
        %add3A_561 = arith.addi %add3A_558, %and3A_16 : vector<16xi32>
        %gather3A_562 = tpu.vector_load_idx %arg7[%add3A_561] : memref<16384xf32, #tpu.memory_space<vmem>>[vector<16xi32>], vector<16xf32>,
        %add3A_563 = arith.addi %add3A_558, %and3A_22 : vector<16xi32>
        %gather3A_564 = tpu.vector_load_idx %arg7[%add3A_563] : memref<16384xf32, #tpu.memory_space<vmem>>[vector<16xi32>], vector<16xf32>,
        %add3A_565 = arith.addi %add3A_558, %and3A_28 : vector<16xi32>
        %gather3A_566 = tpu.vector_load_idx %arg7[%add3A_565] : memref<16384xf32, #tpu.memory_space<vmem>>[vector<16xi32>], vector<16xf32>,
        %add3A_567 = arith.addi %add3A_558, %and3A_34 : vector<16xi32>
        %gather3A_568 = tpu.vector_load_idx %arg7[%add3A_567] : memref<16384xf32, #tpu.memory_space<vmem>>[vector<16xi32>], vector<16xf32>,
        %add3A_569 = arith.addi %add3A_558, %and3A_40 : vector<16xi32>
        %gather3A_570 = tpu.vector_load_idx %arg7[%add3A_569] : memref<16384xf32, #tpu.memory_space<vmem>>[vector<16xi32>], vector<16xf32>,
        %add3A_571 = arith.addi %add3A_558, %and3A_46 : vector<16xi32>
        %gather3A_572 = tpu.vector_load_idx %arg7[%add3A_571] : memref<16384xf32, #tpu.memory_space<vmem>>[vector<16xi32>], vector<16xf32>,
        %add3A_573 = arith.addi %add3A_558, %and3A_52 : vector<16xi32>
        %gather3A_574 = tpu.vector_load_idx %arg7[%add3A_573] : memref<16384xf32, #tpu.memory_space<vmem>>[vector<16xi32>], vector<16xf32>,
        %add3A_575 = arith.addi %add3A_558, %and3A_58 : vector<16xi32>
        %gather3A_576 = tpu.vector_load_idx %arg7[%add3A_575] : memref<16384xf32, #tpu.memory_space<vmem>>[vector<16xi32>], vector<16xf32>,
        %add3A_577 = arith.addi %add3A_558, %and3A_64 : vector<16xi32>
        %gather3A_578 = tpu.vector_load_idx %arg7[%add3A_577] : memref<16384xf32, #tpu.memory_space<vmem>>[vector<16xi32>], vector<16xf32>,
        %add3A_579 = arith.addi %add3A_558, %and3A_70 : vector<16xi32>
        %gather3A_580 = tpu.vector_load_idx %arg7[%add3A_579] : memref<16384xf32, #tpu.memory_space<vmem>>[vector<16xi32>], vector<16xf32>,
        %add3A_581 = arith.addi %add3A_558, %and3A_76 : vector<16xi32>
        %gather3A_582 = tpu.vector_load_idx %arg7[%add3A_581] : memref<16384xf32, #tpu.memory_space<vmem>>[vector<16xi32>], vector<16xf32>,
        %add3A_583 = arith.addi %add3A_558, %and3A_82 : vector<16xi32>
        %gather3A_584 = tpu.vector_load_idx %arg7[%add3A_583] : memref<16384xf32, #tpu.memory_space<vmem>>[vector<16xi32>], vector<16xf32>,
        %add3A_585 = arith.addi %add3A_558, %and3A_88 : vector<16xi32>
        %gather3A_586 = tpu.vector_load_idx %arg7[%add3A_585] : memref<16384xf32, #tpu.memory_space<vmem>>[vector<16xi32>], vector<16xf32>,
        %add3A_587 = arith.addi %add3A_558, %and3A_94 : vector<16xi32>
        %gather3A_588 = tpu.vector_load_idx %arg7[%add3A_587] : memref<16384xf32, #tpu.memory_space<vmem>>[vector<16xi32>], vector<16xf32>,
        %add3A_589 = arith.addi %add3A_558, %and3A_100 : vector<16xi32>
        %gather3A_590 = tpu.vector_load_idx %arg7[%add3A_589] : memref<16384xf32, #tpu.memory_space<vmem>>[vector<16xi32>], vector<16xf32>,
        %max3A_591 = arith.maximumf %gather3A_560, %gather3A_562 : vector<16xf32>
        %max3A_592 = arith.maximumf %gather3A_564, %gather3A_566 : vector<16xf32>
        %max3A_593 = arith.maximumf %gather3A_568, %gather3A_570 : vector<16xf32>
        %max3A_594 = arith.maximumf %gather3A_572, %gather3A_574 : vector<16xf32>
        %max3A_595 = arith.maximumf %gather3A_576, %gather3A_578 : vector<16xf32>
        %max3A_596 = arith.maximumf %gather3A_580, %gather3A_582 : vector<16xf32>
        %max3A_597 = arith.maximumf %gather3A_584, %gather3A_586 : vector<16xf32>
        %max3A_598 = arith.maximumf %gather3A_588, %gather3A_590 : vector<16xf32>
        %max3A_599 = arith.maximumf %max3A_591, %max3A_592 : vector<16xf32>
        %max3A_600 = arith.maximumf %max3A_593, %max3A_594 : vector<16xf32>
        %max3A_601 = arith.maximumf %max3A_595, %max3A_596 : vector<16xf32>
        %max3A_602 = arith.maximumf %max3A_597, %max3A_598 : vector<16xf32>
        %max3A_603 = arith.maximumf %max3A_599, %max3A_600 : vector<16xf32>
        %max3A_604 = arith.maximumf %max3A_601, %max3A_602 : vector<16xf32>
        %max3A_605 = arith.maximumf %max3A_603, %max3A_604 : vector<16xf32>
        %eq3A_606 = arith.cmpf oeq, %gather3A_560, %max3A_605 : vector<16xf32>
        %select_n3A_607 = arith.select %eq3A_606, %and3A_10, %broadcast_in_dim3A_102 : vector<16xi1>, vector<16xi32>
        %eq3A_608 = arith.cmpf oeq, %gather3A_562, %max3A_605 : vector<16xf32>
        %select_n3A_609 = arith.select %eq3A_608, %and3A_16, %broadcast_in_dim3A_102 : vector<16xi1>, vector<16xi32>
        %eq3A_610 = arith.cmpf oeq, %gather3A_564, %max3A_605 : vector<16xf32>
        %select_n3A_611 = arith.select %eq3A_610, %and3A_22, %broadcast_in_dim3A_102 : vector<16xi1>, vector<16xi32>
        %eq3A_612 = arith.cmpf oeq, %gather3A_566, %max3A_605 : vector<16xf32>
        %select_n3A_613 = arith.select %eq3A_612, %and3A_28, %broadcast_in_dim3A_102 : vector<16xi1>, vector<16xi32>
        %eq3A_614 = arith.cmpf oeq, %gather3A_568, %max3A_605 : vector<16xf32>
        %select_n3A_615 = arith.select %eq3A_614, %and3A_34, %broadcast_in_dim3A_102 : vector<16xi1>, vector<16xi32>
        %eq3A_616 = arith.cmpf oeq, %gather3A_570, %max3A_605 : vector<16xf32>
        %select_n3A_617 = arith.select %eq3A_616, %and3A_40, %broadcast_in_dim3A_102 : vector<16xi1>, vector<16xi32>
        %eq3A_618 = arith.cmpf oeq, %gather3A_572, %max3A_605 : vector<16xf32>
        %select_n3A_619 = arith.select %eq3A_618, %and3A_46, %broadcast_in_dim3A_102 : vector<16xi1>, vector<16xi32>
        %eq3A_620 = arith.cmpf oeq, %gather3A_574, %max3A_605 : vector<16xf32>
        %select_n3A_621 = arith.select %eq3A_620, %and3A_52, %broadcast_in_dim3A_102 : vector<16xi1>, vector<16xi32>
        %eq3A_622 = arith.cmpf oeq, %gather3A_576, %max3A_605 : vector<16xf32>
        %select_n3A_623 = arith.select %eq3A_622, %and3A_58, %broadcast_in_dim3A_102 : vector<16xi1>, vector<16xi32>
        %eq3A_624 = arith.cmpf oeq, %gather3A_578, %max3A_605 : vector<16xf32>
        %select_n3A_625 = arith.select %eq3A_624, %and3A_64, %broadcast_in_dim3A_102 : vector<16xi1>, vector<16xi32>
        %eq3A_626 = arith.cmpf oeq, %gather3A_580, %max3A_605 : vector<16xf32>
        %select_n3A_627 = arith.select %eq3A_626, %and3A_70, %broadcast_in_dim3A_102 : vector<16xi1>, vector<16xi32>
        %eq3A_628 = arith.cmpf oeq, %gather3A_582, %max3A_605 : vector<16xf32>
        %select_n3A_629 = arith.select %eq3A_628, %and3A_76, %broadcast_in_dim3A_102 : vector<16xi1>, vector<16xi32>
        %eq3A_630 = arith.cmpf oeq, %gather3A_584, %max3A_605 : vector<16xf32>
        %select_n3A_631 = arith.select %eq3A_630, %and3A_82, %broadcast_in_dim3A_102 : vector<16xi1>, vector<16xi32>
        %eq3A_632 = arith.cmpf oeq, %gather3A_586, %max3A_605 : vector<16xf32>
        %select_n3A_633 = arith.select %eq3A_632, %and3A_88, %broadcast_in_dim3A_102 : vector<16xi1>, vector<16xi32>
        %eq3A_634 = arith.cmpf oeq, %gather3A_588, %max3A_605 : vector<16xf32>
        %select_n3A_635 = arith.select %eq3A_634, %and3A_94, %broadcast_in_dim3A_102 : vector<16xi1>, vector<16xi32>
        %eq3A_636 = arith.cmpf oeq, %gather3A_590, %max3A_605 : vector<16xf32>
        %select_n3A_637 = arith.select %eq3A_636, %and3A_100, %broadcast_in_dim3A_102 : vector<16xi1>, vector<16xi32>
        %min3A_638 = arith.minsi %select_n3A_607, %select_n3A_609 : vector<16xi32>
        %min3A_639 = arith.minsi %select_n3A_611, %select_n3A_613 : vector<16xi32>
        %min3A_640 = arith.minsi %select_n3A_615, %select_n3A_617 : vector<16xi32>
        %min3A_641 = arith.minsi %select_n3A_619, %select_n3A_621 : vector<16xi32>
        %min3A_642 = arith.minsi %select_n3A_623, %select_n3A_625 : vector<16xi32>
        %min3A_643 = arith.minsi %select_n3A_627, %select_n3A_629 : vector<16xi32>
        %min3A_644 = arith.minsi %select_n3A_631, %select_n3A_633 : vector<16xi32>
        %min3A_645 = arith.minsi %select_n3A_635, %select_n3A_637 : vector<16xi32>
        %min3A_646 = arith.minsi %min3A_638, %min3A_639 : vector<16xi32>
        %min3A_647 = arith.minsi %min3A_640, %min3A_641 : vector<16xi32>
        %min3A_648 = arith.minsi %min3A_642, %min3A_643 : vector<16xi32>
        %min3A_649 = arith.minsi %min3A_644, %min3A_645 : vector<16xi32>
        %min3A_650 = arith.minsi %min3A_646, %min3A_647 : vector<16xi32>
        %min3A_651 = arith.minsi %min3A_648, %min3A_649 : vector<16xi32>
        %min3A_652 = arith.minsi %min3A_650, %min3A_651 : vector<16xi32>
        %shift_left3A_653 = arith.constant 4 : i32
        %shift_left3A_654 = vector.broadcast %shift_left3A_653 : i32 to vector<16xi32>
        %shift_left3A_655 = arith.shli %min3A_652, %shift_left3A_654 : vector<16xi32>
        %add3A_656 = arith.addi %min3A_555, %shift_left3A_655 : vector<16xi32>
        %mul3A_657 = arith.muli %add3A_458, %add3A_656 : vector<16xi32>
        %and3A_658 = arith.constant 255 : i32
        %and3A_659 = vector.broadcast %and3A_658 : i32 to vector<16xi32>
        %and3A_660 = arith.andi %mul3A_657, %and3A_659 : vector<16xi32>
        %add3A_661 = arith.constant 80 : i32
        %add3A_662 = vector.broadcast %add3A_661 : i32 to vector<16xi32>
        %add3A_663 = arith.addi %mul3A_254, %add3A_662 : vector<16xi32>
        %and3A_664 = arith.constant 15 : i32
        %and3A_665 = vector.broadcast %and3A_664 : i32 to vector<16xi32>
        %and3A_666 = arith.andi %and3A_660, %and3A_665 : vector<16xi32>
        %add3A_667 = arith.addi %add3A_663, %and3A_666 : vector<16xi32>
        tpu.vector_store_idx %arg7[%add3A_667], %broadcast_in_dim3A_5 masked %and3A_265 {add = true} : memref<16384xf32, #tpu.memory_space<vmem>>[vector<16xi32>], vector<16xf32>, vector<16xi1>
        %add3A_668 = arith.constant 96 : i32
        %add3A_669 = vector.broadcast %add3A_668 : i32 to vector<16xi32>
        %add3A_670 = arith.addi %mul3A_254, %add3A_669 : vector<16xi32>
        %shift_right_arithmetic3A = arith.constant 4 : i32
        %shift_right_arithmetic3A_671 = vector.broadcast %shift_right_arithmetic3A : i32 to vector<16xi32>
        %shift_right_arithmetic3A_672 = arith.shrsi %and3A_660, %shift_right_arithmetic3A_671 : vector<16xi32>
        %add3A_673 = arith.addi %add3A_670, %shift_right_arithmetic3A_672 : vector<16xi32>
        tpu.vector_store_idx %arg7[%add3A_673], %broadcast_in_dim3A_5 masked %and3A_265 {add = true} : memref<16384xf32, #tpu.memory_space<vmem>>[vector<16xi32>], vector<16xf32>, vector<16xi1>
      }
      %scan3A_241 = arith.constant 8 : i32
      %mul3A_242 = arith.constant 16384 : i32
      %mul3A_243 = arith.muli %add3A_218, %mul3A_242 : i32
      %add3A_244 = arith.addi %mul3A_4, %mul3A_243 : i32
      %dma_start3A_245 = tpu.memref_slice %arg3[%add3A_244] : memref<33554432xf32, #tpu.memory_space<hbm>> -> memref<16384xf32, #tpu.memory_space<hbm>>
      %dma_start3A_246 = tpu.memref_slice %arg3[%add3A_244] : memref<33554432xf32, #tpu.memory_space<hbm>> -> memref<16384xf32, #tpu.memory_space<hbm>>
      tpu.enqueue_dma source(%arg7 : memref<16384xf32, #tpu.memory_space<vmem>>) target(%dma_start3A_246 : memref<16384xf32, #tpu.memory_space<hbm>>) target_semaphore(%arg15 : memref<!tpu.dma_semaphore, #tpu.memory_space<semaphore_mem>>)
    }
    %scan3A_114 = arith.constant 16 : i32
    %add3A_115 = arith.constant 1015808 : i32
    %add3A_116 = arith.addi %mul3A_4, %add3A_115 : i32
    %dma_wait3A = tpu.memref_slice %arg3[%add3A_116] : memref<33554432xf32, #tpu.memory_space<hbm>> -> memref<16384xf32, #tpu.memory_space<hbm>>
    %dma_wait3A_117 = tpu.memref_slice %arg3[%add3A_116] : memref<33554432xf32, #tpu.memory_space<hbm>> -> memref<16384xf32, #tpu.memory_space<hbm>>
    tpu.wait_dma2 semaphore(%arg14 : memref<!tpu.dma_semaphore, #tpu.memory_space<semaphore_mem>>) src(%arg6 : memref<16384xf32, #tpu.memory_space<vmem>>) dst(%dma_wait3A_117 : memref<16384xf32, #tpu.memory_space<hbm>>)
    %add3A_118 = arith.constant 1032192 : i32
    %add3A_119 = arith.addi %mul3A_4, %add3A_118 : i32
    %dma_wait3A_120 = tpu.memref_slice %arg3[%add3A_119] : memref<33554432xf32, #tpu.memory_space<hbm>> -> memref<16384xf32, #tpu.memory_space<hbm>>
    %dma_wait3A_121 = tpu.memref_slice %arg3[%add3A_119] : memref<33554432xf32, #tpu.memory_space<hbm>> -> memref<16384xf32, #tpu.memory_space<hbm>>
    tpu.wait_dma2 semaphore(%arg15 : memref<!tpu.dma_semaphore, #tpu.memory_space<semaphore_mem>>) src(%arg7 : memref<16384xf32, #tpu.memory_space<vmem>>) dst(%dma_wait3A_121 : memref<16384xf32, #tpu.memory_space<hbm>>)
    return
  }
}

</mosaic_0001>

<sc_bundles>
// kernel: kernel.3.cloned.1.call-start
scs
__scs_entry_jumppad:
0x0: {  	(pc) =	sbr.rel $0x88, $3  }
0x1: {  	(tag) =	ssettag $0x0;
	lr =	simm.s32 $0x1  }
0x2: {  	[smem:$0x3FA0] =	sst lr;
	_ =	strace $0xD0000000  }
0x3: {  	_ = 	snop  }
0x4: {  	_ = 	snop  }
0x5: {  	_ = 	snop  }
0x6: {  	_ = 	snop  }
0x7: {  	_ = 	snop  }
__scs_overlays_trampoline_lowered:
0x8: {  	[smem:$0x3FAF] =	sst s0  }
0x9: {  	[smem:$0x3FB0] =	sst s1  }
0xa: {  	[smem:$0x3FB1] =	sst s2  }
0xb: {  	[smem:$0x3FB2] =	sst s3  }
0xc: {  	[smem:$0x3FB3] =	sst s4  }
0xd: {  	[smem:$0x3FB4] =	sst s5  }
0xe: {  	[smem:$0x3FB5] =	sst s6  }
0xf: {  	[smem:$0x3FB6] =	sst s7  }
0x10: {  	[smem:$0x3FB7] =	sst s8  }
0x11: {  	[smem:$0x3FB8] =	sst s9;
	s0 =	simm.s32 @!p0 $0x0  }
0x12: {  	s1 =	sld [smem:$0x3F9E];
	s0 =	simm.s32 @p0 $0x1  }
0x13: {  	[smem:$0x3FB9] =	sst s0;
	s0 =	simm.s32 @!p1 $0x0  }
0x14: {  	s2 =	sld [smem:$0x3F9D];
	s0 =	simm.s32 @p1 $0x1  }
0x15: {  	[smem:$0x3FBA] =	sst s0;
	s0 =	simm.s32 @!p2 $0x0  }
0x16: {  	s3 =	sld [smem:$0x3FDB];
	s0 =	simm.s32 @p2 $0x1  }
0x17: {  	s4 =	simm.s32 $0x1BF5;
	[smem:$0x3FBC] =	sst s0  }
0x18: {  	s0 =	sld [smem:$0x3F9F];
	_ =	swait.ge [sflag:s4], $0x0  }
0x19: {  	s7 =	sld [smem:$0x3FA0]  }
0x1a: {  	s8 =	sadd.s32 $0xFFFFE003, lr  }
0x1b: {  	s9 =	sadd.s32 $0xFFFFFEF7, lr;
	s5 =	simm.s32 $0xFFFFFFFF;
	p2 =	slt.u32 s8, $0xFFFFF086  }
0x1c: {  	p1 =	slt.u32 s9, $0xF7A;
	s5 =	simm.s32 @!p2 $0x0  }
0x1d: {  	s5 =	simm.s32 @p1 $0x1;
	p0 =	seq.s32 s7, s2  }
0x1e: {  	s7 =	smul.u32 @!p0 $0xF7A, s2;
	p2 =	seq.s32 @!p0 s5, $0x0  }
0x1f: {  	s9 =	smul.u32 $0xF7A, s1;
	s8 =	simm.s32 @!p0 $0x1BF5;
	p2 =	por !p2, p0  }
0x20: {  	[sflag:s8] =	ssyncset.s32 @!p0 $0xFFFFF086;
	s6 =	sadd.s32 @!p0 s3, s7;
	s7 =	simm.s32 @!p0 $0x108  }
0x21: {  	s3 =	sadd.s32 s3, s9;
	s6 =	sadd.s32 @!p0 $0x88, s6;
	s7 =	simm.s32 @p2 $0x1082  }
0x22: {  	[simem:s7], [sflag:s8] =	dma.local @!p0 [hbm:s6], $0xF7A  }
0x23: {  	s9 =	sor.u32 $0xD0000000, s2;
	s6 =	simm.s32 $0x108;
	_ =	swait.ge @!p0 [sflag:s8], $0x0  }
0x24: {  	s3 =	sadd.s32 $0x88, s3;
	s6 =	simm.s32 @!p1 $0x1082;
	[sflag:s4] =	ssyncset.s32 $0xFFFFF086  }
0x25: {  	[simem:s6], [sflag:s4] =	dma.local [hbm:s3], $0xF7A  }
0x26: {  	[smem:$0x3FA0] =	sst s1;
	(tag) =	ssettag s2;
	_ =	strace s9  }
0x27: {  	s1 =	sld [smem:$0x3FB0]  }
0x28: {  	s2 =	sld [smem:$0x3FB1]  }
0x29: {  	s4 =	sld [smem:$0x3FB3]  }
0x2a: {  	p0 =	seq.s32 s5, $0x0;
	s5 =	sld [smem:$0x3FB4]  }
0x2b: {  	s6 =	sld [smem:$0x3FB5]  }
0x2c: {  	s7 =	sld [smem:$0x3FB6]  }
0x2d: {  	s3 =	simm.s32 $0x108;
	s8 =	sld [smem:$0x3FB7]  }
0x2e: {  	s3 =	simm.s32 @!p0 $0x1082;
	s9 =	sld [smem:$0x3FB8]  }
0x2f: {  	lr =	sadd.s32 s0, s3;
	s0 =	sld [smem:$0x3FAF]  }
0x30: {  	s3 =	sld [smem:$0x3FB2]  }
0x31: {  	[smem:$0x3FBB] =	sst s10  }
0x32: {  	s10 =	sld [smem:$0x3FB9];
	_ =	sdelay $0x3  }
0x33: {  	p0 =	seq.s32 s10, $0x1;
	s10 =	sld [smem:$0x3FBB];
	_ =	sdelay $0x3  }
0x34: {  	[smem:$0x3FBB] =	sst s10  }
0x35: {  	s10 =	sld [smem:$0x3FBA];
	_ =	sdelay $0x3  }
0x36: {  	p1 =	seq.s32 s10, $0x1;
	s10 =	sld [smem:$0x3FBB];
	_ =	sdelay $0x3  }
0x37: {  	[smem:$0x3FBB] =	sst s10  }
0x38: {  	s10 =	sld [smem:$0x3FBC]  }
0x39: {  	_ = 	snop;
	(pc) =	sbr.ind lr, $3  }
0x3a: {  	_ = 	snop  }
0x3b: {  	_ = 	snop  }
0x3c: {  	p2 =	seq.s32 s10, $0x1;
	s10 =	sld [smem:$0x3FBB]  }
0x3d: {  	_ =	shalt  }
0x3e: {  	_ =	shalt  }
0x3f: {  	_ =	shalt  }
0x40: {  	_ =	shalt  }
0x41: {  	_ =	shalt  }
0x42: {  	_ =	shalt  }
0x43: {  	_ =	shalt  }
0x44: {  	_ =	shalt  }
0x45: {  	_ =	shalt  }
0x46: {  	_ =	shalt  }
0x47: {  	_ =	shalt  }
0x48: {  	_ =	shalt  }
0x49: {  	_ =	shalt  }
0x4a: {  	_ =	shalt  }
0x4b: {  	_ =	shalt  }
0x4c: {  	_ =	shalt  }
0x4d: {  	_ =	shalt  }
0x4e: {  	_ =	shalt  }
0x4f: {  	_ =	shalt  }
0x50: {  	_ =	shalt  }
0x51: {  	_ =	shalt  }
0x52: {  	_ =	shalt  }
0x53: {  	_ =	shalt  }
0x54: {  	_ =	shalt  }
0x55: {  	_ =	shalt  }
0x56: {  	_ =	shalt  }
0x57: {  	_ =	shalt  }
0x58: {  	_ =	shalt  }
0x59: {  	_ =	shalt  }
0x5a: {  	_ =	shalt  }
0x5b: {  	_ =	shalt  }
0x5c: {  	_ =	shalt  }
0x5d: {  	_ =	shalt  }
0x5e: {  	_ =	shalt  }
0x5f: {  	_ =	shalt  }
0x60: {  	_ =	shalt  }
0x61: {  	_ =	shalt  }
0x62: {  	_ =	shalt  }
0x63: {  	_ =	shalt  }
0x64: {  	_ =	shalt  }
0x65: {  	_ =	shalt  }
0x66: {  	_ =	shalt  }
0x67: {  	_ =	shalt  }
0x68: {  	_ =	shalt  }
0x69: {  	_ =	shalt  }
0x6a: {  	_ =	shalt  }
0x6b: {  	_ =	shalt  }
0x6c: {  	_ =	shalt  }
0x6d: {  	_ =	shalt  }
0x6e: {  	_ =	shalt  }
0x6f: {  	_ =	shalt  }
0x70: {  	_ =	shalt  }
0x71: {  	_ =	shalt  }
0x72: {  	_ =	shalt  }
0x73: {  	_ =	shalt  }
0x74: {  	_ =	shalt  }
0x75: {  	_ =	shalt  }
0x76: {  	_ =	shalt  }
0x77: {  	_ =	shalt  }
0x78: {  	_ =	shalt  }
0x79: {  	_ =	shalt  }
0x7a: {  	_ =	shalt  }
0x7b: {  	_ =	shalt  }
0x7c: {  	_ =	shalt  }
0x7d: {  	_ =	shalt  }
0x7e: {  	_ =	shalt  }
0x7f: {  	_ =	shalt  }
0x80: {  	_ =	shalt  }
0x81: {  	_ =	shalt  }
0x82: {  	_ =	shalt  }
0x83: {  	_ =	shalt  }
0x84: {  	_ =	shalt  }
0x85: {  	_ =	shalt  }
0x86: {  	_ =	shalt  }
0x87: {  	_ =	shalt  }
.Lfunc_end0:
.L_simem_size_0:
called_computation_lowered:
.L_overlay_start_0:
0x88: {  	s2 =	sld [smem:$0x3FD9]  }
0x89: {  	s3 =	sld [smem:$0x3FFE];
	_ =	sdelay $0x1  }
0x8a: {  	s1 =	srdreg.scid  }
0x8b: {  	s0 =	sand.u32 $0x1, s1  }
0x8c: {  	s18 =	sshll.u32 s0, $0xA;
	s2 =	sadd.s32 s3, s2  }
0x8d: {  	s2 =	sadd.s32 s2, s18  }
0x8e: {  	[smem:$0x3FC7] =	sst s2  }
0x8f: {  	_ = 	snop  }
0x90: {  	s2 =	sld [smem:$0x3FC9]  }
0x91: {  	s19 =	sld [smem:$0x3FD0];
	(tm) =	ssettm $0x1  }
0x92: {  	s4 =	sld [smem:$0x3FFB];
	_ =	sdelay $0x3  }
0x93: {  	_ =	strace s4  }
0x94: {  	s4 =	sld [smem:$0x3FFC];
	_ =	sdelay $0x3  }
0x95: {  	_ =	strace s4  }
0x96: {  	s4 =	sld [smem:$0x3FFD];
	_ =	sdelay $0x3  }
0x97: {  	_ =	strace s4  }
0x98: {  	_ =	strace $0x8FFFFFFF  }
0x99: {  	s20 =	sld [smem:$0x3FDB];
	_ =	sdelay $0x1  }
0x9a: {  	s5 =	simm.s32 $_scs_section_size  }
0x9b: {  	s6 =	simm.s32 $_size__tile_overlayer_lowered;
	s7 =	simm.s32 $_tile_overlayer_lowered  }
0x9c: {  	s23 =	simm.s32 $0x1BFF;
	s22 =	sshll.u32 s7, $0x1;
	s4 =	sadd.s32 s5, s20  }
0x9d: {  	s8 =	simm.s32 $0x0;
	s21 =	sshll.u32 s6, $0x1;
	s6 =	sadd.s32 s22, s4  }
0x9e: {  	[timem:s8], [sflag:s23] =	dma.local [hbm:s6], s21  }
0x9f: {  	_ =	swait.ge [sflag:s23], s21  }
0xa0: {  	s5 =	ssub.s32 $0x0, s21;
	[sflag:s23] =	ssyncset.done $0x0  }
0xa1: {  	[sflag:s23] =	ssyncadd.s32 s5;
	_ =	sdelay $0x1  }
0xa2: {  	s24 =	simm.s32 $0x1B8B  }
0xa3: {  	_ =	swait.ge [sflag:s24], $0x1  }
0xa4: {  	[sflag:s24] =	ssyncset.done $0x0  }
0xa5: {  	s25 =	simm.s32 $0x1B8E;
	[sflag:s24] =	ssyncadd.s32 $0xFFFFFFFF  }
0xa6: {  	s26 =	simm.s32 $execute0_lowered;
	[smem:$0x3FD2] =	sst s25  }
0xa7: {  	s5 =	sshll.u32 s26, $0x1;
	_ =	strace $0x80000046;
	[dreg:$0x1] =	wrdreg $0xFFFFFFFF  }
0xa8: {  	s28 =	simm.s32 $_size_execute0_lowered;
	s4 =	sadd.s32 s4, s5;
	[dreg:$0x0] =	wrdreg $0x0  }
0xa9: {  	s5 =	sshll.u32 s28, $0x1;
	[dreg:$0x2] =	wrdreg s4  }
0xaa: {  	[dreg:$0x3] =	wrdreg s5  }
0xab: {  	[dreg:$0x4] =	wrdreg $0xC0  }
0xac: {  	_ =	task [dreg:s8], $0x5FFFF  }
0xad: {  	[dreg:$0x1] =	wrdreg $0xFFFFFFFF  }
0xae: {  	[dreg:$0x0] =	wrdreg $0x60  }
0xaf: {  	[dreg:$0x2] =	wrdreg s2  }
0xb0: {  	[dreg:$0x3] =	wrdreg s19  }
0xb1: {  	[dreg:$0x4] =	wrdreg $0x9  }
0xb2: {  	_ =	task.clear_ibuf [dreg:s8], $0x5FFFF;
	_ =	strace $0x90000046  }
0xb3: {  	s29 =	simm.s32 $0x9;
	_ =	strace $0x80000048  }
0xb4: {  	_ =	swait.ge [sflag:s29], $0x1  }
0xb5: {  	[sflag:s29] =	ssyncadd.s32 $0xFFFFFFFF  }
0xb6: {  	_ =	strace $0x90000048  }
0xb7: {  	_ =	sfence  }
0xb8: {  	s30 =	sld [smem:$0x0];
	_ =	sdelay $0x2  }
0xb9: {  	s31 =	sshll.u32 s1, $0xD;
	s1 =	sshrl.u32 s1, $0x2  }
0xba: {  	s3 =	sand.u32 $0x4000, s31;
	s1 =	sadd.s32 s1, s30  }
0xbb: {  	s0 =	sor.u32 s3, s0;
	s1 =	sshll.u32 s1, $0x11  }
0xbc: {  	s0 =	sor.u32 s1, s0  }
0xbd: {  	s0 =	sadd.s32 $0x8F2B, s0  }
0xbe: {  	[sflag:s0] =	ssyncadd.remote.s32 $0x1  }
0xbf: {  	_ =	sfence.sel $0xFFFF  }
0xc0: {  	[dreg:$0x0] =	wrdreg $0xFFFFFFFF;
	(pc) =	sbr.abs _section_cstart, $3  }
0xc1: {  	[dreg:$0x1] =	wrdreg $0xFFFFFFFF  }
0xc2: {  	_ =	task.clear_ibuf [dreg:s8], $0x2FFFF;
	_ =	strace $0x9FFFFFFF  }
0xc3: {  	(tm) =	ssettm $0x7FFFFFFF  }
tec
execute0_lowered:
.L_overlay_start_1:
0x0: {  	(tag) =	ssettag $0x1  }
0x1: {  	v0 =	vimm.s32 $0x1C1B1A19;
	v1 =	vimm.s32 $0x101F1E1D;
	vm10 =	vcmask $0x1F10  }
0x2: {  	v3 =	vimm.s32 $0x14131211;
	v4 =	vimm.s32 $0x18171615;
	v5 =	vimm.s32 $0x1D1C1B1A  }
0x3: {  	v6 =	vimm.s32 $0x11101F1E;
	v7 =	vimm.s32 $0x15141312;
	v8 =	vimm.s32 $0x19181716  }
0x4: {  	v11 =	vimm.s32 $0x1E1D1C1B;
	v12 =	vimm.s32 $0x1211101F;
	v14 =	vimm.s32 $0x16151413  }
0x5: {  	v15 =	vimm.s32 $0x1A191817;
	v16 =	vimm.s32 $0x1F1E1D1C;
	v17 =	vimm.s32 $0x13121110  }
0x6: {  	v18 =	vimm.s32 $0x17161514;
	v19 =	vimm.s32 $0x1B1A1918;
	v47 =	vimm.s32 $0x87654321  }
0x7: {  	v49 =	vimm.s32 $0xCBA98765;
	v50 =	vimm.s32 $0x6543210F;
	v51 =	vimm.s32 $0xEDCBA987  }
0x8: {  	v0 =	vunpack.c.0.s8.s32 v0;
	v1 =	vunpack.c.0.s8.s32 v1;
	v3 =	vunpack.c.0.s8.s32 v3  }
0x9: {  	v4 =	vunpack.c.0.s8.s32 v4;
	v5 =	vunpack.c.0.s8.s32 v5;
	v6 =	vunpack.c.0.s8.s32 v6  }
0xa: {  	v7 =	vunpack.c.0.s8.s32 v7;
	v8 =	vunpack.c.0.s8.s32 v8;
	v11 =	vunpack.c.0.s8.s32 v11  }
0xb: {  	v12 =	vunpack.c.0.s8.s32 v12;
	v14 =	vunpack.c.0.s8.s32 v14;
	v15 =	vunpack.c.0.s8.s32 v15  }
0xc: {  	v24 =	vunpack.c.0.s8.s32 v16;
	v17 =	vunpack.c.0.s8.s32 v17;
	v18 =	vunpack.c.0.s8.s32 v18  }
0xd: {  	v19 =	vunpack.c.0.s8.s32 v19;
	v2 =	vsel vm10, v1, v0;
	v9 =	vsel vm10, v4, v3  }
0xe: {  	v10 =	vsel vm10, v6, v5;
	v13 =	vsel vm10, v8, v7;
	v45 =	vsel vm10, v18, v17  }
0xf: {  	v46 =	vsel vm10, v24, v19;
	v16 =	vcombine.low v9, v2;
	v2 =	vcombine.low v2, v9  }
0x10: {  	v1 =	vsel vm10, v3, v1;
	v3 =	vsel vm10, v7, v6;
	v7 =	vcombine.low v46, v45  }
0x11: {  	v20 =	vsel vm10, v12, v11;
	v0 =	vsel vm10, v0, v4;
	[tilespmem:$0x1FB70] =	vst v2;
	v2 =	vcombine.low v10, v13  }
0x12: {  	v21 =	vsel vm10, v15, v14;
	v56 =	vcombine.low v0, v1;
	v0 =	vcombine.low v1, v0;
	[tilespmem:$0x1FB60] =	vst v7  }
0x13: {  	v4 =	vsel vm10, v5, v8;
	v5 =	vsel vm10, v14, v12;
	[tilespmem:$0x1FB80] =	vst v2;
	v2 =	vcombine.low v20, v21  }
0x14: {  	v44 =	vsel vm10, v11, v15;
	v8 =	vunpack.c.l.s4.s8 v50;
	v57 =	vcombine.low v4, v3;
	[tilespmem:$0x1FBB0] =	vst v0  }
0x15: {  	v7 =	vunpack.c.l.s4.s8 v47;
	v0 =	vcombine.low v3, v4;
	[tilespmem:$0x1FB90] =	vst v2;
	v2 =	vimm.s32 $0xFEDCBA9  }
0x16: {  	v3 =	vimm.s32 $0xA9876543;
	v4 =	vimm.s32 $0x43210FED;
	v2 =	vunpack.c.l.s4.s8 v2  }
0x17: {  	v3 =	vunpack.c.l.s4.s8 v3;
	v4 =	vunpack.c.l.s4.s8 v4;
	v1 =	vunpack.c.0.s8.s32 v7  }
0x18: {  	[tilespmem:$0x1FBC0] =	vst v0;
	v7 =	vunpack.c.l.s4.s8 v49;
	v0 =	vunpack.c.0.s8.s32 v2;
	v2 =	vimm.s32 $0x210FEDCB  }
0x19: {  	v9 =	vunpack.c.l.s4.s8 v51;
	v3 =	vunpack.c.0.s8.s32 v3;
	v2 =	vunpack.c.l.s4.s8 v2  }
0x1a: {  	v4 =	vunpack.c.0.s8.s32 v4;
	v7 =	vunpack.c.0.s8.s32 v7;
	v52 =	vcombine.low v1, v0  }
0x1b: {  	v0 =	vcombine.low v0, v1;
	v1 =	vcombine.low v5, v44;
	v2 =	vunpack.c.0.s8.s32 v2  }
0x1c: {  	v8 =	vunpack.c.0.s8.s32 v8;
	v9 =	vunpack.c.0.s8.s32 v9;
	v58 =	vcombine.low v7, v4  }
0x1d: {  	[tilespmem:$0x1FBD0] =	vst v1;
	v50 =	vand.u32 $0xF, v0;
	v1 =	vcombine.low v4, v7;
	v54 =	vcombine.low v3, v2  }
0x1e: {  	v0 =	vcombine.low v2, v3;
	v2 =	vimm.s32 $0x10FEDCBA;
	v3 =	vcombine.low v8, v9  }
0x1f: {  	v4 =	vimm.s32 $0x98765432;
	v2 =	vunpack.c.l.s4.s8 v2;
	v38 =	vand.u32 $0xF, v1  }
0x20: {  	v51 =	vand.u32 $0xF, v0;
	v0 =	vunpack.c.l.s4.s8 v4;
	v1 =	vand.u32 $0xF, v3  }
0x21: {  	[tilespmem:$0x1FBE0] =	vst v1;
	v1 =	vunpack.c.0.s8.s32 v2  }
0x22: {  	v0 =	vunpack.c.0.s8.s32 v0  }
0x23: {  	[tilespmem:$0x1FBF0] =	vst v1;
	v1 =	vimm.s32 $0x3210FEDC  }
0x24: {  	[tilespmem:$0x1FC00] =	vst v0;
	v0 =	vunpack.c.l.s4.s8 v1;
	_ =	sdelay $0x1  }
0x25: {  	v0 =	vunpack.c.0.s8.s32 v0  }
0x26: {  	v11 =	vcombine.low v44, v5;
	v5 =	vimm.s32 $0xDCBA9876  }
0x27: {  	[tilespmem:$0x1FC10] =	vst v0;
	v0 =	vunpack.c.l.s4.s8 v5;
	_ =	sdelay $0x1  }
0x28: {  	v0 =	vunpack.c.0.s8.s32 v0  }
0x29: {  	v1 =	vimm.s32 $0xFEDCBA98  }
0x2a: {  	v3 =	vimm.s32 $0x76543210;
	v1 =	vunpack.c.l.s4.s8 v1;
	[tilespmem:$0x1FC40] =	vst v0;
	v0 =	vimm.s32 $0x2C2B2A29  }
0x2b: {  	v3 =	vunpack.c.l.s4.s8 v3;
	v0 =	vunpack.c.0.s8.s32 v0  }
0x2c: {  	v1 =	vunpack.c.0.s8.s32 v1  }
0x2d: {  	v3 =	vunpack.c.0.s8.s32 v3;
	[tilespmem:$0x1FC50] =	vst v0;
	v0 =	vimm.s32 $0x202F2E2D  }
0x2e: {  	v1 =	vand.u32 $0xF, v1;
	v0 =	vunpack.c.0.s8.s32 v0  }
0x2f: {  	v22 =	vsel vm10, v17, v24;
	v17 =	vcombine.low v1, v3;
	v1 =	vimm.s32 $0x24232221  }
0x30: {  	[tilespmem:$0x1FC60] =	vst v0;
	v0 =	vunpack.c.0.s8.s32 v1;
	_ =	sdelay $0x1  }
0x31: {  	[tilespmem:$0x1FC70] =	vst v0;
	v0 =	vimm.s32 $0x28272625  }
0x32: {  	v0 =	vunpack.c.0.s8.s32 v0;
	_ =	sdelay $0x1  }
0x33: {  	[tilespmem:$0x1FC80] =	vst v0;
	v0 =	vimm.s32 $0x2D2C2B2A  }
0x34: {  	v0 =	vunpack.c.0.s8.s32 v0  }
0x35: {  	v1 =	vimm.s32 $0x21202F2E  }
0x36: {  	[tilespmem:$0x1FC90] =	vst v0;
	v0 =	vunpack.c.0.s8.s32 v1;
	_ =	sdelay $0x1  }
0x37: {  	[tilespmem:$0x1FCA0] =	vst v0;
	v0 =	vimm.s32 $0x25242322  }
0x38: {  	v0 =	vunpack.c.0.s8.s32 v0;
	_ =	sdelay $0x1  }
0x39: {  	[tilespmem:$0x1FCB0] =	vst v0;
	v0 =	vimm.s32 $0x29282726  }
0x3a: {  	v0 =	vunpack.c.0.s8.s32 v0  }
0x3b: {  	v1 =	vimm.s32 $0x2E2D2C2B  }
0x3c: {  	[tilespmem:$0x1FCC0] =	vst v0;
	v0 =	vunpack.c.0.s8.s32 v1;
	_ =	sdelay $0x1  }
0x3d: {  	[tilespmem:$0x1FCD0] =	vst v0;
	v0 =	vimm.s32 $0x2221202F  }
0x3e: {  	v0 =	vunpack.c.0.s8.s32 v0;
	_ =	sdelay $0x1  }
0x3f: {  	[tilespmem:$0x1FCE0] =	vst v0;
	v0 =	vimm.s32 $0x26252423  }
0x40: {  	v0 =	vunpack.c.0.s8.s32 v0  }
0x41: {  	v1 =	vimm.s32 $0x2A292827  }
0x42: {  	[tilespmem:$0x1FCF0] =	vst v0;
	v0 =	vunpack.c.0.s8.s32 v1;
	_ =	sdelay $0x1  }
0x43: {  	[tilespmem:$0x1FD00] =	vst v0;
	v0 =	vimm.s32 $0x2F2E2D2C  }
0x44: {  	v0 =	vunpack.c.0.s8.s32 v0;
	_ =	sdelay $0x1  }
0x45: {  	[tilespmem:$0x1FD10] =	vst v0;
	v0 =	vimm.s32 $0x23222120  }
0x46: {  	v0 =	vunpack.c.0.s8.s32 v0  }
0x47: {  	v1 =	vimm.s32 $0x27262524  }
0x48: {  	[tilespmem:$0x1FD20] =	vst v0;
	v0 =	vunpack.c.0.s8.s32 v1;
	_ =	sdelay $0x1  }
0x49: {  	[tilespmem:$0x1FD30] =	vst v0;
	v0 =	vimm.s32 $0x2B2A2928  }
0x4a: {  	v0 =	vunpack.c.0.s8.s32 v0;
	_ =	sdelay $0x1  }
0x4b: {  	[tilespmem:$0x1FD40] =	vst v0;
	v0 =	vimm.s32 $0x3C3B3A39  }
0x4c: {  	v0 =	vunpack.c.0.s8.s32 v0  }
0x4d: {  	v1 =	vimm.s32 $0x303F3E3D  }
0x4e: {  	[tilespmem:$0x1FD50] =	vst v0;
	v0 =	vunpack.c.0.s8.s32 v1;
	_ =	sdelay $0x1  }
0x4f: {  	[tilespmem:$0x1FD60] =	vst v0;
	v0 =	vimm.s32 $0x34333231  }
0x50: {  	v0 =	vunpack.c.0.s8.s32 v0;
	_ =	sdelay $0x1  }
0x51: {  	[tilespmem:$0x1FD70] =	vst v0;
	v0 =	vimm.s32 $0x38373635  }
0x52: {  	v0 =	vunpack.c.0.s8.s32 v0  }
0x53: {  	v1 =	vimm.s32 $0x3D3C3B3A  }
0x54: {  	[tilespmem:$0x1FD80] =	vst v0;
	v0 =	vunpack.c.0.s8.s32 v1;
	_ =	sdelay $0x1  }
0x55: {  	[tilespmem:$0x1FD90] =	vst v0;
	v0 =	vimm.s32 $0x31303F3E  }
0x56: {  	v0 =	vunpack.c.0.s8.s32 v0;
	_ =	sdelay $0x1  }
0x57: {  	[tilespmem:$0x1FDA0] =	vst v0;
	v0 =	vimm.s32 $0x35343332  }
0x58: {  	v0 =	vunpack.c.0.s8.s32 v0  }
0x59: {  	v1 =	vimm.s32 $0x39383736  }
0x5a: {  	[tilespmem:$0x1FDB0] =	vst v0;
	v0 =	vunpack.c.0.s8.s32 v1;
	_ =	sdelay $0x1  }
0x5b: {  	[tilespmem:$0x1FDC0] =	vst v0;
	v0 =	vimm.s32 $0x3E3D3C3B  }
0x5c: {  	v0 =	vunpack.c.0.s8.s32 v0;
	_ =	sdelay $0x1  }
0x5d: {  	[tilespmem:$0x1FDD0] =	vst v0;
	v0 =	vimm.s32 $0x3231303F  }
0x5e: {  	v0 =	vunpack.c.0.s8.s32 v0  }
0x5f: {  	v1 =	vimm.s32 $0x36353433  }
0x60: {  	[tilespmem:$0x1FDE0] =	vst v0;
	v0 =	vunpack.c.0.s8.s32 v1;
	_ =	sdelay $0x1  }
0x61: {  	[tilespmem:$0x1FDF0] =	vst v0;
	v0 =	vimm.s32 $0x3A393837  }
0x62: {  	v0 =	vunpack.c.0.s8.s32 v0;
	_ =	sdelay $0x1  }
0x63: {  	[tilespmem:$0x1FE00] =	vst v0;
	v0 =	vimm.s32 $0x3F3E3D3C  }
0x64: {  	v0 =	vunpack.c.0.s8.s32 v0  }
0x65: {  	v1 =	vimm.s32 $0x33323130  }
0x66: {  	[tilespmem:$0x1FE10] =	vst v0;
	v0 =	vunpack.c.0.s8.s32 v1;
	_ =	sdelay $0x1  }
0x67: {  	[tilespmem:$0x1FE20] =	vst v0;
	v0 =	vimm.s32 $0x37363534  }
0x68: {  	v0 =	vunpack.c.0.s8.s32 v0;
	_ =	sdelay $0x1  }
0x69: {  	[tilespmem:$0x1FE30] =	vst v0;
	v0 =	vimm.s32 $0x3B3A3938  }
0x6a: {  	v0 =	vunpack.c.0.s8.s32 v0  }
0x6b: {  	v1 =	vimm.s32 $0x4C4B4A49  }
0x6c: {  	[tilespmem:$0x1FE40] =	vst v0;
	v0 =	vunpack.c.0.s8.s32 v1;
	_ =	sdelay $0x1  }
0x6d: {  	[tilespmem:$0x1FE50] =	vst v0;
	v0 =	vimm.s32 $0x404F4E4D  }
0x6e: {  	v0 =	vunpack.c.0.s8.s32 v0;
	_ =	sdelay $0x1  }
0x6f: {  	[tilespmem:$0x1FE60] =	vst v0;
	v0 =	vimm.s32 $0x44434241  }
0x70: {  	v0 =	vunpack.c.0.s8.s32 v0  }
0x71: {  	v1 =	vimm.s32 $0x48474645  }
0x72: {  	[tilespmem:$0x1FE70] =	vst v0;
	v0 =	vunpack.c.0.s8.s32 v1;
	_ =	sdelay $0x1  }
0x73: {  	[tilespmem:$0x1FE80] =	vst v0;
	v0 =	vimm.s32 $0x4D4C4B4A  }
0x74: {  	v0 =	vunpack.c.0.s8.s32 v0  }
0x75: {  	v23 =	vsel vm10, v19, v18;
	[tilespmem:$0x1FB30] =	vst v16;
	v2 =	vimm.s32 $0xBA987654  }
0x76: {  	v48 =	vcombine.low v22, v23;
	v2 =	vunpack.c.l.s4.s8 v2;
	[tilespmem:$0x1FE90] =	vst v0;
	v0 =	vimm.s32 $0x41404F4E  }
0x77: {  	[tilespmem:$0x1FB50] =	vst v11;
	v0 =	vunpack.c.0.s8.s32 v0  }
0x78: {  	[tilespmem:$0x1FBA0] =	vst v48;
	v4 =	vimm.s32 $0x543210FE;
	v2 =	vunpack.c.0.s8.s32 v2;
	v1 =	vimm.s32 $0x45444342  }
0x79: {  	v4 =	vunpack.c.l.s4.s8 v4;
	[tilespmem:$0x1FEA0] =	vst v0;
	v0 =	vunpack.c.0.s8.s32 v1  }
0x7a: {  	v16 =	vcombine.low v21, v20;
	[tilespmem:$0x1FC20] =	vst v2  }
0x7b: {  	v2 =	vunpack.c.0.s8.s32 v4;
	[tilespmem:$0x1FEB0] =	vst v0;
	v0 =	vimm.s32 $0x49484746  }
0x7c: {  	s0 =	rddreg [dreg:$0x0];
	s4 =	simm.s32 $0x0;
	[tilespmem:$0x1FB40] =	vst v16;
	v0 =	vunpack.c.0.s8.s32 v0  }
0x7d: {  	[smem:$0x7FF] =	sst s4;
	[tilespmem:$0x1FC30] =	vst v2  }
0x7e: {  	s3 =	rddreg [dreg:$0x1];
	_ =	strace $0x80000047;
	[tilespmem:$0x1FEC0] =	vst v0;
	v0 =	vimm.s32 $0x4E4D4C4B  }
0x7f: {  	v0 =	vunpack.c.0.s8.s32 v0  }
0x80: {  	v53 =	vcombine.low v13, v10;
	v1 =	vimm.s32 $0x4241404F  }
0x81: {  	[tilespmem:$0x1FED0] =	vst v0;
	v0 =	vunpack.c.0.s8.s32 v1  }
0x82: {  	v55 =	vcombine.low v23, v22;
	[tilespmem:$0x1FF50] =	vst v53  }
0x83: {  	[tilespmem:$0x1FEE0] =	vst v0;
	v0 =	vimm.s32 $0x46454443  }
0x84: {  	v29 =	vand.u32 $0xF, v54;
	[tilespmem:$0x1FF60] =	vst v55;
	v0 =	vunpack.c.0.s8.s32 v0  }
0x85: {  	v59 =	vcombine.low v9, v8;
	[tilespmem:$0x1FF70] =	vst v29  }
0x86: {  	v48 =	vand.u32 $0xF, v58;
	[tilespmem:$0x1FEF0] =	vst v0;
	v0 =	vimm.s32 $0x4A494847  }
0x87: {  	v45 =	vand.u32 $0xF, v59;
	[tilespmem:$0x1FF80] =	vst v48;
	v0 =	vunpack.c.0.s8.s32 v0  }
0x88: {  	[tilespmem:$0x1FF90] =	vst v45;
	v1 =	vimm.s32 $0x4F4E4D4C  }
0x89: {  	[tilespmem:$0x1FF00] =	vst v0;
	v0 =	vunpack.c.0.s8.s32 v1  }
0x8a: {  	s2 =	srdreg.scid;
	s1 =	stileid.u32;
	v19 =	vlaneseq.u32;
	[tilespmem:$0x1FFA0] =	vst v50  }
0x8b: {  	s13 =	simm.s32 $0x4000;
	s14 =	simm.s32 $0x1;
	s15 =	simm.s32 $0x8000;
	v2 =	vmul.u32 $0x80, v19;
	[tilespmem:$0x1FF10] =	vst v0;
	v0 =	vimm.s32 $0x43424140  }
0x8c: {  	s16 =	simm.s32 $0x2;
	s17 =	simm.s32 $0xC000;
	s18 =	simm.s32 $0x3;
	[tilespmem:$0x1FFB0] =	vst v51;
	v0 =	vunpack.c.0.s8.s32 v0  }
0x8d: {  	s19 =	simm.s32 $0x5;
	s20 =	simm.s32 $0x4;
	s21 =	simm.s32 $0x6;
	[tilespmem:$0x1FFC0] =	vst v2  }
0x8e: {  	s22 =	simm.s32 $0x7;
	s23 =	simm.s32 $0x8;
	s5 =	sand.u32 $0x1, s2;
	v3 =	vor.u32 $0x10, v19;
	[tilespmem:$0x1FF20] =	vst v0;
	v0 =	vimm.s32 $0x47464544  }
0x8f: {  	s6 =	sshll.u32 s1, $0x15;
	s7 =	sshll.u32 s5, $0x14;
	s8 =	ssub.s32 $0x2, s5;
	[tilespmem:$0x1FFD0] =	vst v3;
	v0 =	vunpack.c.0.s8.s32 v0  }
0x90: {  	s24 =	simm.s32 $0x0;
	s5 =	sor.u32 s7, s6;
	s31 =	sshrl.u32 s8, $0x1;
	[tilespmem:$0x1FFE0] =	vst v17;
	v1 =	vimm.s32 $0x4B4A4948  }
0x91: {  	s7 =	sshrl.u32 s5, $0x3;
	s12 =	ssub.s32 s8, s31;
	s8 =	sor.u32 $0x8000, s5;
	[tilespmem:$0x1FF30] =	vst v0;
	v0 =	vunpack.c.0.s8.s32 v1  }
0x92: {  	s9 =	sor.u32 $0xC000, s5;
	s10 =	sor.u32 $0x10000, s5;
	s6 =	sadd.s32 s0, s7;
	[tilespmem:$0x1FFF0] =	vst v57  }
0x93: {  	s11 =	sor.u32 $0x14000, s5;
	s12 =	smax.u32 s12, $0x1;
	s7 =	sadd.s32 $0x800, s6;
	v63 =	vand.u32 $0xF, v52;
	[tilespmem:$0x1FF40] =	vst v0  }
.LBB2_1:
0x94: {  	[tilespmem:s4], [sflag:$0x1] =	stream.linear.gather [hbm4b:s6+s4], $0x4000, $0x38;
	[tilespmem:$0x10000] =	vst v63  }
0x95: {  	s25 =	simm.s32 $0x0  }
0x96: {  	[tilespmem:s13], [sflag:$0x2] =	stream.linear.gather [hbm4b:s7+s4], $0x4000, $0x38;
	[tilespmem:$0x10000] =	vst v63  }
.LBB2_2:
0x97: {  	_ =	swait.ge [sflag:s14], $0x4000  }
0x98: {  	p0 =	seq.s32 s25, $0x0;
	[sflag:s14] =	ssyncset.done $0x0  }
0x99: {  	s26 =	sshll.u32 s25, $0x10;
	s29 =	simm.s32 @!p0 $0x7;
	[sflag:s14] =	ssyncadd.s32 $0xFFFFC000  }
0x9a: {  	s28 =	sadd.s32 s8, s26;
	_ =	swait.ge @!p0 [sflag:s29], $0x4000  }
0x9b: {  	s28 =	sshrl.u32 s28, $0x3;
	[sflag:s29] =	ssyncset.done @!p0 $0x0  }
0x9c: {  	s30 =	sadd.s32 s0, s28;
	[sflag:s29] =	ssyncadd.s32 @!p0 $0xFFFFC000;
	s29 =	simm.s32 $0x0  }
0x9d: {  	[tilespmem:s15], [sflag:$0x3] =	stream.linear.gather [hbm4b:s30+s29], $0x4000, $0x38;
	[tilespmem:$0x10000] =	vst v63  }
0x9e: {  	s30 =	sor.u32 s5, s26  }
.LBB2_3:
0x9f: {  	v1 =	vld [tilespmem:$0x1FB30]  }
0xa0: {  	v7 =	vld [tilespmem:$0x1FB50]  }
0xa1: {  	v8 =	vld [tilespmem:$0x1FB60]  }
0xa2: {  	v9 =	vld [tilespmem:$0x1FB70]  }
0xa3: {  	v10 =	vld [tilespmem:$0x1FB80]  }
0xa4: {  	v11 =	vld [tilespmem:$0x1FB90]  }
0xa5: {  	v12 =	vld [tilespmem:$0x1FBA0]  }
0xa6: {  	v13 =	vld [tilespmem:$0x1FBB0]  }
0xa7: {  	v14 =	vld [tilespmem:$0x1FBC0]  }
0xa8: {  	v15 =	vld [tilespmem:$0x1FBD0]  }
0xa9: {  	v16 =	vld [tilespmem:$0x1FC50]  }
0xaa: {  	v0 =	vmov s29;
	v20 =	vld [tilespmem:$0x1FC60]  }
0xab: {  	v21 =	vld [tilespmem:$0x1FC70];
	v0 =	vshll.u32 v0, $0x7  }
0xac: {  	v22 =	vld [tilespmem:$0x1FC80];
	v42 =	vor.u32 v2, v0  }
0xad: {  	v40 =	vld [tilespmem:$0x1FCB0];
	v4 =	vor.u32 v55, v42  }
0xae: {  	v41 =	vld [tilespmem:$0x1FCC0];
	v5 =	vor.u32 v56, v42  }
0xaf: {  	v43 =	vld [tilespmem:$0x1FCD0];
	v6 =	vor.u32 v57, v42  }
0xb0: {  	v52 =	vld [tilespmem:$0x1FD00];
	v7 =	vor.u32 v7, v42  }
0xb1: {  	v0 =	vor.u32 v3, v42;
	v3 =	vld [tilespmem:$0x1FB40];
	v8 =	vor.u32 v8, v42  }
0xb2: {  	v9 =	vor.u32 v9, v42;
	v4 =	vld.idx.msk [tilespmem:v4+s4+$0x0], $0xffff  }
0xb3: {  	v10 =	vor.u32 v10, v42;
	v5 =	vld.idx.msk [tilespmem:v5+s4+$0x0], $0xffff  }
0xb4: {  	v11 =	vor.u32 v11, v42;
	v6 =	vld.idx.msk [tilespmem:v6+s4+$0x0], $0xffff  }
0xb5: {  	v12 =	vor.u32 v12, v42;
	v7 =	vld.idx.msk [tilespmem:v7+s4+$0x0], $0xffff  }
0xb6: {  	v13 =	vor.u32 v13, v42;
	v8 =	vld.idx.msk [tilespmem:v8+s4+$0x0], $0xffff  }
0xb7: {  	v14 =	vor.u32 v14, v42;
	v9 =	vld.idx.msk [tilespmem:v9+s4+$0x0], $0xffff  }
0xb8: {  	v23 =	vor.u32 v15, v42;
	v10 =	vld.idx.msk [tilespmem:v10+s4+$0x0], $0xffff  }
0xb9: {  	v11 =	vld.idx.msk [tilespmem:v11+s4+$0x0], $0xffff  }
0xba: {  	v1 =	vor.u32 v1, v42;
	v12 =	vld.idx.msk [tilespmem:v12+s4+$0x0], $0xffff  }
0xbb: {  	v2 =	vor.u32 v53, v42;
	v13 =	vld.idx.msk [tilespmem:v13+s4+$0x0], $0xffff  }
0xbc: {  	v3 =	vor.u32 v3, v42;
	v14 =	vld.idx.msk [tilespmem:v14+s4+$0x0], $0xffff  }
0xbd: {  	v23 =	vld.idx.msk [tilespmem:v23+s4+$0x0], $0xffff  }
0xbe: {  	v0 =	vld.idx.msk [tilespmem:v0+s4+$0x0], $0xffff  }
0xbf: {  	v1 =	vld.idx.msk [tilespmem:v1+s4+$0x0], $0xffff  }
0xc0: {  	v2 =	vld.idx.msk [tilespmem:v2+s4+$0x0], $0xffff  }
0xc1: {  	v3 =	vld.idx.msk [tilespmem:v3+s4+$0x0], $0xffff;
	v26 =	vmax.f32 v4, v5;
	v27 =	vmax.f32 v6, v7;
	v28 =	vmax.f32 v8, v9  }
0xc2: {  	v58 =	vld [tilespmem:$0x1FD30];
	v30 =	vmax.f32 v10, v11;
	v31 =	vmax.f32 v12, v13;
	v32 =	vmax.f32 v14, v23  }
0xc3: {  	v59 =	vld [tilespmem:$0x1FD40];
	v44 =	vmax.f32 v26, v27;
	v46 =	vmax.f32 v28, v30;
	v27 =	vmax.f32 v31, v32  }
0xc4: {  	v47 =	vmax.f32 v46, v27;
	v46 =	vld [tilespmem:$0x1FCF0];
	_ =	sdelay $0x1  }
0xc5: {  	v24 =	vmax.f32 v0, v1;
	v25 =	vmax.f32 v2, v3  }
0xc6: {  	v39 =	vld [tilespmem:$0x1FC90];
	v57 =	vsel vm10, v16, v22;
	v62 =	vsel vm10, v43, v52;
	v24 =	vmax.f32 v24, v25  }
0xc7: {  	v37 =	vld [tilespmem:$0x1FCA0];
	v30 =	vsel vm10, v59, v58;
	v31 =	vsel vm10, v21, v20;
	v24 =	vmax.f32 v24, v44  }
0xc8: {  	v49 =	vld [tilespmem:$0x1FD20];
	v25 =	vsel vm10, v41, v40;
	v27 =	vsel vm10, v52, v46;
	v24 =	vmax.f32 v24, v47  }
0xc9: {  	vm5 =	veq.f32 v0, v24;
	vm0 =	veq.f32 v1, v24;
	vm6 =	veq.f32 v2, v24  }
0xca: {  	vm7 =	veq.f32 v3, v24;
	vm4 =	veq.f32 v4, v24;
	vm12 =	veq.f32 v5, v24  }
0xcb: {  	vm3 =	veq.f32 v6, v24;
	v3 =	vor.u32 $0x20, v19;
	v4 =	vsel vm10, v20, v16  }
0xcc: {  	v5 =	vsel vm10, v22, v21;
	v6 =	vsel vm10, v37, v39;
	vm13 =	veq.f32 v7, v24  }
0xcd: {  	v44 =	vld [tilespmem:$0x1FCE0];
	v37 =	vsel vm10, v40, v37;
	v39 =	vsel vm10, v39, v41;
	v21 =	vsel vm10, v58, v49  }
0xce: {  	vm8 =	veq.f32 v8, v24;
	vm14 =	veq.f32 v9, v24;
	vm15 =	veq.f32 v11, v24  }
0xcf: {  	v32 =	vld [tilespmem:$0x1FC30];
	vm9 =	veq.f32 v12, v24;
	vm2 =	veq.f32 v23, v24;
	v1 =	vnsel vm7, $0x10, v29  }
0xd0: {  	v2 =	vnsel vm12, $0x10, v48;
	[tilespmem:$0x1F820] =	vst v3;
	v3 =	vor.u32 v3, v42;
	v15 =	vcombine.low v5, v4;
	v48 =	vld [tilespmem:$0x1FD10]  }
0xd1: {  	v16 =	vld [tilespmem:$0x1FBF0];
	v18 =	vcombine.low v25, v6;
	vm7 =	veq.f32 v10, v24;
	vm12 =	veq.f32 v13, v24  }
0xd2: {  	v20 =	vld [tilespmem:$0x1FC00];
	v26 =	vsel vm10, v44, v43;
	[tilespmem:$0x1F830] =	vst v15;
	v60 =	vor.u32 v15, v42;
	v15 =	vcombine.low v57, v31  }
0xd3: {  	v58 =	vld [tilespmem:$0x1FDF0];
	v33 =	vor.u32 v18, v42;
	v61 =	vsel vm10, v46, v44;
	v46 =	vnsel vm13, $0x10, v45  }
0xd4: {  	v29 =	vld [tilespmem:$0x1FE20];
	[tilespmem:$0x1F840] =	vst v18;
	vm13 =	veq.f32 v14, v24;
	v19 =	vcombine.low v27, v26;
	v18 =	vcombine.low v62, v61  }
0xd5: {  	v43 =	vld [tilespmem:$0x1FC40];
	[tilespmem:$0x1F870] =	vst v15;
	v36 =	vor.u32 v15, v42;
	v15 =	vcombine.low v39, v37;
	v28 =	vsel vm10, v49, v48  }
0xd6: {  	v24 =	vld [tilespmem:$0x1FD80];
	v34 =	vor.u32 v19, v42;
	[tilespmem:$0x1F890] =	vst v18;
	v49 =	vor.u32 v18, v42;
	v18 =	vcombine.low v4, v5  }
0xd7: {  	v3 =	vld.idx.msk [tilespmem:v3+s4+$0x0], $0xffff;
	v22 =	vsel vm10, v48, v59;
	v35 =	vcombine.low v30, v28;
	[tilespmem:$0x1F880] =	vst v15  }
0xd8: {  	v48 =	vor.u32 v15, v42;
	v15 =	vcombine.low v22, v21;
	v7 =	vld.idx.msk [tilespmem:v60+s4+$0x0], $0xffff;
	[tilespmem:$0x1F8B0] =	vst v18  }
0xd9: {  	v8 =	vld.idx.msk [tilespmem:v33+s4+$0x0], $0xffff;
	v52 =	vor.u32 v18, v42;
	v18 =	vcombine.low v26, v27;
	[tilespmem:$0x1F860] =	vst v35  }
0xda: {  	v26 =	vld [tilespmem:$0x1FDA0];
	[tilespmem:$0x1F8A0] =	vst v15;
	v5 =	vor.u32 v15, v42;
	v15 =	vcombine.low v6, v25  }
0xdb: {  	v35 =	vor.u32 v35, v42;
	v25 =	vld [tilespmem:$0x1FD90];
	[tilespmem:$0x1F8D0] =	vst v18;
	v27 =	vor.u32 v18, v42;
	v18 =	vcombine.low v31, v57  }
0xdc: {  	v10 =	vld.idx.msk [tilespmem:v36+s4+$0x0], $0xffff;
	[tilespmem:$0x1F8C0] =	vst v15;
	v53 =	vor.u32 v15, v42;
	v15 =	vcombine.low v28, v30  }
0xdd: {  	v4 =	vld.idx.msk [tilespmem:v34+s4+$0x0], $0xffff;
	[tilespmem:$0x1F8F0] =	vst v18;
	v12 =	vor.u32 v18, v42;
	v18 =	vcombine.low v61, v62  }
0xde: {  	v11 =	vld.idx.msk [tilespmem:v48+s4+$0x0], $0xffff;
	[tilespmem:$0x1F8E0] =	vst v15;
	v30 =	vor.u32 v15, v42;
	v15 =	vcombine.low v37, v39  }
0xdf: {  	[tilespmem:$0x1F910] =	vst v18;
	v55 =	vor.u32 v18, v42;
	v18 =	vld [tilespmem:$0x1FC20]  }
0xe0: {  	[tilespmem:$0x1F900] =	vst v15;
	v54 =	vor.u32 v15, v42;
	v15 =	vld [tilespmem:$0x1FC10]  }
0xe1: {  	v37 =	vld.idx.msk [tilespmem:v52+s4+$0x0], $0xffff  }
0xe2: {  	v9 =	vld.idx.msk [tilespmem:v35+s4+$0x0], $0xffff  }
0xe3: {  	v14 =	vimm.s32 $0x0;
	v13 =	vcombine.low v20, v16;
	v35 =	vld.idx.msk [tilespmem:v49+s4+$0x0], $0xffff  }
0xe4: {  	v0 =	vnsel vm0, $0x10, v63;
	v44 =	vmovc v38;
	v14 =	vsel vm13, $0xFFFFFFFF, v14;
	[tilespmem:$0x1F850] =	vst v19;
	v34 =	vlaneseq.u32;
	v5 =	vld.idx.msk [tilespmem:v5+s4+$0x0], $0xffff  }
0xe5: {  	v19 =	vmovc v17;
	v17 =	vand.u32 $0xF, v13;
	v36 =	vmin.u32 v0, v34;
	v39 =	vld.idx.msk [tilespmem:v27+s4+$0x0], $0xffff;
	v13 =	vcombine.low v18, v15  }
0xe6: {  	[tilespmem:$0x1FA20] =	vst v14;
	v31 =	vnsel vm12, $0x10, v38;
	v38 =	vmin.u32 v1, v17;
	v0 =	vsel vm5, v36, v0;
	v14 =	vld.idx.msk [tilespmem:v53+s4+$0x0], $0xffff  }
0xe7: {  	[tilespmem:$0x1FAC0] =	vst v0;
	v0 =	vsel vm6, v38, v1;
	v27 =	vcombine.low v43, v32;
	v1 =	vld.idx.msk [tilespmem:v12+s4+$0x0], $0xffff;
	v59 =	vand.u32 $0xF, v13  }
0xe8: {  	v50 =	vnsel vm14, $0x10, v50;
	[tilespmem:$0x1FAD0] =	vst v0;
	v12 =	vcombine.low v16, v20;
	v40 =	vld.idx.msk [tilespmem:v30+s4+$0x0], $0xffff;
	v0 =	vmin.u32 v2, v59  }
0xe9: {  	v28 =	vnsel vm15, $0x10, v51;
	v60 =	vand.u32 $0xF, v27;
	v16 =	vld [tilespmem:$0x1FD50];
	v0 =	vsel vm4, v0, v2  }
0xea: {  	v45 =	vmax.f32 v8, v4;
	v41 =	vld.idx.msk [tilespmem:v55+s4+$0x0], $0xffff;
	v61 =	vand.u32 $0xF, v12;
	[tilespmem:$0x1FAE0] =	vst v0;
	v0 =	vmin.u32 v46, v60  }
0xeb: {  	v12 =	vmax.f32 v9, v10;
	v13 =	vld.idx.msk [tilespmem:v54+s4+$0x0], $0xffff;
	v2 =	vcombine.low v15, v18;
	v0 =	vsel vm3, v0, v46  }
0xec: {  	v30 =	vld [tilespmem:$0x1FDD0];
	v47 =	vmax.f32 v5, v37;
	v48 =	vmax.f32 v14, v39;
	[tilespmem:$0x1FAF0] =	vst v0;
	v0 =	vmin.u32 v50, v19  }
0xed: {  	v55 =	vld [tilespmem:$0x1FD70];
	v49 =	vmax.f32 v40, v1;
	v62 =	vand.u32 $0xF, v2;
	v0 =	vsel vm8, v0, v50  }
0xee: {  	v54 =	vld [tilespmem:$0x1FD60];
	v46 =	vmax.f32 v11, v35;
	v52 =	vmin.u32 v31, v62;
	[tilespmem:$0x1FB00] =	vst v0;
	v0 =	vmin.u32 v28, v61  }
0xef: {  	v50 =	vmax.f32 v12, v46;
	v12 =	vmax.f32 v47, v48;
	v48 =	vld [tilespmem:$0x1FE00];
	v0 =	vsel vm7, v0, v28  }
0xf0: {  	v2 =	vmax.f32 v3, v7;
	v27 =	vmax.f32 v13, v41;
	[tilespmem:$0x1FB10] =	vst v0;
	v0 =	vsel vm9, v52, v31;
	v31 =	vld [tilespmem:$0x1FDE0]  }
0xf1: {  	v2 =	vmax.f32 v2, v45;
	v51 =	vmax.f32 v49, v27;
	v27 =	vld [tilespmem:$0x1FDB0]  }
0xf2: {  	v2 =	vmax.f32 v2, v50;
	v53 =	vmax.f32 v12, v51;
	v28 =	vld [tilespmem:$0x1FDC0]  }
0xf3: {  	v38 =	vld [tilespmem:$0x1FE30];
	v2 =	vmax.f32 v2, v53;
	[tilespmem:$0x1FB20] =	vst v0;
	v0 =	vlaneseq.u32  }
0xf4: {  	v47 =	vld [tilespmem:$0x1FE10];
	vm4 =	veq.f32 v3, v2;
	v0 =	vor.u32 $0x30, v0  }
0xf5: {  	v49 =	vld [tilespmem:$0x1FE40];
	v36 =	vsel vm10, v48, v58;
	[tilespmem:$0x1F920] =	vst v0;
	v0 =	vor.u32 v0, v42;
	v34 =	vsel vm10, v31, v30  }
0xf6: {  	vm3 =	veq.f32 v7, v2;
	v3 =	vsel vm10, v54, v16;
	v57 =	vcombine.low v36, v34  }
0xf7: {  	v46 =	vmovc v63;
	v7 =	vsel vm10, v26, v25;
	v52 =	vsel vm10, v55, v54;
	v12 =	vsel vm10, v28, v27  }
0xf8: {  	v63 =	vsel vm10, v25, v28;
	[tilespmem:$0x1F950] =	vst v57;
	v54 =	vor.u32 v57, v42;
	v57 =	vsel vm10, v27, v26  }
0xf9: {  	v22 =	vld [tilespmem:$0x1FBE0];
	v53 =	vsel vm10, v16, v24;
	v18 =	vcombine.low v12, v7;
	v16 =	vcombine.low v63, v57  }
0xfa: {  	v23 =	vsel vm10, v58, v31;
	v31 =	vsel vm10, v47, v49;
	v25 =	vld.idx.msk [tilespmem:v0+s4+$0x0], $0xffff;
	v0 =	vsel vm10, v38, v29  }
0xfb: {  	[tilespmem:$0x1F940] =	vst v18;
	v33 =	vor.u32 v18, v42;
	v18 =	vcombine.low v31, v0;
	v0 =	vor.u32 v16, v42  }
0xfc: {  	v6 =	vsel vm10, v24, v55;
	vm5 =	veq.f32 v8, v2  }
0xfd: {  	vm6 =	veq.f32 v9, v2;
	vm15 =	veq.f32 v35, v2;
	v15 =	vcombine.low v6, v3  }
0xfe: {  	v45 =	vmovc v56;
	vm7 =	veq.f32 v14, v2;
	v35 =	vnsel vm2, $0x10, v22;
	v50 =	vsel vm10, v29, v47  }
0xff: {  	v51 =	vsel vm10, v49, v38;
	[tilespmem:$0x1F930] =	vst v15;
	v8 =	vor.u32 v15, v42;
	v15 =	vcombine.low v53, v52  }
0x100: {  	v48 =	vsel vm10, v30, v48;
	v20 =	vcombine.low v51, v50;
	v26 =	vld.idx.msk [tilespmem:v0+s4+$0x0], $0xffff;
	v0 =	vcombine.low v57, v63  }
0x101: {  	vm2 =	veq.f32 v13, v2;
	[tilespmem:$0x1F970] =	vst v15;
	v56 =	vor.u32 v15, v42;
	v15 =	vcombine.low v48, v23  }
0x102: {  	v55 =	vor.u32 v20, v42;
	[tilespmem:$0x1FA00] =	vst v0;
	v14 =	vor.u32 v0, v42;
	v0 =	vimm.s32 $0x0  }
0x103: {  	v21 =	vld [tilespmem:$0x1FF40];
	v9 =	vcombine.low v3, v6;
	v3 =	vor.u32 v15, v42;
	v0 =	vsel vm2, $0xFFFFFFFF, v0  }
0x104: {  	[tilespmem:$0x1FAA0] =	vst v0;
	v0 =	vld [tilespmem:$0x1FA20]  }
0x105: {  	v6 =	vld [tilespmem:$0x1FE60];
	[tilespmem:$0x1F960] =	vst v20  }
0x106: {  	v20 =	vld [tilespmem:$0x1FEA0];
	[tilespmem:$0x1F9A0] =	vst v18;
	v49 =	vor.u32 v18, v42;
	v18 =	vcombine.low v34, v36  }
0x107: {  	vm8 =	veq.f32 v11, v2;
	v11 =	vld.idx.msk [tilespmem:v55+s4+$0x0], $0xffff;
	v55 =	vcombine.low v50, v51  }
0x108: {  	vm11 =	veq.f32 v5, v2;
	v5 =	vor.u32 v18, v42;
	v63 =	vld.idx.msk [tilespmem:v3+s4+$0x0], $0xffff  }
0x109: {  	v3 =	vor.u32 v55, v42;
	vm2 =	vnez.u8 v0;
	v0 =	vld [tilespmem:$0x1FF70]  }
0x10a: {  	vm9 =	veq.f32 v4, v2;
	vm13 =	veq.f32 v10, v2;
	v4 =	vld.idx.msk [tilespmem:v8+s4+$0x0], $0xffff;
	v34 =	vcombine.low v32, v43  }
0x10b: {  	vm0 =	veq.f32 v37, v2;
	vm12 =	veq.f32 v39, v2;
	[tilespmem:$0x1F990] =	vst v15;
	v15 =	vcombine.low v7, v12;
	v7 =	vld [tilespmem:$0x1FE70]  }
0x10c: {  	vm1 =	veq.f32 v40, v2;
	vm14 =	veq.f32 v1, v2;
	v29 =	vld [tilespmem:$0x1FEB0];
	v1 =	vand.u32 $0xF, v34  }
0x10d: {  	v28 =	vld.idx.msk [tilespmem:v5+s4+$0x0], $0xffff;
	v5 =	vnsel vm3, $0x10, v46;
	vm3 =	veq.f32 v41, v2;
	v2 =	vmin.u32 v35, v1  }
0x10e: {  	v30 =	vld.idx.msk [tilespmem:v3+s4+$0x0], $0xffff;
	v50 =	vsel vm2, v2, v35;
	v2 =	vnsel vm9, $0x10, v0;
	v0 =	vlaneseq.u32  }
0x10f: {  	v3 =	vmin.u32 v5, v0;
	v0 =	vld [tilespmem:$0x1FF80]  }
0x110: {  	[tilespmem:$0x1F980] =	vst v16;
	v16 =	vld [tilespmem:$0x1FF30]  }
0x111: {  	v8 =	vld.idx.msk [tilespmem:v33+s4+$0x0], $0xffff  }
0x112: {  	[tilespmem:$0x1F9B0] =	vst v9;
	v10 =	vld.idx.msk [tilespmem:v54+s4+$0x0], $0xffff;
	v54 =	vor.u32 v9, v42  }
0x113: {  	[tilespmem:$0x1F9C0] =	vst v15;
	v9 =	vor.u32 v15, v42;
	v15 =	vcombine.low v52, v53;
	v52 =	vld [tilespmem:$0x1FF20]  }
0x114: {  	v51 =	vsel vm4, v3, v5;
	v3 =	vnsel vm13, $0x10, v0;
	v0 =	vld [tilespmem:$0x1FF90]  }
0x115: {  	[tilespmem:$0x1F9F0] =	vst v15;
	v33 =	vor.u32 v15, v42;
	v15 =	vld [tilespmem:$0x1FE80]  }
0x116: {  	[tilespmem:$0x1F9D0] =	vst v18;
	v18 =	vcombine.low v23, v48;
	v23 =	vld.idx.msk [tilespmem:v49+s4+$0x0], $0xffff  }
0x117: {  	v24 =	vld.idx.msk [tilespmem:v54+s4+$0x0], $0xffff  }
0x118: {  	v27 =	vld.idx.msk [tilespmem:v9+s4+$0x0], $0xffff;
	v9 =	vor.u32 v18, v42;
	v5 =	vmin.u32 v2, v17  }
0x119: {  	v58 =	vmov v17;
	v17 =	vsel vm5, v5, v2;
	v2 =	vnsel vm15, $0x10, v0;
	v0 =	vld [tilespmem:$0x1FFA0]  }
0x11a: {  	[tilespmem:$0x1FA10] =	vst v18;
	v18 =	vld [tilespmem:$0x1FF10]  }
0x11b: {  	v31 =	vld.idx.msk [tilespmem:v33+s4+$0x0], $0xffff  }
0x11c: {  	v32 =	vld.idx.msk [tilespmem:v14+s4+$0x0], $0xffff  }
0x11d: {  	v40 =	vmax.f32 v25, v4;
	v48 =	vnsel vm14, $0x10, v44;
	v33 =	vld.idx.msk [tilespmem:v9+s4+$0x0], $0xffff;
	v5 =	vmin.u32 v3, v59  }
0x11e: {  	v37 =	vsel vm10, v7, v6;
	v53 =	vsel vm6, v5, v3;
	v3 =	vnsel vm0, $0x10, v0;
	v0 =	vld [tilespmem:$0x1FFE0]  }
0x11f: {  	v36 =	vsel vm10, v21, v16;
	v9 =	vmax.f32 v8, v10;
	v41 =	vmax.f32 v23, v24  }
0x120: {  	v12 =	vld.idx.msk [tilespmem:v56+s4+$0x0], $0xffff;
	v43 =	vmax.f32 v27, v28;
	v14 =	vsel vm10, v15, v7;
	v7 =	vsel vm10, v29, v20  }
0x121: {  	v21 =	vsel vm10, v18, v21;
	v35 =	vsel vm10, v52, v18;
	v5 =	vmin.u32 v2, v60  }
0x122: {  	v38 =	vld [tilespmem:$0x1FEC0];
	v52 =	vsel vm10, v16, v52;
	v13 =	vmax.f32 v32, v33;
	v54 =	vsel vm8, v5, v2  }
0x123: {  	v2 =	vmax.f32 v40, v9;
	v9 =	vmax.f32 v30, v31;
	v39 =	vmin.u32 v3, v0;
	v0 =	vld [tilespmem:$0x1FFB0]  }
0x124: {  	v16 =	vimm.s32 $0x0;
	v5 =	vmax.f32 v26, v63;
	v47 =	vmax.f32 v9, v13  }
0x125: {  	v19 =	vld [tilespmem:$0x1FE90];
	[tilespmem:$0x1F9E0] =	vst v55;
	v9 =	vmin.u32 v48, v62;
	v55 =	vsel vm11, v39, v3;
	v3 =	vmax.f32 v11, v12  }
0x126: {  	v57 =	vsel vm1, v9, v48;
	v3 =	vmax.f32 v3, v5;
	v5 =	vmax.f32 v41, v43  }
0x127: {  	v39 =	vsel vm10, v38, v29;
	v2 =	vmax.f32 v2, v3;
	v5 =	vmax.f32 v5, v47  }
0x128: {  	v34 =	vmax.f32 v2, v5;
	v5 =	vcombine.low v36, v35;
	v3 =	vnsel vm12, $0x10, v0  }
0x129: {  	v48 =	vld [tilespmem:$0x1FEF0];
	vm2 =	veq.f32 v25, v34;
	vm4 =	veq.f32 v4, v34;
	v0 =	vlaneseq.u32  }
0x12a: {  	v43 =	vld [tilespmem:$0x1FED0];
	v25 =	vsel vm10, v20, v19;
	vm5 =	veq.f32 v8, v34;
	v8 =	vsel vm10, v19, v38  }
0x12b: {  	v47 =	vld [tilespmem:$0x1FEE0];
	vm1 =	veq.f32 v10, v34;
	v10 =	vcombine.low v21, v52;
	v0 =	vor.u32 $0x40, v0  }
0x12c: {  	vm11 =	veq.f32 v12, v34;
	v49 =	vmin.u32 v3, v61;
	[tilespmem:$0x1FA30] =	vst v0;
	v9 =	vor.u32 v0, v42;
	v0 =	vld [tilespmem:$0x1FE50]  }
0x12d: {  	vm15 =	veq.f32 v63, v34;
	vm12 =	veq.f32 v28, v34;
	v56 =	vsel vm7, v49, v3;
	v49 =	vld [tilespmem:$0x1FF00]  }
0x12e: {  	vm14 =	veq.f32 v31, v34;
	v28 =	vnsel vm3, $0x10, v22;
	vm3 =	veq.f32 v32, v34  }
0x12f: {  	[tilespmem:$0x1FA70] =	vst v5;
	v5 =	vor.u32 v5, v42;
	v19 =	vcombine.low v8, v7;
	v12 =	vcombine.low v25, v39  }
0x130: {  	v16 =	vsel vm3, $0xFFFFFFFF, v16;
	v31 =	vnsel vm4, $0x10, v46;
	v3 =	vcombine.low v39, v25  }
0x131: {  	v18 =	vld [tilespmem:$0x1FFE0];
	v63 =	vmovc v46;
	v25 =	vor.u32 v10, v42;
	v40 =	vsel vm10, v47, v43;
	v38 =	vsel vm10, v48, v47  }
0x132: {  	v46 =	vld [tilespmem:$0x1FF90];
	[tilespmem:$0x1FA50] =	vst v3;
	v3 =	vor.u32 v3, v42;
	v13 =	vsel vm10, v6, v0;
	v41 =	vsel vm10, v49, v48  }
0x133: {  	[tilespmem:$0x1FAB0] =	vst v16;
	v16 =	vld [tilespmem:$0x1FAA0];
	v0 =	vsel vm10, v0, v15;
	v15 =	vsel vm10, v43, v49;
	v2 =	vcombine.low v14, v13  }
0x134: {  	v5 =	vld.idx.msk [tilespmem:v5+s4+$0x0], $0xffff;
	v43 =	vor.u32 v19, v42;
	v4 =	vcombine.low v41, v40;
	v29 =	vcombine.low v15, v38  }
0x135: {  	vm6 =	veq.f32 v11, v34;
	v9 =	vld.idx.msk [tilespmem:v9+s4+$0x0], $0xffff;
	v11 =	vcombine.low v13, v14;
	v13 =	vcombine.low v40, v41  }
0x136: {  	v14 =	vcombine.low v35, v36;
	v35 =	vor.u32 v12, v42;
	v41 =	vcombine.low v38, v15;
	v15 =	vld.idx.msk [tilespmem:v25+s4+$0x0], $0xffff  }
0x137: {  	v36 =	vld [tilespmem:$0x1FF70];
	[tilespmem:$0x1FA40] =	vst v2;
	v2 =	vor.u32 v2, v42  }
0x138: {  	v3 =	vld.idx.msk [tilespmem:v3+s4+$0x0], $0xffff;
	[tilespmem:$0x1FA60] =	vst v4;
	v4 =	vor.u32 v4, v42  }
0x139: {  	v6 =	vcombine.low v0, v37;
	v39 =	vcombine.low v37, v0;
	v49 =	vor.u32 v11, v42;
	v0 =	vld.idx.msk [tilespmem:v43+s4+$0x0], $0xffff  }
0x13a: {  	v47 =	vor.u32 v13, v42;
	v43 =	vld [tilespmem:$0x1FF80]  }
0x13b: {  	vm7 =	veq.f32 v27, v34;
	v27 =	vld.idx.msk [tilespmem:v35+s4+$0x0], $0xffff  }
0x13c: {  	v48 =	vor.u32 v29, v42;
	v2 =	vld.idx.msk [tilespmem:v2+s4+$0x0], $0xffff  }
0x13d: {  	[tilespmem:$0x1FA80] =	vst v6;
	v6 =	vor.u32 v6, v42;
	v4 =	vld.idx.msk [tilespmem:v4+s4+$0x0], $0xffff  }
0x13e: {  	v40 =	vcombine.low v7, v8;
	v8 =	vor.u32 v14, v42;
	v25 =	vld.idx.msk [tilespmem:v49+s4+$0x0], $0xffff  }
0x13f: {  	vm13 =	veq.f32 v23, v34;
	vm8 =	veq.f32 v30, v34;
	v30 =	vor.u32 v41, v42;
	v23 =	vld.idx.msk [tilespmem:v47+s4+$0x0], $0xffff  }
0x140: {  	v49 =	vor.u32 v40, v42;
	v47 =	vld [tilespmem:$0x1FFA0]  }
0x141: {  	vm9 =	veq.f32 v26, v34;
	vm0 =	veq.f32 v24, v34;
	v7 =	vld.idx.msk [tilespmem:v48+s4+$0x0], $0xffff;
	v48 =	vor.u32 v39, v42  }
0x142: {  	vm4 =	veq.f32 v33, v34;
	v21 =	vmin.u32 v28, v1;
	v34 =	vnsel vm15, $0x10, v46;
	v6 =	vld.idx.msk [tilespmem:v6+s4+$0x0], $0xffff  }
0x143: {  	[tilespmem:$0x1FA90] =	vst v19;
	v19 =	vlaneseq.u32;
	v33 =	vnsel vm1, $0x10, v36;
	vm1 =	vnez.u8 v16;
	v8 =	vld.idx.msk [tilespmem:v8+s4+$0x0], $0xffff  }
0x144: {  	v37 =	vmin.u32 v31, v19;
	v28 =	vsel vm1, v21, v28;
	v38 =	vmin.u32 v33, v58;
	v30 =	vld.idx.msk [tilespmem:v30+s4+$0x0], $0xffff  }
0x145: {  	v32 =	vsel vm5, v38, v33;
	v26 =	vld.idx.msk [tilespmem:v49+s4+$0x0], $0xffff;
	v35 =	vnsel vm0, $0x10, v47;
	v49 =	vmin.u32 v34, v60  }
0x146: {  	v33 =	vnsel vm11, $0x10, v43;
	v24 =	vld.idx.msk [tilespmem:v48+s4+$0x0], $0xffff;
	v34 =	vsel vm9, v49, v34;
	v21 =	vmin.u32 v35, v18  }
0x147: {  	v49 =	vmax.f32 v15, v25;
	v35 =	vsel vm13, v21, v35;
	v21 =	vmax.f32 v27, v23  }
0x148: {  	v31 =	vsel vm2, v37, v31;
	v48 =	vmin.u32 v33, v59;
	v38 =	vmax.f32 v49, v21;
	v49 =	vld [tilespmem:$0x1FFB0]  }
0x149: {  	v43 =	vmax.f32 v9, v2;
	v46 =	vmax.f32 v3, v4;
	v47 =	vmax.f32 v5, v6  }
0x14a: {  	v33 =	vsel vm6, v48, v33;
	v36 =	vmax.f32 v43, v46;
	v48 =	vmax.f32 v0, v7  }
0x14b: {  	v37 =	vmax.f32 v47, v48;
	v43 =	vmax.f32 v8, v24;
	v46 =	vmax.f32 v26, v30  }
0x14c: {  	v36 =	vmax.f32 v36, v37;
	v21 =	vnsel vm14, $0x10, v44;
	v47 =	vmax.f32 v43, v46  }
0x14d: {  	v38 =	vmax.f32 v38, v47;
	v37 =	vnsel vm12, $0x10, v49;
	v49 =	vmin.u32 v21, v62  }
0x14e: {  	v36 =	vmax.f32 v36, v38;
	v38 =	vsel vm8, v49, v21;
	v49 =	vld [tilespmem:$0x1FF90]  }
0x14f: {  	vm6 =	veq.f32 v23, v36;
	v23 =	vld [tilespmem:$0x1FAE0]  }
0x150: {  	vm3 =	veq.f32 v8, v36;
	v8 =	vld [tilespmem:$0x1FAF0];
	_ =	sdelay $0x2  }
0x151: {  	vm15 =	veq.f32 v7, v36  }
0x152: {  	vm9 =	veq.f32 v9, v36;
	vm13 =	veq.f32 v6, v36;
	v6 =	vnsel vm15, $0x10, v49  }
0x153: {  	vm14 =	veq.f32 v0, v36;
	v9 =	vld [tilespmem:$0x1FB10];
	v7 =	vmin.u32 v23, v8;
	v8 =	vmin.u32 v6, v60  }
0x154: {  	v6 =	vsel vm14, v8, v6;
	v8 =	vld [tilespmem:$0x1FB00]  }
0x155: {  	v19 =	vlaneseq.u32;
	v46 =	vmin.u32 v37, v61  }
0x156: {  	v21 =	vld [tilespmem:$0x1FF70];
	vm8 =	veq.f32 v2, v36;
	vm0 =	veq.f32 v3, v36;
	vm11 =	veq.f32 v4, v36  }
0x157: {  	vm12 =	veq.f32 v5, v36;
	vm5 =	veq.f32 v15, v36;
	vm1 =	veq.f32 v25, v36;
	v5 =	vld [tilespmem:$0x1FAB0]  }
0x158: {  	vm2 =	veq.f32 v27, v36;
	v0 =	vnsel vm4, $0x10, v22;
	vm4 =	veq.f32 v26, v36  }
0x159: {  	v15 =	vmin.u32 v55, v56;
	v25 =	vmin.u32 v57, v28;
	v8 =	vmin.u32 v8, v9;
	v9 =	vld [tilespmem:$0x1FB20]  }
0x15a: {  	v43 =	vld [tilespmem:$0x1FF80];
	v37 =	vsel vm7, v46, v37;
	vm7 =	veq.f32 v24, v36;
	v2 =	vnsel vm8, $0x10, v63  }
0x15b: {  	vm8 =	veq.f32 v30, v36;
	v4 =	vmin.u32 v0, v1;
	v3 =	vnsel vm11, $0x10, v21  }
0x15c: {  	v47 =	vld [tilespmem:$0x1FAD0];
	v27 =	vnsel vm8, $0x10, v22;
	vm11 =	vnez.u8 v5;
	v5 =	vmin.u32 v3, v58  }
0x15d: {  	v0 =	vsel vm11, v4, v0;
	v4 =	vmin.u32 v2, v19;
	v3 =	vsel vm0, v5, v3;
	v5 =	vld [tilespmem:$0x1FAC0]  }
0x15e: {  	v30 =	vmin.u32 v27, v1;
	v2 =	vsel vm9, v4, v2;
	v9 =	vmin.u32 v9, v50  }
0x15f: {  	v4 =	vnsel vm13, $0x10, v43;
	v24 =	vmin.u32 v8, v9;
	v8 =	vmin.u32 v51, v17;
	v51 =	vld [tilespmem:$0x1FFB0]  }
0x160: {  	v52 =	vmovc v29;
	v46 =	vnsel vm7, $0x10, v44;
	v27 =	vsel vm4, v30, v27;
	v29 =	vmovc v21;
	v21 =	vmin.u32 v4, v59;
	v50 =	vld [tilespmem:$0x1FFA0]  }
0x161: {  	v0 =	vmin.u32 v38, v0;
	v2 =	vmin.u32 v2, v3;
	v4 =	vsel vm12, v21, v4;
	v17 =	vld [tilespmem:$0x1FFE0]  }
0x162: {  	v3 =	vmin.u32 v4, v6;
	v5 =	vmin.u32 v5, v47;
	v9 =	vmin.u32 v53, v54  }
0x163: {  	v5 =	vmin.u32 v5, v7;
	v26 =	vmin.u32 v8, v9;
	v8 =	vmin.u32 v15, v25  }
0x164: {  	v48 =	vmovc v43;
	v15 =	vmin.u32 v33, v34;
	v33 =	vmin.u32 v35, v37;
	v43 =	vnsel vm6, $0x10, v51  }
0x165: {  	v35 =	vor.u32 $0x1, v42;
	v9 =	vnsel vm1, $0x10, v50;
	v28 =	vmin.u32 v43, v61  }
0x166: {  	v34 =	vmin.u32 v9, v17;
	v25 =	vsel vm2, v28, v43;
	v28 =	vmin.u32 v46, v62  }
0x167: {  	v7 =	vmin.u32 v26, v8;
	v9 =	vsel vm5, v34, v9;
	v26 =	vsel vm3, v28, v46  }
0x168: {  	v2 =	vmin.u32 v2, v3;
	v4 =	vmin.u32 v9, v25;
	v47 =	vmin.u32 v26, v27  }
0x169: {  	v5 =	vmin.u32 v5, v24;
	v8 =	vmin.u32 v31, v32;
	v3 =	vmin.u32 v4, v47;
	v4 =	vld.idx.msk [tilespmem:v42+s4+$0x0], $0xffff  }
0x16a: {  	v0 =	vmin.u32 v33, v0;
	v49 =	vmin.u32 v8, v15;
	v2 =	vmin.u32 v2, v3;
	v3 =	vld.idx.msk [tilespmem:v35+s4+$0x0], $0xffff  }
0x16b: {  	v54 =	vshll.u32 v7, $0x4;
	v0 =	vmin.u32 v49, v0;
	v2 =	vshll.u32 v2, $0x4  }
0x16c: {  	v5 =	vadd.s32 v5, v54;
	v0 =	vadd.s32 v0, v2  }
0x16d: {  	v0 =	vmul.u32 v5, v0;
	_ =	sdelay $0x1  }
0x16e: {  	vm14 =	vge.f32 v4, $5.000000000e-01;
	vm15 =	vge.f32 v3, $5.000000000e-01;
	v2 =	vand.u32 $0xF, v0  }
0x16f: {  	v0 =	vshrl.u32 v0, $0x4;
	vm0 =	vmand vm14, vm15;
	v2 =	vor.u32 v2, v42  }
0x170: {  	v55 =	vld [tilespmem:$0x1FF60];
	v0 =	vand.u32 $0xF, v0;
	v2 =	vor.u32 $0x50, v2  }
0x171: {  	v57 =	vld [tilespmem:$0x1FFF0];
	v0 =	vor.u32 v0, v42  }
0x172: {  	p1 =	sne.s32 s29, $0x70;
	v56 =	vmov v45;
	v45 =	vld [tilespmem:$0x1FF90];
	v0 =	vor.u32 $0x60, v0  }
.Ltmp0:
0x173: {  	v53 =	vld [tilespmem:$0x1FF50];
	(pc) =	sbr.rel @p1 .LBB2_3-.Ltmp0, $4  }
0x174: {  	v4 =	vimm.f32 $2.000000000e+00;
	v3 =	vld [tilespmem:$0x1FFD0]  }
0x175: {  	[tilespmem:v2+s4+$0x0] =	vst.idx.add.f32.msk vm0, v4  }
0x176: {  	v2 =	vld [tilespmem:$0x1FFC0]  }
0x177: {  	s29 =	sadd.s32 $0x10, s29;
	v38 =	vmov v44;
	[tilespmem:v0+s4+$0x0] =	vst.idx.add.f32.msk vm0, v4  }
0x178: {  	s30 =	sshrl.u32 s30, $0x3  }
0x179: {  	s29 =	sadd.s32 s3, s30  }
0x17a: {  	[hbm4b:s29+s4] =	stream.linear.scatter [tilespmem:s4], [sflag:$0x5], $0x4000, $0x38;
	[tilespmem:$0x10000] =	vst v63  }
0x17b: {  	_ =	swait.ge [sflag:s16], $0x4000  }
0x17c: {  	[sflag:s16] =	ssyncset.done $0x0  }
0x17d: {  	s31 =	simm.s32 @!p0 $0x8;
	[sflag:s16] =	ssyncadd.s32 $0xFFFFC000  }
0x17e: {  	s29 =	sadd.s32 s9, s26;
	_ =	swait.ge @!p0 [sflag:s31], $0x4000  }
0x17f: {  	s29 =	sshrl.u32 s29, $0x3;
	[sflag:s31] =	ssyncset.done @!p0 $0x0  }
0x180: {  	s2 =	sadd.s32 s0, s29;
	[sflag:s31] =	ssyncadd.s32 @!p0 $0xFFFFC000;
	s31 =	simm.s32 $0x0  }
0x181: {  	v20 =	vmov v44;
	v19 =	vlaneseq.u32;
	v46 =	vld [tilespmem:$0x1F980];
	[tilespmem:s17], [sflag:$0x4] =	stream.linear.gather [hbm4b:s2+s31], $0x4000, $0x38  }
.LBB2_5:
0x182: {  	v4 =	vld [tilespmem:$0x1FB40]  }
0x183: {  	v8 =	vld [tilespmem:$0x1FB50]  }
0x184: {  	v9 =	vld [tilespmem:$0x1FB60]  }
0x185: {  	v15 =	vld [tilespmem:$0x1FB70]  }
0x186: {  	v17 =	vld [tilespmem:$0x1FB80]  }
0x187: {  	v24 =	vld [tilespmem:$0x1FB90]  }
0x188: {  	v0 =	vmov s31;
	v25 =	vld [tilespmem:$0x1FBA0]  }
0x189: {  	v26 =	vld [tilespmem:$0x1FBB0];
	v0 =	vshll.u32 v0, $0x7  }
0x18a: {  	v27 =	vld [tilespmem:$0x1FBC0];
	v42 =	vor.u32 v2, v0  }
0x18b: {  	v28 =	vld [tilespmem:$0x1FBD0];
	v0 =	vor.u32 v3, v42  }
0x18c: {  	v54 =	vld [tilespmem:$0x1F820];
	v3 =	vor.u32 v53, v42  }
0x18d: {  	v43 =	vld [tilespmem:$0x1F880];
	v4 =	vor.u32 v4, v42  }
0x18e: {  	v44 =	vld [tilespmem:$0x1F890];
	v5 =	vor.u32 v55, v42  }
0x18f: {  	v2 =	vld [tilespmem:$0x1FB30];
	v6 =	vor.u32 v56, v42  }
0x190: {  	v7 =	vor.u32 v57, v42;
	v0 =	vld.idx.msk [tilespmem:v0+s13+$0x0], $0xffff  }
0x191: {  	v8 =	vor.u32 v8, v42;
	v3 =	vld.idx.msk [tilespmem:v3+s13+$0x0], $0xffff  }
0x192: {  	v9 =	vor.u32 v9, v42;
	v4 =	vld.idx.msk [tilespmem:v4+s13+$0x0], $0xffff  }
0x193: {  	v15 =	vor.u32 v15, v42;
	v5 =	vld.idx.msk [tilespmem:v5+s13+$0x0], $0xffff  }
0x194: {  	v25 =	vor.u32 v25, v42;
	v6 =	vld.idx.msk [tilespmem:v6+s13+$0x0], $0xffff  }
0x195: {  	v26 =	vor.u32 v26, v42;
	v7 =	vld.idx.msk [tilespmem:v7+s13+$0x0], $0xffff  }
0x196: {  	v27 =	vor.u32 v27, v42;
	v8 =	vld.idx.msk [tilespmem:v8+s13+$0x0], $0xffff  }
0x197: {  	v28 =	vor.u32 v28, v42;
	v9 =	vld.idx.msk [tilespmem:v9+s13+$0x0], $0xffff  }
0x198: {  	v23 =	vor.u32 v17, v42;
	v15 =	vld.idx.msk [tilespmem:v15+s13+$0x0], $0xffff  }
0x199: {  	v24 =	vor.u32 v24, v42;
	v25 =	vld.idx.msk [tilespmem:v25+s13+$0x0], $0xffff  }
0x19a: {  	v2 =	vor.u32 v2, v42;
	v26 =	vld.idx.msk [tilespmem:v26+s13+$0x0], $0xffff  }
0x19b: {  	v27 =	vld.idx.msk [tilespmem:v27+s13+$0x0], $0xffff  }
0x19c: {  	v28 =	vld.idx.msk [tilespmem:v28+s13+$0x0], $0xffff  }
0x19d: {  	v23 =	vld.idx.msk [tilespmem:v23+s13+$0x0], $0xffff  }
0x19e: {  	v24 =	vld.idx.msk [tilespmem:v24+s13+$0x0], $0xffff  }
0x19f: {  	v2 =	vld.idx.msk [tilespmem:v2+s13+$0x0], $0xffff  }
0x1a0: {  	v16 =	vld [tilespmem:$0x1FBE0]  }
0x1a1: {  	v17 =	vld [tilespmem:$0x1FFE0];
	v36 =	vmax.f32 v25, v26;
	v37 =	vmax.f32 v27, v28  }
0x1a2: {  	v31 =	vmax.f32 v3, v4;
	v32 =	vmax.f32 v5, v6;
	v49 =	vmax.f32 v36, v37;
	v36 =	vld [tilespmem:$0x1F830]  }
0x1a3: {  	v33 =	vmax.f32 v7, v8;
	v34 =	vmax.f32 v9, v15;
	v35 =	vmax.f32 v23, v24;
	v37 =	vld [tilespmem:$0x1F860]  }
0x1a4: {  	v47 =	vmax.f32 v34, v35;
	v34 =	vor.u32 v54, v42;
	v54 =	vld [tilespmem:$0x1F8C0];
	v30 =	vmax.f32 v0, v2  }
0x1a5: {  	v35 =	vor.u32 v44, v42;
	v44 =	vld [tilespmem:$0x1F8F0];
	v30 =	vmax.f32 v30, v31;
	v31 =	vmax.f32 v32, v33  }
0x1a6: {  	v30 =	vmax.f32 v30, v31;
	v31 =	vmax.f32 v47, v49;
	v47 =	vld [tilespmem:$0x1F8A0]  }
0x1a7: {  	v49 =	vld [tilespmem:$0x1F8B0]  }
0x1a8: {  	v33 =	vor.u32 v37, v42;
	v37 =	vld [tilespmem:$0x1F8D0]  }
0x1a9: {  	v32 =	vor.u32 v36, v42;
	v36 =	vor.u32 v54, v42;
	v30 =	vmax.f32 v30, v31;
	v31 =	vld [tilespmem:$0x1F840]  }
0x1aa: {  	vm0 =	veq.f32 v2, v30;
	v2 =	vld [tilespmem:$0x1F850];
	vm3 =	veq.f32 v0, v30;
	vm1 =	veq.f32 v3, v30  }
0x1ab: {  	vm5 =	veq.f32 v4, v30;
	v3 =	vld.idx.msk [tilespmem:v34+s13+$0x0], $0xffff;
	vm6 =	veq.f32 v6, v30;
	vm2 =	veq.f32 v5, v30  }
0x1ac: {  	v4 =	vld [tilespmem:$0x1F870];
	vm4 =	veq.f32 v7, v30;
	vm7 =	veq.f32 v8, v30;
	vm12 =	veq.f32 v15, v30  }
0x1ad: {  	vm13 =	veq.f32 v23, v30;
	vm14 =	veq.f32 v26, v30;
	v26 =	vld.idx.msk [tilespmem:v35+s13+$0x0], $0xffff;
	vm15 =	veq.f32 v28, v30  }
0x1ae: {  	v0 =	vnsel vm0, $0x10, v63;
	v34 =	vnsel vm5, $0x10, v29;
	v6 =	vld.idx.msk [tilespmem:v32+s13+$0x0], $0xffff;
	v32 =	vor.u32 v43, v42  }
0x1af: {  	v5 =	vnsel vm6, $0x10, v48;
	v8 =	vnsel vm7, $0x10, v45;
	v7 =	vor.u32 v47, v42;
	v15 =	vld.idx.msk [tilespmem:v33+s13+$0x0], $0xffff  }
0x1b0: {  	vm5 =	veq.f32 v9, v30;
	v9 =	vnsel vm12, $0x10, v50;
	vm6 =	veq.f32 v24, v30;
	v43 =	vld [tilespmem:$0x1F8E0]  }
0x1b1: {  	vm7 =	veq.f32 v25, v30;
	v25 =	vnsel vm14, $0x10, v38;
	v33 =	vor.u32 v49, v42;
	v47 =	vld [tilespmem:$0x1F900]  }
0x1b2: {  	vm12 =	veq.f32 v27, v30;
	v27 =	vnsel vm15, $0x10, v16;
	v24 =	vor.u32 v37, v42;
	v36 =	vld.idx.msk [tilespmem:v36+s13+$0x0], $0xffff  }
0x1b3: {  	v28 =	vmin.u32 v0, v19;
	v30 =	vmin.u32 v5, v59;
	v37 =	vor.u32 v44, v42;
	v23 =	vld.idx.msk [tilespmem:v32+s13+$0x0], $0xffff  }
0x1b4: {  	v54 =	vmin.u32 v25, v62;
	v0 =	vsel vm3, v28, v0;
	v31 =	vor.u32 v31, v42;
	v7 =	vld.idx.msk [tilespmem:v7+s13+$0x0], $0xffff  }
0x1b5: {  	v28 =	vmin.u32 v34, v58;
	v2 =	vor.u32 v2, v42;
	v35 =	vor.u32 v43, v42;
	v43 =	vld [tilespmem:$0x1F910]  }
0x1b6: {  	v49 =	vmin.u32 v8, v60;
	v44 =	vmin.u32 v9, v17;
	v4 =	vor.u32 v4, v42;
	v33 =	vld.idx.msk [tilespmem:v33+s13+$0x0], $0xffff  }
0x1b7: {  	v5 =	vsel vm2, v30, v5;
	v25 =	vsel vm7, v54, v25;
	v28 =	vsel vm1, v28, v34;
	v24 =	vld.idx.msk [tilespmem:v24+s13+$0x0], $0xffff  }
0x1b8: {  	v8 =	vsel vm4, v49, v8;
	v9 =	vsel vm5, v44, v9;
	v32 =	vnsel vm6, $0x10, v51;
	v30 =	vld.idx.msk [tilespmem:v37+s13+$0x0], $0xffff  }
0x1b9: {  	v49 =	vmin.u32 v27, v1;
	v38 =	vor.u32 v47, v42;
	v31 =	vld.idx.msk [tilespmem:v31+s13+$0x0], $0xffff;
	v34 =	vmin.u32 v32, v61  }
0x1ba: {  	v27 =	vsel vm12, v49, v27;
	v2 =	vld.idx.msk [tilespmem:v2+s13+$0x0], $0xffff;
	v32 =	vsel vm13, v34, v32;
	v43 =	vor.u32 v43, v42  }
0x1bb: {  	v5 =	vmin.u32 v5, v8;
	v4 =	vld.idx.msk [tilespmem:v4+s13+$0x0], $0xffff;
	v8 =	vmin.u32 v9, v32;
	v9 =	vmin.u32 v25, v27  }
0x1bc: {  	v8 =	vmin.u32 v8, v9;
	v9 =	vld [tilespmem:$0x1F940]  }
0x1bd: {  	v35 =	vld.idx.msk [tilespmem:v35+s13+$0x0], $0xffff  }
0x1be: {  	v38 =	vld.idx.msk [tilespmem:v38+s13+$0x0], $0xffff  }
0x1bf: {  	v34 =	vld.idx.msk [tilespmem:v43+s13+$0x0], $0xffff  }
0x1c0: {  	v0 =	vmin.u32 v0, v28  }
0x1c1: {  	v0 =	vmin.u32 v0, v5;
	v5 =	vmax.f32 v3, v6  }
0x1c2: {  	v28 =	vmax.f32 v23, v26;
	v32 =	vmax.f32 v7, v33;
	v9 =	vor.u32 v9, v42  }
0x1c3: {  	v37 =	vmax.f32 v36, v24;
	v54 =	vmax.f32 v31, v2;
	v27 =	vmax.f32 v15, v4  }
0x1c4: {  	v47 =	vld [tilespmem:$0x1F960];
	v5 =	vmax.f32 v5, v54;
	v43 =	vmax.f32 v35, v30;
	v49 =	vmax.f32 v38, v34  }
0x1c5: {  	v54 =	vmax.f32 v27, v28;
	v27 =	vmax.f32 v32, v37;
	v37 =	vld [tilespmem:$0x1F9E0];
	v28 =	vmax.f32 v43, v49  }
0x1c6: {  	v5 =	vmax.f32 v5, v54;
	v54 =	vld [tilespmem:$0x1F9C0];
	v44 =	vmax.f32 v27, v28  }
0x1c7: {  	v9 =	vld.idx.msk [tilespmem:v9+s13+$0x0], $0xffff;
	v5 =	vmax.f32 v5, v44  }
0x1c8: {  	v43 =	vld [tilespmem:$0x1F920];
	vm13 =	veq.f32 v6, v5  }
0x1c9: {  	v27 =	vld [tilespmem:$0x1F930];
	vm2 =	veq.f32 v3, v5;
	v6 =	vor.u32 v47, v42;
	vm1 =	veq.f32 v31, v5  }
0x1ca: {  	v28 =	vld [tilespmem:$0x1F990];
	vm14 =	veq.f32 v2, v5;
	vm15 =	veq.f32 v4, v5;
	vm4 =	veq.f32 v15, v5  }
0x1cb: {  	v44 =	vld [tilespmem:$0x1FA00];
	vm3 =	veq.f32 v23, v5;
	vm7 =	veq.f32 v26, v5;
	vm12 =	veq.f32 v33, v5  }
0x1cc: {  	v23 =	vld [tilespmem:$0x1F9A0];
	vm5 =	veq.f32 v7, v5;
	vm8 =	veq.f32 v38, v5;
	vm9 =	veq.f32 v34, v5  }
0x1cd: {  	v31 =	vld [tilespmem:$0x1F9B0];
	v3 =	vnsel vm13, $0x10, v63;
	v15 =	vnsel vm15, $0x10, v48;
	v7 =	vnsel vm12, $0x10, v50  }
0x1ce: {  	vm15 =	veq.f32 v35, v5;
	v35 =	vor.u32 v37, v42;
	vm12 =	veq.f32 v30, v5;
	v30 =	vld [tilespmem:$0x1F9F0]  }
0x1cf: {  	v49 =	vnsel vm14, $0x10, v29;
	v26 =	vnsel vm7, $0x10, v45;
	v45 =	vld [tilespmem:$0x1FA10];
	v27 =	vor.u32 v27, v42  }
0x1d0: {  	vm13 =	veq.f32 v36, v5;
	v32 =	vor.u32 v43, v42;
	v43 =	vmin.u32 v0, v8;
	v0 =	vld [tilespmem:$0x1F950]  }
0x1d1: {  	vm14 =	veq.f32 v24, v5;
	v8 =	vld [tilespmem:$0x1F970];
	v5 =	vmin.u32 v3, v19;
	v28 =	vor.u32 v28, v42  }
0x1d2: {  	v37 =	vnsel vm12, $0x10, v20;
	v47 =	vmin.u32 v15, v59;
	v34 =	vor.u32 v44, v42;
	v6 =	vld.idx.msk [tilespmem:v6+s13+$0x0], $0xffff  }
0x1d3: {  	v3 =	vsel vm2, v5, v3;
	v5 =	vmin.u32 v49, v58;
	v15 =	vsel vm4, v47, v15;
	v35 =	vld.idx.msk [tilespmem:v35+s13+$0x0], $0xffff  }
0x1d4: {  	v5 =	vsel vm1, v5, v49;
	v49 =	vmin.u32 v26, v60;
	v4 =	vld.idx.msk [tilespmem:v27+s13+$0x0], $0xffff;
	v27 =	vor.u32 v46, v42  }
0x1d5: {  	v44 =	vnsel vm9, $0x10, v16;
	v23 =	vor.u32 v23, v42;
	v25 =	vsel vm3, v49, v26;
	v2 =	vld.idx.msk [tilespmem:v32+s13+$0x0], $0xffff  }
0x1d6: {  	v49 =	vmin.u32 v37, v62;
	v32 =	vor.u32 v54, v42;
	v54 =	vmin.u32 v7, v17;
	v28 =	vld.idx.msk [tilespmem:v28+s13+$0x0], $0xffff  }
0x1d7: {  	v0 =	vor.u32 v0, v42;
	v7 =	vsel vm5, v54, v7;
	v54 =	vmin.u32 v44, v1;
	v34 =	vld.idx.msk [tilespmem:v34+s13+$0x0], $0xffff  }
0x1d8: {  	v47 =	vsel vm15, v49, v37;
	v8 =	vor.u32 v8, v42;
	v49 =	vsel vm8, v54, v44;
	v54 =	vld [tilespmem:$0x1FA30]  }
0x1d9: {  	v24 =	vld.idx.msk [tilespmem:v27+s13+$0x0], $0xffff  }
0x1da: {  	v30 =	vor.u32 v30, v42;
	v27 =	vld [tilespmem:$0x1F9D0]  }
0x1db: {  	v36 =	vor.u32 v45, v42;
	v23 =	vld.idx.msk [tilespmem:v23+s13+$0x0], $0xffff  }
0x1dc: {  	v31 =	vor.u32 v31, v42;
	v0 =	vld.idx.msk [tilespmem:v0+s13+$0x0], $0xffff  }
0x1dd: {  	v33 =	vnsel vm14, $0x10, v51;
	v8 =	vld.idx.msk [tilespmem:v8+s13+$0x0], $0xffff  }
0x1de: {  	v3 =	vmin.u32 v3, v5;
	v5 =	vmin.u32 v15, v25;
	v15 =	vmin.u32 v47, v49;
	v47 =	vld [tilespmem:$0x1FA40]  }
0x1df: {  	v26 =	vld.idx.msk [tilespmem:v30+s13+$0x0], $0xffff;
	v30 =	vmin.u32 v33, v61;
	v27 =	vor.u32 v27, v42  }
0x1e0: {  	v36 =	vld.idx.msk [tilespmem:v36+s13+$0x0], $0xffff;
	v30 =	vsel vm13, v30, v33  }
0x1e1: {  	v3 =	vmin.u32 v3, v5;
	v31 =	vld.idx.msk [tilespmem:v31+s13+$0x0], $0xffff;
	v7 =	vmin.u32 v7, v30;
	v5 =	vmax.f32 v2, v4  }
0x1e2: {  	v32 =	vld.idx.msk [tilespmem:v32+s13+$0x0], $0xffff;
	v25 =	vmax.f32 v9, v0;
	v30 =	vmax.f32 v6, v8;
	v33 =	vmax.f32 v24, v28  }
0x1e3: {  	v5 =	vmax.f32 v5, v25;
	v25 =	vmax.f32 v30, v33;
	v30 =	vld [tilespmem:$0x1FA50]  }
0x1e4: {  	v44 =	vor.u32 v54, v42;
	v27 =	vld.idx.msk [tilespmem:v27+s13+$0x0], $0xffff  }
0x1e5: {  	v47 =	vor.u32 v47, v42;
	v45 =	vmax.f32 v35, v26;
	v49 =	vmax.f32 v34, v36  }
0x1e6: {  	v54 =	vmov v46;
	v46 =	vmax.f32 v45, v49;
	v49 =	vld [tilespmem:$0x1FA60]  }
0x1e7: {  	v22 =	vld [tilespmem:$0x1FA80]  }
0x1e8: {  	v30 =	vor.u32 v30, v42  }
0x1e9: {  	v7 =	vmin.u32 v7, v15;
	v37 =	vmax.f32 v23, v31;
	v15 =	vld.idx.msk [tilespmem:v44+s13+$0x0], $0xffff;
	v38 =	vmax.f32 v32, v27  }
0x1ea: {  	v44 =	vmin.u32 v3, v7;
	v3 =	vld.idx.msk [tilespmem:v47+s13+$0x0], $0xffff;
	v33 =	vmax.f32 v37, v38  }
0x1eb: {  	v5 =	vmax.f32 v5, v25;
	v47 =	vld [tilespmem:$0x1FF70];
	v38 =	vor.u32 v49, v42;
	v45 =	vmax.f32 v33, v46  }
0x1ec: {  	v49 =	vor.u32 v22, v42;
	v46 =	vld [tilespmem:$0x1FA70];
	v5 =	vmax.f32 v5, v45  }
0x1ed: {  	v7 =	vld.idx.msk [tilespmem:v30+s13+$0x0], $0xffff;
	v30 =	vor.u32 v52, v42;
	vm13 =	veq.f32 v4, v5;
	vm14 =	veq.f32 v2, v5  }
0x1ee: {  	v4 =	vld [tilespmem:$0x1FA90];
	vm15 =	veq.f32 v9, v5;
	v9 =	vor.u32 v10, v42;
	vm0 =	veq.f32 v24, v5  }
0x1ef: {  	v24 =	vor.u32 v13, v42;
	v2 =	vnsel vm13, $0x10, v63;
	vm13 =	veq.f32 v28, v5;
	v28 =	vld [tilespmem:$0x1FF90]  }
0x1f0: {  	vm7 =	veq.f32 v0, v5;
	vm12 =	veq.f32 v8, v5;
	v0 =	vld.idx.msk [tilespmem:v38+s13+$0x0], $0xffff;
	v38 =	vor.u32 v12, v42  }
0x1f1: {  	vm1 =	veq.f32 v6, v5;
	v37 =	vnsel vm7, $0x10, v47;
	v25 =	vld.idx.msk [tilespmem:v49+s13+$0x0], $0xffff;
	v33 =	vor.u32 v46, v42  }
0x1f2: {  	v6 =	vnsel vm12, $0x10, v48;
	v48 =	vmin.u32 v2, v19;
	v30 =	vld.idx.msk [tilespmem:v30+s13+$0x0], $0xffff;
	v46 =	vor.u32 v14, v42  }
0x1f3: {  	v49 =	vmin.u32 v37, v58;
	v2 =	vsel vm14, v48, v2;
	v48 =	vor.u32 v39, v42;
	v9 =	vld.idx.msk [tilespmem:v9+s13+$0x0], $0xffff  }
0x1f4: {  	vm14 =	veq.f32 v31, v5;
	v31 =	vsel vm15, v49, v37;
	v49 =	vor.u32 v40, v42;
	v24 =	vld.idx.msk [tilespmem:v24+s13+$0x0], $0xffff  }
0x1f5: {  	vm3 =	veq.f32 v23, v5;
	v23 =	vnsel vm14, $0x10, v50;
	v50 =	vor.u32 v41, v42;
	v38 =	vld.idx.msk [tilespmem:v38+s13+$0x0], $0xffff  }
0x1f6: {  	vm2 =	veq.f32 v32, v5;
	vm15 =	veq.f32 v27, v5;
	v4 =	vor.u32 v4, v42;
	v8 =	vld.idx.msk [tilespmem:v33+s13+$0x0], $0xffff  }
0x1f7: {  	vm12 =	veq.f32 v26, v5;
	v26 =	vnsel vm15, $0x10, v51;
	v33 =	vor.u32 v11, v42;
	v32 =	vld.idx.msk [tilespmem:v46+s13+$0x0], $0xffff  }
0x1f8: {  	vm14 =	veq.f32 v34, v5;
	vm15 =	veq.f32 v36, v5;
	v28 =	vnsel vm13, $0x10, v28;
	v34 =	vld.idx.msk [tilespmem:v48+s13+$0x0], $0xffff  }
0x1f9: {  	vm13 =	veq.f32 v35, v5;
	v5 =	vmin.u32 v6, v59;
	v46 =	vmin.u32 v28, v60;
	v36 =	vld.idx.msk [tilespmem:v49+s13+$0x0], $0xffff  }
0x1fa: {  	v5 =	vsel vm1, v5, v6;
	v6 =	vsel vm0, v46, v28;
	v28 =	vld.idx.msk [tilespmem:v50+s13+$0x0], $0xffff  }
0x1fb: {  	v27 =	vnsel vm12, $0x10, v20;
	v4 =	vld.idx.msk [tilespmem:v4+s13+$0x0], $0xffff  }
0x1fc: {  	v37 =	vmax.f32 v15, v3;
	v2 =	vmin.u32 v2, v31;
	v47 =	vmin.u32 v23, v17;
	v33 =	vld.idx.msk [tilespmem:v33+s13+$0x0], $0xffff  }
0x1fd: {  	v23 =	vsel vm3, v47, v23;
	v45 =	vmax.f32 v7, v0;
	v48 =	vnsel vm15, $0x10, v16  }
0x1fe: {  	v49 =	vmin.u32 v26, v61;
	v50 =	vmin.u32 v27, v62;
	v51 =	vmin.u32 v48, v1  }
0x1ff: {  	v37 =	vmax.f32 v37, v45;
	v27 =	vsel vm13, v50, v27;
	v35 =	vsel vm14, v51, v48  }
0x200: {  	v50 =	vmax.f32 v38, v24;
	v46 =	vmax.f32 v8, v25;
	v51 =	vmax.f32 v32, v34  }
0x201: {  	v45 =	vmax.f32 v36, v28;
	v47 =	vmax.f32 v4, v30;
	v48 =	vmax.f32 v9, v33  }
0x202: {  	v45 =	vmax.f32 v51, v45;
	v46 =	vmax.f32 v46, v47;
	v47 =	vmax.f32 v48, v50  }
0x203: {  	v26 =	vsel vm2, v49, v26;
	v49 =	vld [tilespmem:$0x1FF80];
	v31 =	vmax.f32 v37, v46;
	v37 =	vmax.f32 v47, v45  }
0x204: {  	v5 =	vmin.u32 v5, v6;
	v6 =	vmin.u32 v23, v26;
	v48 =	vld [tilespmem:$0x1FF70];
	v23 =	vmax.f32 v31, v37  }
0x205: {  	vm12 =	veq.f32 v15, v23;
	vm13 =	veq.f32 v3, v23;
	vm14 =	veq.f32 v0, v23  }
0x206: {  	vm15 =	veq.f32 v7, v23;
	vm2 =	veq.f32 v8, v23;
	vm6 =	veq.f32 v25, v23  }
0x207: {  	v45 =	vld [tilespmem:$0x1FF90];
	vm7 =	veq.f32 v4, v23;
	vm5 =	veq.f32 v24, v23;
	v0 =	vnsel vm13, $0x10, v63  }
0x208: {  	v50 =	vld [tilespmem:$0x1FFA0];
	v4 =	vnsel vm6, $0x10, v49;
	vm13 =	veq.f32 v9, v23;
	vm6 =	veq.f32 v34, v23  }
0x209: {  	v29 =	vmovc v48;
	v3 =	vnsel vm14, $0x10, v48;
	v48 =	vmin.u32 v0, v19;
	vm14 =	veq.f32 v33, v23  }
0x20a: {  	v51 =	vld [tilespmem:$0x1FFB0];
	v9 =	vmin.u32 v4, v59;
	v34 =	vnsel vm6, $0x10, v20;
	v8 =	vmin.u32 v3, v58  }
0x20b: {  	v0 =	vsel vm12, v48, v0;
	vm12 =	veq.f32 v30, v23;
	v4 =	vsel vm2, v9, v4  }
0x20c: {  	v37 =	vmin.u32 v34, v62;
	v3 =	vsel vm15, v8, v3;
	v26 =	vnsel vm12, $0x10, v45  }
0x20d: {  	v8 =	vnsel vm14, $0x10, v50;
	vm15 =	veq.f32 v38, v23;
	v9 =	vmin.u32 v26, v60  }
0x20e: {  	vm12 =	veq.f32 v28, v23;
	v15 =	vmin.u32 v8, v17;
	v7 =	vsel vm7, v9, v26  }
0x20f: {  	v8 =	vsel vm13, v15, v8;
	v9 =	vor.u32 $0x1, v42;
	v15 =	vnsel vm5, $0x10, v51  }
0x210: {  	vm7 =	veq.f32 v32, v23;
	vm13 =	veq.f32 v36, v23;
	v23 =	vnsel vm12, $0x10, v16  }
0x211: {  	v0 =	vmin.u32 v0, v3;
	v36 =	vmin.u32 v15, v61;
	v47 =	vmin.u32 v23, v1  }
0x212: {  	v24 =	vsel vm7, v37, v34;
	v15 =	vsel vm15, v36, v15;
	v23 =	vsel vm13, v47, v23  }
0x213: {  	v48 =	vmovc v49;
	v3 =	vmin.u32 v4, v7;
	v4 =	vmin.u32 v8, v15;
	v49 =	vmin.u32 v24, v23  }
0x214: {  	v0 =	vmin.u32 v0, v3;
	v8 =	vmin.u32 v27, v35;
	v3 =	vmin.u32 v4, v49;
	v4 =	vld.idx.msk [tilespmem:v42+s13+$0x0], $0xffff  }
0x215: {  	v2 =	vmin.u32 v2, v5;
	v5 =	vmin.u32 v6, v8;
	v0 =	vmin.u32 v0, v3;
	v3 =	vld.idx.msk [tilespmem:v9+s13+$0x0], $0xffff  }
0x216: {  	v2 =	vmin.u32 v2, v5;
	v5 =	vshll.u32 v44, $0x4;
	v0 =	vshll.u32 v0, $0x4  }
0x217: {  	v5 =	vadd.s32 v43, v5;
	v0 =	vadd.s32 v2, v0  }
0x218: {  	v0 =	vmul.u32 v5, v0;
	_ =	sdelay $0x1  }
0x219: {  	vm14 =	vge.f32 v4, $5.000000000e-01;
	vm15 =	vge.f32 v3, $5.000000000e-01;
	v2 =	vand.u32 $0xF, v0  }
0x21a: {  	v0 =	vshrl.u32 v0, $0x4;
	vm0 =	vmand vm14, vm15;
	v2 =	vor.u32 v2, v42  }
0x21b: {  	v0 =	vand.u32 $0xF, v0;
	v2 =	vor.u32 $0x50, v2  }
0x21c: {  	v0 =	vor.u32 v0, v42  }
0x21d: {  	p0 =	sne.s32 s31, $0x70;
	v0 =	vor.u32 $0x60, v0  }
.Ltmp1:
0x21e: {  	_ = 	snop;
	(pc) =	sbr.rel @p0 .LBB2_5-.Ltmp1, $4  }
0x21f: {  	v4 =	vimm.f32 $2.000000000e+00;
	v3 =	vld [tilespmem:$0x1FFD0]  }
0x220: {  	[tilespmem:v2+s13+$0x0] =	vst.idx.add.f32.msk vm0, v4  }
0x221: {  	v2 =	vld [tilespmem:$0x1FFC0]  }
0x222: {  	s31 =	sadd.s32 $0x10, s31;
	v46 =	vmov v54;
	v38 =	vmov v20;
	[tilespmem:v0+s13+$0x0] =	vst.idx.add.f32.msk vm0, v4  }
0x223: {  	s2 =	sadd.s32 s30, s3  }
0x224: {  	s2 =	sadd.s32 $0x800, s2  }
0x225: {  	[hbm4b:s2+s4] =	stream.linear.scatter [tilespmem:s13], [sflag:$0x6], $0x4000, $0x38;
	[tilespmem:$0x10000] =	vst v63  }
0x226: {  	_ =	swait.ge [sflag:s18], $0x4000  }
0x227: {  	[sflag:s18] =	ssyncset.done $0x0  }
0x228: {  	p0 =	seq.s32 s25, $0xF;
	[sflag:s18] =	ssyncadd.s32 $0xFFFFC000  }
0x229: {  	s2 =	sadd.s32 @!p0 s26, s10;
	_ =	swait.ge [sflag:s19], $0x4000  }
0x22a: {  	s2 =	sshrl.u32 @!p0 s2, $0x3;
	[sflag:s19] =	ssyncset.done $0x0  }
0x22b: {  	s30 =	simm.s32 @!p0 $0x0;
	s2 =	sadd.s32 @!p0 s0, s2;
	[sflag:s19] =	ssyncadd.s32 $0xFFFFC000  }
0x22c: {  	[tilespmem:s30], [sflag:$0x1] =	stream.linear.gather @!p0 [hbm4b:s2+s30], $0x4000, $0x38;
	[tilespmem:$0x10000] =	vst v63  }
0x22d: {  	s30 =	simm.s32 $0x0  }
.LBB2_7:
0x22e: {  	v4 =	vld [tilespmem:$0x1FB40]  }
0x22f: {  	v8 =	vld [tilespmem:$0x1FB50]  }
0x230: {  	v9 =	vld [tilespmem:$0x1FB60]  }
0x231: {  	v15 =	vld [tilespmem:$0x1FB70]  }
0x232: {  	v17 =	vld [tilespmem:$0x1FB80]  }
0x233: {  	v0 =	vmov s30;
	v24 =	vld [tilespmem:$0x1FB90]  }
0x234: {  	v25 =	vld [tilespmem:$0x1FBA0];
	v0 =	vshll.u32 v0, $0x7  }
0x235: {  	v26 =	vld [tilespmem:$0x1FBB0];
	v42 =	vor.u32 v2, v0  }
0x236: {  	v27 =	vld [tilespmem:$0x1FBC0];
	v0 =	vor.u32 v3, v42  }
0x237: {  	v28 =	vld [tilespmem:$0x1FBD0];
	v3 =	vor.u32 v53, v42  }
0x238: {  	v47 =	vld [tilespmem:$0x1F820];
	v4 =	vor.u32 v4, v42  }
0x239: {  	v49 =	vld [tilespmem:$0x1F830];
	v5 =	vor.u32 v55, v42  }
0x23a: {  	v2 =	vld [tilespmem:$0x1FB30];
	v6 =	vor.u32 v56, v42  }
0x23b: {  	v7 =	vor.u32 v57, v42;
	v0 =	vld.idx.msk [tilespmem:v0+s15+$0x0], $0xffff  }
0x23c: {  	v8 =	vor.u32 v8, v42;
	v3 =	vld.idx.msk [tilespmem:v3+s15+$0x0], $0xffff  }
0x23d: {  	v9 =	vor.u32 v9, v42;
	v4 =	vld.idx.msk [tilespmem:v4+s15+$0x0], $0xffff  }
0x23e: {  	v15 =	vor.u32 v15, v42;
	v5 =	vld.idx.msk [tilespmem:v5+s15+$0x0], $0xffff  }
0x23f: {  	v25 =	vor.u32 v25, v42;
	v6 =	vld.idx.msk [tilespmem:v6+s15+$0x0], $0xffff  }
0x240: {  	v26 =	vor.u32 v26, v42;
	v7 =	vld.idx.msk [tilespmem:v7+s15+$0x0], $0xffff  }
0x241: {  	v27 =	vor.u32 v27, v42;
	v8 =	vld.idx.msk [tilespmem:v8+s15+$0x0], $0xffff  }
0x242: {  	v28 =	vor.u32 v28, v42;
	v9 =	vld.idx.msk [tilespmem:v9+s15+$0x0], $0xffff  }
0x243: {  	v23 =	vor.u32 v17, v42;
	v15 =	vld.idx.msk [tilespmem:v15+s15+$0x0], $0xffff  }
0x244: {  	v24 =	vor.u32 v24, v42;
	v25 =	vld.idx.msk [tilespmem:v25+s15+$0x0], $0xffff  }
0x245: {  	v2 =	vor.u32 v2, v42;
	v26 =	vld.idx.msk [tilespmem:v26+s15+$0x0], $0xffff  }
0x246: {  	v27 =	vld.idx.msk [tilespmem:v27+s15+$0x0], $0xffff  }
0x247: {  	v28 =	vld.idx.msk [tilespmem:v28+s15+$0x0], $0xffff  }
0x248: {  	v23 =	vld.idx.msk [tilespmem:v23+s15+$0x0], $0xffff  }
0x249: {  	v24 =	vld.idx.msk [tilespmem:v24+s15+$0x0], $0xffff  }
0x24a: {  	v2 =	vld.idx.msk [tilespmem:v2+s15+$0x0], $0xffff  }
0x24b: {  	v16 =	vld [tilespmem:$0x1FBE0]  }
0x24c: {  	v17 =	vld [tilespmem:$0x1FFE0];
	v36 =	vmax.f32 v25, v26;
	v37 =	vmax.f32 v27, v28  }
0x24d: {  	v31 =	vmax.f32 v3, v4;
	v32 =	vmax.f32 v5, v6;
	v44 =	vmax.f32 v36, v37;
	v36 =	vld [tilespmem:$0x1F860]  }
0x24e: {  	v33 =	vmax.f32 v7, v8;
	v34 =	vmax.f32 v9, v15;
	v35 =	vmax.f32 v23, v24;
	v37 =	vld [tilespmem:$0x1F880]  }
0x24f: {  	v43 =	vmax.f32 v34, v35;
	v34 =	vor.u32 v47, v42;
	v47 =	vld [tilespmem:$0x1F8B0];
	v30 =	vmax.f32 v0, v2  }
0x250: {  	v30 =	vmax.f32 v30, v31;
	v31 =	vmax.f32 v32, v33;
	v32 =	vor.u32 v49, v42;
	v49 =	vld [tilespmem:$0x1F8C0]  }
0x251: {  	v30 =	vmax.f32 v30, v31;
	v31 =	vmax.f32 v43, v44;
	v43 =	vld [tilespmem:$0x1F890]  }
0x252: {  	v44 =	vld [tilespmem:$0x1F8A0]  }
0x253: {  	v30 =	vmax.f32 v30, v31;
	v31 =	vld [tilespmem:$0x1F840]  }
0x254: {  	v33 =	vor.u32 v36, v42;
	vm0 =	veq.f32 v2, v30;
	v2 =	vld [tilespmem:$0x1F850]  }
0x255: {  	vm1 =	veq.f32 v3, v30;
	v3 =	vld.idx.msk [tilespmem:v34+s15+$0x0], $0xffff  }
0x256: {  	vm5 =	veq.f32 v4, v30;
	v4 =	vld [tilespmem:$0x1F870]  }
0x257: {  	vm6 =	veq.f32 v6, v30;
	v6 =	vld.idx.msk [tilespmem:v32+s15+$0x0], $0xffff  }
0x258: {  	v32 =	vor.u32 v37, v42;
	v37 =	vld [tilespmem:$0x1F8D0]  }
0x259: {  	vm12 =	veq.f32 v15, v30;
	v36 =	vor.u32 v49, v42;
	v15 =	vld.idx.msk [tilespmem:v33+s15+$0x0], $0xffff  }
0x25a: {  	v35 =	vor.u32 v43, v42;
	v43 =	vld [tilespmem:$0x1F8E0]  }
0x25b: {  	vm4 =	veq.f32 v7, v30;
	v7 =	vor.u32 v44, v42;
	v44 =	vld [tilespmem:$0x1F8F0]  }
0x25c: {  	vm3 =	veq.f32 v0, v30;
	v33 =	vor.u32 v47, v42;
	v47 =	vld [tilespmem:$0x1F900]  }
0x25d: {  	vm2 =	veq.f32 v5, v30;
	vm7 =	veq.f32 v8, v30;
	vm13 =	veq.f32 v23, v30;
	v23 =	vld.idx.msk [tilespmem:v32+s15+$0x0], $0xffff  }
0x25e: {  	vm14 =	veq.f32 v26, v30;
	vm15 =	veq.f32 v28, v30;
	v31 =	vor.u32 v31, v42;
	v36 =	vld.idx.msk [tilespmem:v36+s15+$0x0], $0xffff  }
0x25f: {  	v0 =	vnsel vm0, $0x10, v63;
	v34 =	vnsel vm5, $0x10, v29;
	v2 =	vor.u32 v2, v42;
	v26 =	vld.idx.msk [tilespmem:v35+s15+$0x0], $0xffff  }
0x260: {  	v5 =	vnsel vm6, $0x10, v48;
	v4 =	vor.u32 v4, v42;
	v35 =	vor.u32 v43, v42;
	v43 =	vld [tilespmem:$0x1F910]  }
0x261: {  	v8 =	vnsel vm7, $0x10, v45;
	vm6 =	veq.f32 v24, v30;
	v24 =	vor.u32 v37, v42;
	v7 =	vld.idx.msk [tilespmem:v7+s15+$0x0], $0xffff  }
0x262: {  	vm5 =	veq.f32 v9, v30;
	v9 =	vnsel vm12, $0x10, v50;
	vm7 =	veq.f32 v25, v30;
	v33 =	vld.idx.msk [tilespmem:v33+s15+$0x0], $0xffff  }
0x263: {  	v25 =	vnsel vm14, $0x10, v38;
	vm12 =	veq.f32 v27, v30;
	v37 =	vor.u32 v44, v42;
	v31 =	vld.idx.msk [tilespmem:v31+s15+$0x0], $0xffff  }
0x264: {  	v27 =	vnsel vm15, $0x10, v16;
	v28 =	vmin.u32 v0, v19;
	v38 =	vor.u32 v47, v42;
	v2 =	vld.idx.msk [tilespmem:v2+s15+$0x0], $0xffff  }
0x265: {  	v30 =	vmin.u32 v5, v59;
	v49 =	vmin.u32 v8, v60;
	v4 =	vld.idx.msk [tilespmem:v4+s15+$0x0], $0xffff;
	v43 =	vor.u32 v43, v42  }
0x266: {  	v0 =	vsel vm3, v28, v0;
	v28 =	vmin.u32 v34, v58;
	v5 =	vsel vm2, v30, v5;
	v24 =	vld.idx.msk [tilespmem:v24+s15+$0x0], $0xffff  }
0x267: {  	v8 =	vsel vm4, v49, v8;
	v49 =	vmin.u32 v27, v1;
	v28 =	vsel vm1, v28, v34;
	v35 =	vld.idx.msk [tilespmem:v35+s15+$0x0], $0xffff  }
0x268: {  	v27 =	vsel vm12, v49, v27;
	v5 =	vmin.u32 v5, v8;
	v32 =	vnsel vm6, $0x10, v51;
	v30 =	vld.idx.msk [tilespmem:v37+s15+$0x0], $0xffff  }
0x269: {  	v44 =	vmin.u32 v9, v17;
	v34 =	vmin.u32 v32, v61;
	v37 =	vmin.u32 v25, v62;
	v38 =	vld.idx.msk [tilespmem:v38+s15+$0x0], $0xffff  }
0x26a: {  	v9 =	vsel vm5, v44, v9;
	v32 =	vsel vm13, v34, v32;
	v25 =	vsel vm7, v37, v25;
	v34 =	vld.idx.msk [tilespmem:v43+s15+$0x0], $0xffff  }
0x26b: {  	v0 =	vmin.u32 v0, v28;
	v8 =	vmin.u32 v9, v32;
	v9 =	vmin.u32 v25, v27  }
0x26c: {  	v0 =	vmin.u32 v0, v5;
	v8 =	vmin.u32 v8, v9;
	v9 =	vld [tilespmem:$0x1F940]  }
0x26d: {  	v5 =	vmax.f32 v3, v6;
	v28 =	vmax.f32 v23, v26;
	v49 =	vmax.f32 v31, v2  }
0x26e: {  	v47 =	vld [tilespmem:$0x1F960];
	v32 =	vmax.f32 v7, v33;
	v27 =	vmax.f32 v15, v4;
	v5 =	vmax.f32 v5, v49  }
0x26f: {  	v37 =	vmax.f32 v36, v24;
	v43 =	vmax.f32 v35, v30;
	v44 =	vmax.f32 v38, v34  }
0x270: {  	v49 =	vmax.f32 v27, v28;
	v27 =	vmax.f32 v32, v37;
	v28 =	vmax.f32 v43, v44  }
0x271: {  	v5 =	vmax.f32 v5, v49;
	v9 =	vor.u32 v9, v42;
	v44 =	vmax.f32 v27, v28  }
0x272: {  	v37 =	vld [tilespmem:$0x1F9C0];
	v5 =	vmax.f32 v5, v44  }
0x273: {  	v43 =	vld [tilespmem:$0x1F920];
	vm13 =	veq.f32 v6, v5;
	vm2 =	veq.f32 v3, v5;
	v6 =	vor.u32 v47, v42  }
0x274: {  	v27 =	vld [tilespmem:$0x1F930];
	vm1 =	veq.f32 v31, v5;
	vm14 =	veq.f32 v2, v5;
	vm15 =	veq.f32 v4, v5  }
0x275: {  	v28 =	vld [tilespmem:$0x1F990];
	vm4 =	veq.f32 v15, v5;
	vm3 =	veq.f32 v23, v5;
	vm7 =	veq.f32 v26, v5  }
0x276: {  	v9 =	vld.idx.msk [tilespmem:v9+s15+$0x0], $0xffff;
	vm12 =	veq.f32 v33, v5;
	vm5 =	veq.f32 v7, v5;
	vm8 =	veq.f32 v38, v5  }
0x277: {  	v44 =	vld [tilespmem:$0x1F9E0];
	vm9 =	veq.f32 v34, v5;
	v3 =	vnsel vm13, $0x10, v63;
	v49 =	vnsel vm14, $0x10, v29  }
0x278: {  	v23 =	vld [tilespmem:$0x1F9A0];
	v15 =	vnsel vm15, $0x10, v48;
	v26 =	vnsel vm7, $0x10, v45;
	v7 =	vnsel vm12, $0x10, v50  }
0x279: {  	v31 =	vld [tilespmem:$0x1F9B0];
	vm13 =	veq.f32 v36, v5;
	vm14 =	veq.f32 v24, v5;
	vm15 =	veq.f32 v35, v5  }
0x27a: {  	vm12 =	veq.f32 v30, v5;
	v30 =	vld [tilespmem:$0x1F9F0];
	v32 =	vor.u32 v43, v42;
	v43 =	vmin.u32 v0, v8  }
0x27b: {  	v45 =	vld [tilespmem:$0x1FA00];
	v5 =	vmin.u32 v3, v19;
	v27 =	vor.u32 v27, v42;
	v28 =	vor.u32 v28, v42  }
0x27c: {  	v0 =	vld [tilespmem:$0x1F950];
	v3 =	vsel vm2, v5, v3;
	v5 =	vmin.u32 v49, v58;
	v35 =	vor.u32 v44, v42  }
0x27d: {  	v8 =	vld [tilespmem:$0x1F970];
	v5 =	vsel vm1, v5, v49;
	v49 =	vmin.u32 v7, v17;
	v44 =	vnsel vm9, $0x10, v16  }
0x27e: {  	v47 =	vmin.u32 v15, v59;
	v6 =	vld.idx.msk [tilespmem:v6+s15+$0x0], $0xffff;
	v7 =	vsel vm5, v49, v7;
	v49 =	vmin.u32 v44, v1  }
0x27f: {  	v15 =	vsel vm4, v47, v15;
	v47 =	vsel vm8, v49, v44;
	v49 =	vld [tilespmem:$0x1FA30]  }
0x280: {  	v23 =	vor.u32 v23, v42;
	v2 =	vld.idx.msk [tilespmem:v32+s15+$0x0], $0xffff  }
0x281: {  	v4 =	vld.idx.msk [tilespmem:v27+s15+$0x0], $0xffff;
	v27 =	vor.u32 v46, v42  }
0x282: {  	v28 =	vld.idx.msk [tilespmem:v28+s15+$0x0], $0xffff  }
0x283: {  	v30 =	vor.u32 v30, v42;
	v46 =	vld [tilespmem:$0x1FA10]  }
0x284: {  	v0 =	vor.u32 v0, v42;
	v35 =	vld.idx.msk [tilespmem:v35+s15+$0x0], $0xffff  }
0x285: {  	v8 =	vor.u32 v8, v42;
	v23 =	vld.idx.msk [tilespmem:v23+s15+$0x0], $0xffff  }
0x286: {  	v34 =	vor.u32 v45, v42;
	v24 =	vld.idx.msk [tilespmem:v27+s15+$0x0], $0xffff  }
0x287: {  	v25 =	vmin.u32 v26, v60;
	v27 =	vld [tilespmem:$0x1F9D0]  }
0x288: {  	v25 =	vsel vm3, v25, v26;
	v26 =	vld.idx.msk [tilespmem:v30+s15+$0x0], $0xffff;
	v36 =	vor.u32 v46, v42  }
0x289: {  	v31 =	vor.u32 v31, v42;
	v32 =	vor.u32 v37, v42;
	v37 =	vnsel vm12, $0x10, v20;
	v0 =	vld.idx.msk [tilespmem:v0+s15+$0x0], $0xffff  }
0x28a: {  	v33 =	vnsel vm14, $0x10, v51;
	v38 =	vmin.u32 v37, v62;
	v8 =	vld.idx.msk [tilespmem:v8+s15+$0x0], $0xffff  }
0x28b: {  	v3 =	vmin.u32 v3, v5;
	v5 =	vmin.u32 v15, v25;
	v34 =	vld.idx.msk [tilespmem:v34+s15+$0x0], $0xffff;
	v46 =	vsel vm15, v38, v37  }
0x28c: {  	v30 =	vmin.u32 v33, v61;
	v15 =	vmin.u32 v46, v47;
	v47 =	vld [tilespmem:$0x1FA40];
	v27 =	vor.u32 v27, v42  }
0x28d: {  	v30 =	vsel vm13, v30, v33;
	v36 =	vld.idx.msk [tilespmem:v36+s15+$0x0], $0xffff  }
0x28e: {  	v3 =	vmin.u32 v3, v5;
	v31 =	vld.idx.msk [tilespmem:v31+s15+$0x0], $0xffff;
	v7 =	vmin.u32 v7, v30;
	v5 =	vmax.f32 v2, v4  }
0x28f: {  	v32 =	vld.idx.msk [tilespmem:v32+s15+$0x0], $0xffff;
	v25 =	vmax.f32 v9, v0;
	v30 =	vmax.f32 v6, v8;
	v33 =	vmax.f32 v24, v28  }
0x290: {  	v5 =	vmax.f32 v5, v25;
	v25 =	vmax.f32 v30, v33;
	v30 =	vld [tilespmem:$0x1FA50]  }
0x291: {  	v44 =	vor.u32 v49, v42;
	v27 =	vld.idx.msk [tilespmem:v27+s15+$0x0], $0xffff  }
0x292: {  	v45 =	vmax.f32 v35, v26;
	v47 =	vor.u32 v47, v42;
	v49 =	vmax.f32 v34, v36  }
0x293: {  	v46 =	vmax.f32 v45, v49;
	v49 =	vld [tilespmem:$0x1FA60]  }
0x294: {  	v22 =	vld [tilespmem:$0x1FA80]  }
0x295: {  	v30 =	vor.u32 v30, v42  }
0x296: {  	v37 =	vmax.f32 v23, v31;
	v7 =	vmin.u32 v7, v15;
	v15 =	vld.idx.msk [tilespmem:v44+s15+$0x0], $0xffff;
	v38 =	vmax.f32 v32, v27  }
0x297: {  	v44 =	vmin.u32 v3, v7;
	v3 =	vld.idx.msk [tilespmem:v47+s15+$0x0], $0xffff;
	v33 =	vmax.f32 v37, v38  }
0x298: {  	v5 =	vmax.f32 v5, v25;
	v47 =	vld [tilespmem:$0x1FF70];
	v38 =	vor.u32 v49, v42;
	v45 =	vmax.f32 v33, v46  }
0x299: {  	v49 =	vor.u32 v22, v42;
	v46 =	vld [tilespmem:$0x1FA70];
	v5 =	vmax.f32 v5, v45  }
0x29a: {  	v7 =	vld.idx.msk [tilespmem:v30+s15+$0x0], $0xffff;
	v30 =	vor.u32 v52, v42;
	vm13 =	veq.f32 v4, v5;
	vm14 =	veq.f32 v2, v5  }
0x29b: {  	v4 =	vld [tilespmem:$0x1FA90];
	vm15 =	veq.f32 v9, v5;
	v9 =	vor.u32 v10, v42;
	vm0 =	veq.f32 v24, v5  }
0x29c: {  	v24 =	vor.u32 v13, v42;
	v2 =	vnsel vm13, $0x10, v63;
	vm13 =	veq.f32 v28, v5;
	v28 =	vld [tilespmem:$0x1FF90]  }
0x29d: {  	vm7 =	veq.f32 v0, v5;
	vm12 =	veq.f32 v8, v5;
	v0 =	vld.idx.msk [tilespmem:v38+s15+$0x0], $0xffff;
	v38 =	vor.u32 v12, v42  }
0x29e: {  	vm1 =	veq.f32 v6, v5;
	v37 =	vnsel vm7, $0x10, v47;
	v25 =	vld.idx.msk [tilespmem:v49+s15+$0x0], $0xffff;
	v33 =	vor.u32 v46, v42  }
0x29f: {  	v6 =	vnsel vm12, $0x10, v48;
	v48 =	vmin.u32 v2, v19;
	v30 =	vld.idx.msk [tilespmem:v30+s15+$0x0], $0xffff;
	v46 =	vor.u32 v14, v42  }
0x2a0: {  	v49 =	vmin.u32 v37, v58;
	v2 =	vsel vm14, v48, v2;
	v48 =	vor.u32 v39, v42;
	v9 =	vld.idx.msk [tilespmem:v9+s15+$0x0], $0xffff  }
0x2a1: {  	vm14 =	veq.f32 v31, v5;
	v31 =	vsel vm15, v49, v37;
	v49 =	vor.u32 v40, v42;
	v24 =	vld.idx.msk [tilespmem:v24+s15+$0x0], $0xffff  }
0x2a2: {  	vm3 =	veq.f32 v23, v5;
	v23 =	vnsel vm14, $0x10, v50;
	v50 =	vor.u32 v41, v42;
	v38 =	vld.idx.msk [tilespmem:v38+s15+$0x0], $0xffff  }
0x2a3: {  	vm2 =	veq.f32 v32, v5;
	vm15 =	veq.f32 v27, v5;
	v4 =	vor.u32 v4, v42;
	v8 =	vld.idx.msk [tilespmem:v33+s15+$0x0], $0xffff  }
0x2a4: {  	vm12 =	veq.f32 v26, v5;
	v26 =	vnsel vm15, $0x10, v51;
	v33 =	vor.u32 v11, v42;
	v32 =	vld.idx.msk [tilespmem:v46+s15+$0x0], $0xffff  }
0x2a5: {  	vm14 =	veq.f32 v34, v5;
	vm15 =	veq.f32 v36, v5;
	v28 =	vnsel vm13, $0x10, v28;
	v34 =	vld.idx.msk [tilespmem:v48+s15+$0x0], $0xffff  }
0x2a6: {  	vm13 =	veq.f32 v35, v5;
	v5 =	vmin.u32 v6, v59;
	v46 =	vmin.u32 v28, v60;
	v36 =	vld.idx.msk [tilespmem:v49+s15+$0x0], $0xffff  }
0x2a7: {  	v5 =	vsel vm1, v5, v6;
	v6 =	vsel vm0, v46, v28;
	v28 =	vld.idx.msk [tilespmem:v50+s15+$0x0], $0xffff  }
0x2a8: {  	v27 =	vnsel vm12, $0x10, v20;
	v4 =	vld.idx.msk [tilespmem:v4+s15+$0x0], $0xffff  }
0x2a9: {  	v37 =	vmax.f32 v15, v3;
	v2 =	vmin.u32 v2, v31;
	v47 =	vmin.u32 v23, v17;
	v33 =	vld.idx.msk [tilespmem:v33+s15+$0x0], $0xffff  }
0x2aa: {  	v23 =	vsel vm3, v47, v23;
	v45 =	vmax.f32 v7, v0;
	v48 =	vnsel vm15, $0x10, v16  }
0x2ab: {  	v49 =	vmin.u32 v26, v61;
	v50 =	vmin.u32 v27, v62;
	v51 =	vmin.u32 v48, v1  }
0x2ac: {  	v37 =	vmax.f32 v37, v45;
	v27 =	vsel vm13, v50, v27;
	v35 =	vsel vm14, v51, v48  }
0x2ad: {  	v50 =	vmax.f32 v38, v24;
	v46 =	vmax.f32 v8, v25;
	v51 =	vmax.f32 v32, v34  }
0x2ae: {  	v45 =	vmax.f32 v36, v28;
	v47 =	vmax.f32 v4, v30;
	v48 =	vmax.f32 v9, v33  }
0x2af: {  	v45 =	vmax.f32 v51, v45;
	v46 =	vmax.f32 v46, v47;
	v47 =	vmax.f32 v48, v50  }
0x2b0: {  	v26 =	vsel vm2, v49, v26;
	v49 =	vld [tilespmem:$0x1FF80];
	v31 =	vmax.f32 v37, v46;
	v37 =	vmax.f32 v47, v45  }
0x2b1: {  	v5 =	vmin.u32 v5, v6;
	v6 =	vmin.u32 v23, v26;
	v48 =	vld [tilespmem:$0x1FF70];
	v23 =	vmax.f32 v31, v37  }
0x2b2: {  	vm12 =	veq.f32 v15, v23;
	vm13 =	veq.f32 v3, v23;
	vm14 =	veq.f32 v0, v23  }
0x2b3: {  	vm15 =	veq.f32 v7, v23;
	vm2 =	veq.f32 v8, v23;
	vm6 =	veq.f32 v25, v23  }
0x2b4: {  	v45 =	vld [tilespmem:$0x1FF90];
	vm7 =	veq.f32 v4, v23;
	vm5 =	veq.f32 v24, v23;
	v0 =	vnsel vm13, $0x10, v63  }
0x2b5: {  	v50 =	vld [tilespmem:$0x1FFA0];
	v4 =	vnsel vm6, $0x10, v49;
	vm13 =	veq.f32 v9, v23;
	vm6 =	veq.f32 v34, v23  }
0x2b6: {  	v29 =	vmovc v48;
	v3 =	vnsel vm14, $0x10, v48;
	v48 =	vmin.u32 v0, v19;
	vm14 =	veq.f32 v33, v23  }
0x2b7: {  	v51 =	vld [tilespmem:$0x1FFB0];
	v9 =	vmin.u32 v4, v59;
	v34 =	vnsel vm6, $0x10, v20;
	v8 =	vmin.u32 v3, v58  }
0x2b8: {  	v0 =	vsel vm12, v48, v0;
	vm12 =	veq.f32 v30, v23;
	v4 =	vsel vm2, v9, v4  }
0x2b9: {  	v37 =	vmin.u32 v34, v62;
	v3 =	vsel vm15, v8, v3;
	v26 =	vnsel vm12, $0x10, v45  }
0x2ba: {  	v8 =	vnsel vm14, $0x10, v50;
	vm15 =	veq.f32 v38, v23;
	v9 =	vmin.u32 v26, v60  }
0x2bb: {  	vm12 =	veq.f32 v28, v23;
	v15 =	vmin.u32 v8, v17;
	v7 =	vsel vm7, v9, v26  }
0x2bc: {  	v8 =	vsel vm13, v15, v8;
	v9 =	vor.u32 $0x1, v42;
	v15 =	vnsel vm5, $0x10, v51  }
0x2bd: {  	vm7 =	veq.f32 v32, v23;
	vm13 =	veq.f32 v36, v23;
	v23 =	vnsel vm12, $0x10, v16  }
0x2be: {  	v0 =	vmin.u32 v0, v3;
	v36 =	vmin.u32 v15, v61;
	v47 =	vmin.u32 v23, v1  }
0x2bf: {  	v24 =	vsel vm7, v37, v34;
	v15 =	vsel vm15, v36, v15;
	v23 =	vsel vm13, v47, v23  }
0x2c0: {  	v48 =	vmovc v49;
	v3 =	vmin.u32 v4, v7;
	v4 =	vmin.u32 v8, v15;
	v49 =	vmin.u32 v24, v23  }
0x2c1: {  	v0 =	vmin.u32 v0, v3;
	v8 =	vmin.u32 v27, v35;
	v3 =	vmin.u32 v4, v49;
	v4 =	vld.idx.msk [tilespmem:v42+s15+$0x0], $0xffff  }
0x2c2: {  	v2 =	vmin.u32 v2, v5;
	v5 =	vmin.u32 v6, v8;
	v0 =	vmin.u32 v0, v3;
	v3 =	vld.idx.msk [tilespmem:v9+s15+$0x0], $0xffff  }
0x2c3: {  	v2 =	vmin.u32 v2, v5;
	v5 =	vshll.u32 v44, $0x4;
	v0 =	vshll.u32 v0, $0x4  }
0x2c4: {  	v5 =	vadd.s32 v43, v5;
	v0 =	vadd.s32 v2, v0  }
0x2c5: {  	v0 =	vmul.u32 v5, v0;
	_ =	sdelay $0x1  }
0x2c6: {  	vm14 =	vge.f32 v4, $5.000000000e-01;
	vm15 =	vge.f32 v3, $5.000000000e-01;
	v2 =	vand.u32 $0xF, v0  }
0x2c7: {  	v0 =	vshrl.u32 v0, $0x4;
	vm0 =	vmand vm14, vm15;
	v2 =	vor.u32 v2, v42  }
0x2c8: {  	v0 =	vand.u32 $0xF, v0;
	v2 =	vor.u32 $0x50, v2  }
0x2c9: {  	v0 =	vor.u32 v0, v42  }
0x2ca: {  	p1 =	sne.s32 s30, $0x70;
	v0 =	vor.u32 $0x60, v0  }
.Ltmp2:
0x2cb: {  	_ = 	snop;
	(pc) =	sbr.rel @p1 .LBB2_7-.Ltmp2, $4  }
0x2cc: {  	v4 =	vimm.f32 $2.000000000e+00;
	v3 =	vld [tilespmem:$0x1FFD0]  }
0x2cd: {  	[tilespmem:v2+s15+$0x0] =	vst.idx.add.f32.msk vm0, v4  }
0x2ce: {  	v2 =	vld [tilespmem:$0x1FFC0]  }
0x2cf: {  	s30 =	sadd.s32 $0x10, s30;
	v46 =	vmov v54;
	v38 =	vmov v20;
	[tilespmem:v0+s15+$0x0] =	vst.idx.add.f32.msk vm0, v4  }
0x2d0: {  	s2 =	sadd.s32 s3, s28  }
0x2d1: {  	[hbm4b:s2+s4] =	stream.linear.scatter [tilespmem:s15], [sflag:$0x7], $0x4000, $0x38;
	[tilespmem:$0x10000] =	vst v63  }
0x2d2: {  	_ =	swait.ge [sflag:s20], $0x4000  }
0x2d3: {  	[sflag:s20] =	ssyncset.done $0x0  }
0x2d4: {  	[sflag:s20] =	ssyncadd.s32 $0xFFFFC000  }
0x2d5: {  	s2 =	sadd.s32 @!p0 s26, s11;
	_ =	swait.ge [sflag:s21], $0x4000  }
0x2d6: {  	s28 =	simm.s32 @!p0 $0x4000;
	s2 =	sshrl.u32 @!p0 s2, $0x3;
	[sflag:s21] =	ssyncset.done $0x0  }
0x2d7: {  	s26 =	simm.s32 @!p0 $0x0;
	s2 =	sadd.s32 @!p0 s0, s2;
	[sflag:s21] =	ssyncadd.s32 $0xFFFFC000  }
0x2d8: {  	[tilespmem:s28], [sflag:$0x2] =	stream.linear.gather @!p0 [hbm4b:s2+s26], $0x4000, $0x38;
	[tilespmem:$0x10000] =	vst v63  }
0x2d9: {  	s26 =	simm.s32 $0x0  }
.LBB2_9:
0x2da: {  	v4 =	vld [tilespmem:$0x1FB40]  }
0x2db: {  	v8 =	vld [tilespmem:$0x1FB50]  }
0x2dc: {  	v9 =	vld [tilespmem:$0x1FB60]  }
0x2dd: {  	v15 =	vld [tilespmem:$0x1FB70]  }
0x2de: {  	v17 =	vld [tilespmem:$0x1FB80]  }
0x2df: {  	v0 =	vmov s26;
	v24 =	vld [tilespmem:$0x1FB90]  }
0x2e0: {  	v25 =	vld [tilespmem:$0x1FBA0];
	v0 =	vshll.u32 v0, $0x7  }
0x2e1: {  	v26 =	vld [tilespmem:$0x1FBB0];
	v42 =	vor.u32 v2, v0  }
0x2e2: {  	v27 =	vld [tilespmem:$0x1FBC0];
	v0 =	vor.u32 v3, v42  }
0x2e3: {  	v28 =	vld [tilespmem:$0x1FBD0];
	v3 =	vor.u32 v53, v42  }
0x2e4: {  	v47 =	vld [tilespmem:$0x1F820];
	v4 =	vor.u32 v4, v42  }
0x2e5: {  	v49 =	vld [tilespmem:$0x1F830];
	v5 =	vor.u32 v55, v42  }
0x2e6: {  	v2 =	vld [tilespmem:$0x1FB30];
	v6 =	vor.u32 v56, v42  }
0x2e7: {  	v7 =	vor.u32 v57, v42;
	v0 =	vld.idx.msk [tilespmem:v0+s17+$0x0], $0xffff  }
0x2e8: {  	v8 =	vor.u32 v8, v42;
	v3 =	vld.idx.msk [tilespmem:v3+s17+$0x0], $0xffff  }
0x2e9: {  	v9 =	vor.u32 v9, v42;
	v4 =	vld.idx.msk [tilespmem:v4+s17+$0x0], $0xffff  }
0x2ea: {  	v15 =	vor.u32 v15, v42;
	v5 =	vld.idx.msk [tilespmem:v5+s17+$0x0], $0xffff  }
0x2eb: {  	v25 =	vor.u32 v25, v42;
	v6 =	vld.idx.msk [tilespmem:v6+s17+$0x0], $0xffff  }
0x2ec: {  	v26 =	vor.u32 v26, v42;
	v7 =	vld.idx.msk [tilespmem:v7+s17+$0x0], $0xffff  }
0x2ed: {  	v27 =	vor.u32 v27, v42;
	v8 =	vld.idx.msk [tilespmem:v8+s17+$0x0], $0xffff  }
0x2ee: {  	v28 =	vor.u32 v28, v42;
	v9 =	vld.idx.msk [tilespmem:v9+s17+$0x0], $0xffff  }
0x2ef: {  	v23 =	vor.u32 v17, v42;
	v15 =	vld.idx.msk [tilespmem:v15+s17+$0x0], $0xffff  }
0x2f0: {  	v24 =	vor.u32 v24, v42;
	v25 =	vld.idx.msk [tilespmem:v25+s17+$0x0], $0xffff  }
0x2f1: {  	v2 =	vor.u32 v2, v42;
	v26 =	vld.idx.msk [tilespmem:v26+s17+$0x0], $0xffff  }
0x2f2: {  	v27 =	vld.idx.msk [tilespmem:v27+s17+$0x0], $0xffff  }
0x2f3: {  	v28 =	vld.idx.msk [tilespmem:v28+s17+$0x0], $0xffff  }
0x2f4: {  	v23 =	vld.idx.msk [tilespmem:v23+s17+$0x0], $0xffff  }
0x2f5: {  	v24 =	vld.idx.msk [tilespmem:v24+s17+$0x0], $0xffff  }
0x2f6: {  	v2 =	vld.idx.msk [tilespmem:v2+s17+$0x0], $0xffff  }
0x2f7: {  	v16 =	vld [tilespmem:$0x1FBE0]  }
0x2f8: {  	v17 =	vld [tilespmem:$0x1FFE0];
	v36 =	vmax.f32 v25, v26;
	v37 =	vmax.f32 v27, v28  }
0x2f9: {  	v31 =	vmax.f32 v3, v4;
	v32 =	vmax.f32 v5, v6;
	v44 =	vmax.f32 v36, v37;
	v36 =	vld [tilespmem:$0x1F860]  }
0x2fa: {  	v33 =	vmax.f32 v7, v8;
	v34 =	vmax.f32 v9, v15;
	v35 =	vmax.f32 v23, v24;
	v37 =	vld [tilespmem:$0x1F880]  }
0x2fb: {  	v43 =	vmax.f32 v34, v35;
	v34 =	vor.u32 v47, v42;
	v47 =	vld [tilespmem:$0x1F8B0];
	v30 =	vmax.f32 v0, v2  }
0x2fc: {  	v30 =	vmax.f32 v30, v31;
	v31 =	vmax.f32 v32, v33;
	v32 =	vor.u32 v49, v42;
	v49 =	vld [tilespmem:$0x1F8C0]  }
0x2fd: {  	v30 =	vmax.f32 v30, v31;
	v31 =	vmax.f32 v43, v44;
	v43 =	vld [tilespmem:$0x1F890]  }
0x2fe: {  	v44 =	vld [tilespmem:$0x1F8A0]  }
0x2ff: {  	v30 =	vmax.f32 v30, v31;
	v31 =	vld [tilespmem:$0x1F840]  }
0x300: {  	v33 =	vor.u32 v36, v42;
	vm0 =	veq.f32 v2, v30;
	v2 =	vld [tilespmem:$0x1F850]  }
0x301: {  	vm1 =	veq.f32 v3, v30;
	v3 =	vld.idx.msk [tilespmem:v34+s17+$0x0], $0xffff  }
0x302: {  	vm5 =	veq.f32 v4, v30;
	v4 =	vld [tilespmem:$0x1F870]  }
0x303: {  	vm6 =	veq.f32 v6, v30;
	v6 =	vld.idx.msk [tilespmem:v32+s17+$0x0], $0xffff  }
0x304: {  	v32 =	vor.u32 v37, v42;
	v37 =	vld [tilespmem:$0x1F8D0]  }
0x305: {  	vm12 =	veq.f32 v15, v30;
	v36 =	vor.u32 v49, v42;
	v15 =	vld.idx.msk [tilespmem:v33+s17+$0x0], $0xffff  }
0x306: {  	v35 =	vor.u32 v43, v42;
	v43 =	vld [tilespmem:$0x1F8E0]  }
0x307: {  	vm4 =	veq.f32 v7, v30;
	v7 =	vor.u32 v44, v42;
	v44 =	vld [tilespmem:$0x1F8F0]  }
0x308: {  	vm3 =	veq.f32 v0, v30;
	v33 =	vor.u32 v47, v42;
	v47 =	vld [tilespmem:$0x1F900]  }
0x309: {  	vm2 =	veq.f32 v5, v30;
	vm7 =	veq.f32 v8, v30;
	vm13 =	veq.f32 v23, v30;
	v23 =	vld.idx.msk [tilespmem:v32+s17+$0x0], $0xffff  }
0x30a: {  	vm14 =	veq.f32 v26, v30;
	vm15 =	veq.f32 v28, v30;
	v31 =	vor.u32 v31, v42;
	v36 =	vld.idx.msk [tilespmem:v36+s17+$0x0], $0xffff  }
0x30b: {  	v0 =	vnsel vm0, $0x10, v63;
	v34 =	vnsel vm5, $0x10, v29;
	v2 =	vor.u32 v2, v42;
	v26 =	vld.idx.msk [tilespmem:v35+s17+$0x0], $0xffff  }
0x30c: {  	v5 =	vnsel vm6, $0x10, v48;
	v4 =	vor.u32 v4, v42;
	v35 =	vor.u32 v43, v42;
	v43 =	vld [tilespmem:$0x1F910]  }
0x30d: {  	v8 =	vnsel vm7, $0x10, v45;
	vm6 =	veq.f32 v24, v30;
	v24 =	vor.u32 v37, v42;
	v7 =	vld.idx.msk [tilespmem:v7+s17+$0x0], $0xffff  }
0x30e: {  	vm5 =	veq.f32 v9, v30;
	v9 =	vnsel vm12, $0x10, v50;
	vm7 =	veq.f32 v25, v30;
	v33 =	vld.idx.msk [tilespmem:v33+s17+$0x0], $0xffff  }
0x30f: {  	v25 =	vnsel vm14, $0x10, v38;
	vm12 =	veq.f32 v27, v30;
	v37 =	vor.u32 v44, v42;
	v31 =	vld.idx.msk [tilespmem:v31+s17+$0x0], $0xffff  }
0x310: {  	v27 =	vnsel vm15, $0x10, v16;
	v28 =	vmin.u32 v0, v19;
	v38 =	vor.u32 v47, v42;
	v2 =	vld.idx.msk [tilespmem:v2+s17+$0x0], $0xffff  }
0x311: {  	v30 =	vmin.u32 v5, v59;
	v49 =	vmin.u32 v8, v60;
	v4 =	vld.idx.msk [tilespmem:v4+s17+$0x0], $0xffff;
	v43 =	vor.u32 v43, v42  }
0x312: {  	v0 =	vsel vm3, v28, v0;
	v28 =	vmin.u32 v34, v58;
	v5 =	vsel vm2, v30, v5;
	v24 =	vld.idx.msk [tilespmem:v24+s17+$0x0], $0xffff  }
0x313: {  	v8 =	vsel vm4, v49, v8;
	v49 =	vmin.u32 v27, v1;
	v28 =	vsel vm1, v28, v34;
	v35 =	vld.idx.msk [tilespmem:v35+s17+$0x0], $0xffff  }
0x314: {  	v27 =	vsel vm12, v49, v27;
	v5 =	vmin.u32 v5, v8;
	v32 =	vnsel vm6, $0x10, v51;
	v30 =	vld.idx.msk [tilespmem:v37+s17+$0x0], $0xffff  }
0x315: {  	v44 =	vmin.u32 v9, v17;
	v34 =	vmin.u32 v32, v61;
	v37 =	vmin.u32 v25, v62;
	v38 =	vld.idx.msk [tilespmem:v38+s17+$0x0], $0xffff  }
0x316: {  	v9 =	vsel vm5, v44, v9;
	v32 =	vsel vm13, v34, v32;
	v25 =	vsel vm7, v37, v25;
	v34 =	vld.idx.msk [tilespmem:v43+s17+$0x0], $0xffff  }
0x317: {  	v0 =	vmin.u32 v0, v28;
	v8 =	vmin.u32 v9, v32;
	v9 =	vmin.u32 v25, v27  }
0x318: {  	v0 =	vmin.u32 v0, v5;
	v8 =	vmin.u32 v8, v9;
	v9 =	vld [tilespmem:$0x1F940]  }
0x319: {  	v5 =	vmax.f32 v3, v6;
	v28 =	vmax.f32 v23, v26;
	v49 =	vmax.f32 v31, v2  }
0x31a: {  	v47 =	vld [tilespmem:$0x1F960];
	v32 =	vmax.f32 v7, v33;
	v27 =	vmax.f32 v15, v4;
	v5 =	vmax.f32 v5, v49  }
0x31b: {  	v37 =	vmax.f32 v36, v24;
	v43 =	vmax.f32 v35, v30;
	v44 =	vmax.f32 v38, v34  }
0x31c: {  	v49 =	vmax.f32 v27, v28;
	v27 =	vmax.f32 v32, v37;
	v28 =	vmax.f32 v43, v44  }
0x31d: {  	v5 =	vmax.f32 v5, v49;
	v9 =	vor.u32 v9, v42;
	v44 =	vmax.f32 v27, v28  }
0x31e: {  	v37 =	vld [tilespmem:$0x1F9C0];
	v5 =	vmax.f32 v5, v44  }
0x31f: {  	v43 =	vld [tilespmem:$0x1F920];
	vm13 =	veq.f32 v6, v5;
	vm2 =	veq.f32 v3, v5;
	v6 =	vor.u32 v47, v42  }
0x320: {  	v27 =	vld [tilespmem:$0x1F930];
	vm1 =	veq.f32 v31, v5;
	vm14 =	veq.f32 v2, v5;
	vm15 =	veq.f32 v4, v5  }
0x321: {  	v28 =	vld [tilespmem:$0x1F990];
	vm4 =	veq.f32 v15, v5;
	vm3 =	veq.f32 v23, v5;
	vm7 =	veq.f32 v26, v5  }
0x322: {  	v9 =	vld.idx.msk [tilespmem:v9+s17+$0x0], $0xffff;
	vm12 =	veq.f32 v33, v5;
	vm5 =	veq.f32 v7, v5;
	vm8 =	veq.f32 v38, v5  }
0x323: {  	v44 =	vld [tilespmem:$0x1F9E0];
	vm9 =	veq.f32 v34, v5;
	v3 =	vnsel vm13, $0x10, v63;
	v49 =	vnsel vm14, $0x10, v29  }
0x324: {  	v23 =	vld [tilespmem:$0x1F9A0];
	v15 =	vnsel vm15, $0x10, v48;
	v26 =	vnsel vm7, $0x10, v45;
	v7 =	vnsel vm12, $0x10, v50  }
0x325: {  	v31 =	vld [tilespmem:$0x1F9B0];
	vm13 =	veq.f32 v36, v5;
	vm14 =	veq.f32 v24, v5;
	vm15 =	veq.f32 v35, v5  }
0x326: {  	vm12 =	veq.f32 v30, v5;
	v30 =	vld [tilespmem:$0x1F9F0];
	v32 =	vor.u32 v43, v42;
	v43 =	vmin.u32 v0, v8  }
0x327: {  	v45 =	vld [tilespmem:$0x1FA00];
	v5 =	vmin.u32 v3, v19;
	v27 =	vor.u32 v27, v42;
	v28 =	vor.u32 v28, v42  }
0x328: {  	v0 =	vld [tilespmem:$0x1F950];
	v3 =	vsel vm2, v5, v3;
	v5 =	vmin.u32 v49, v58;
	v35 =	vor.u32 v44, v42  }
0x329: {  	v8 =	vld [tilespmem:$0x1F970];
	v5 =	vsel vm1, v5, v49;
	v49 =	vmin.u32 v7, v17;
	v44 =	vnsel vm9, $0x10, v16  }
0x32a: {  	v47 =	vmin.u32 v15, v59;
	v6 =	vld.idx.msk [tilespmem:v6+s17+$0x0], $0xffff;
	v7 =	vsel vm5, v49, v7;
	v49 =	vmin.u32 v44, v1  }
0x32b: {  	v15 =	vsel vm4, v47, v15;
	v47 =	vsel vm8, v49, v44;
	v49 =	vld [tilespmem:$0x1FA30]  }
0x32c: {  	v23 =	vor.u32 v23, v42;
	v2 =	vld.idx.msk [tilespmem:v32+s17+$0x0], $0xffff  }
0x32d: {  	v4 =	vld.idx.msk [tilespmem:v27+s17+$0x0], $0xffff;
	v27 =	vor.u32 v46, v42  }
0x32e: {  	v28 =	vld.idx.msk [tilespmem:v28+s17+$0x0], $0xffff  }
0x32f: {  	v30 =	vor.u32 v30, v42;
	v46 =	vld [tilespmem:$0x1FA10]  }
0x330: {  	v0 =	vor.u32 v0, v42;
	v35 =	vld.idx.msk [tilespmem:v35+s17+$0x0], $0xffff  }
0x331: {  	v8 =	vor.u32 v8, v42;
	v23 =	vld.idx.msk [tilespmem:v23+s17+$0x0], $0xffff  }
0x332: {  	v34 =	vor.u32 v45, v42;
	v24 =	vld.idx.msk [tilespmem:v27+s17+$0x0], $0xffff  }
0x333: {  	v25 =	vmin.u32 v26, v60;
	v27 =	vld [tilespmem:$0x1F9D0]  }
0x334: {  	v25 =	vsel vm3, v25, v26;
	v26 =	vld.idx.msk [tilespmem:v30+s17+$0x0], $0xffff;
	v36 =	vor.u32 v46, v42  }
0x335: {  	v31 =	vor.u32 v31, v42;
	v32 =	vor.u32 v37, v42;
	v37 =	vnsel vm12, $0x10, v20;
	v0 =	vld.idx.msk [tilespmem:v0+s17+$0x0], $0xffff  }
0x336: {  	v33 =	vnsel vm14, $0x10, v51;
	v38 =	vmin.u32 v37, v62;
	v8 =	vld.idx.msk [tilespmem:v8+s17+$0x0], $0xffff  }
0x337: {  	v3 =	vmin.u32 v3, v5;
	v5 =	vmin.u32 v15, v25;
	v34 =	vld.idx.msk [tilespmem:v34+s17+$0x0], $0xffff;
	v46 =	vsel vm15, v38, v37  }
0x338: {  	v30 =	vmin.u32 v33, v61;
	v15 =	vmin.u32 v46, v47;
	v47 =	vld [tilespmem:$0x1FA40];
	v27 =	vor.u32 v27, v42  }
0x339: {  	v30 =	vsel vm13, v30, v33;
	v36 =	vld.idx.msk [tilespmem:v36+s17+$0x0], $0xffff  }
0x33a: {  	v3 =	vmin.u32 v3, v5;
	v31 =	vld.idx.msk [tilespmem:v31+s17+$0x0], $0xffff;
	v7 =	vmin.u32 v7, v30;
	v5 =	vmax.f32 v2, v4  }
0x33b: {  	v32 =	vld.idx.msk [tilespmem:v32+s17+$0x0], $0xffff;
	v25 =	vmax.f32 v9, v0;
	v30 =	vmax.f32 v6, v8;
	v33 =	vmax.f32 v24, v28  }
0x33c: {  	v5 =	vmax.f32 v5, v25;
	v25 =	vmax.f32 v30, v33;
	v30 =	vld [tilespmem:$0x1FA50]  }
0x33d: {  	v44 =	vor.u32 v49, v42;
	v27 =	vld.idx.msk [tilespmem:v27+s17+$0x0], $0xffff  }
0x33e: {  	v45 =	vmax.f32 v35, v26;
	v47 =	vor.u32 v47, v42;
	v49 =	vmax.f32 v34, v36  }
0x33f: {  	v46 =	vmax.f32 v45, v49;
	v49 =	vld [tilespmem:$0x1FA60]  }
0x340: {  	v22 =	vld [tilespmem:$0x1FA80]  }
0x341: {  	v30 =	vor.u32 v30, v42  }
0x342: {  	v37 =	vmax.f32 v23, v31;
	v7 =	vmin.u32 v7, v15;
	v15 =	vld.idx.msk [tilespmem:v44+s17+$0x0], $0xffff;
	v38 =	vmax.f32 v32, v27  }
0x343: {  	v44 =	vmin.u32 v3, v7;
	v3 =	vld.idx.msk [tilespmem:v47+s17+$0x0], $0xffff;
	v33 =	vmax.f32 v37, v38  }
0x344: {  	v5 =	vmax.f32 v5, v25;
	v47 =	vld [tilespmem:$0x1FF70];
	v38 =	vor.u32 v49, v42;
	v45 =	vmax.f32 v33, v46  }
0x345: {  	v49 =	vor.u32 v22, v42;
	v46 =	vld [tilespmem:$0x1FA70];
	v5 =	vmax.f32 v5, v45  }
0x346: {  	v7 =	vld.idx.msk [tilespmem:v30+s17+$0x0], $0xffff;
	v30 =	vor.u32 v52, v42;
	vm13 =	veq.f32 v4, v5;
	vm14 =	veq.f32 v2, v5  }
0x347: {  	v4 =	vld [tilespmem:$0x1FA90];
	vm15 =	veq.f32 v9, v5;
	v9 =	vor.u32 v10, v42;
	vm0 =	veq.f32 v24, v5  }
0x348: {  	v24 =	vor.u32 v13, v42;
	v2 =	vnsel vm13, $0x10, v63;
	vm13 =	veq.f32 v28, v5;
	v28 =	vld [tilespmem:$0x1FF90]  }
0x349: {  	vm7 =	veq.f32 v0, v5;
	vm12 =	veq.f32 v8, v5;
	v0 =	vld.idx.msk [tilespmem:v38+s17+$0x0], $0xffff;
	v38 =	vor.u32 v12, v42  }
0x34a: {  	vm1 =	veq.f32 v6, v5;
	v37 =	vnsel vm7, $0x10, v47;
	v25 =	vld.idx.msk [tilespmem:v49+s17+$0x0], $0xffff;
	v33 =	vor.u32 v46, v42  }
0x34b: {  	v6 =	vnsel vm12, $0x10, v48;
	v48 =	vmin.u32 v2, v19;
	v30 =	vld.idx.msk [tilespmem:v30+s17+$0x0], $0xffff;
	v46 =	vor.u32 v14, v42  }
0x34c: {  	v49 =	vmin.u32 v37, v58;
	v2 =	vsel vm14, v48, v2;
	v48 =	vor.u32 v39, v42;
	v9 =	vld.idx.msk [tilespmem:v9+s17+$0x0], $0xffff  }
0x34d: {  	vm14 =	veq.f32 v31, v5;
	v31 =	vsel vm15, v49, v37;
	v49 =	vor.u32 v40, v42;
	v24 =	vld.idx.msk [tilespmem:v24+s17+$0x0], $0xffff  }
0x34e: {  	vm3 =	veq.f32 v23, v5;
	v23 =	vnsel vm14, $0x10, v50;
	v50 =	vor.u32 v41, v42;
	v38 =	vld.idx.msk [tilespmem:v38+s17+$0x0], $0xffff  }
0x34f: {  	vm2 =	veq.f32 v32, v5;
	vm15 =	veq.f32 v27, v5;
	v4 =	vor.u32 v4, v42;
	v8 =	vld.idx.msk [tilespmem:v33+s17+$0x0], $0xffff  }
0x350: {  	vm12 =	veq.f32 v26, v5;
	v26 =	vnsel vm15, $0x10, v51;
	v33 =	vor.u32 v11, v42;
	v32 =	vld.idx.msk [tilespmem:v46+s17+$0x0], $0xffff  }
0x351: {  	vm14 =	veq.f32 v34, v5;
	vm15 =	veq.f32 v36, v5;
	v28 =	vnsel vm13, $0x10, v28;
	v34 =	vld.idx.msk [tilespmem:v48+s17+$0x0], $0xffff  }
0x352: {  	vm13 =	veq.f32 v35, v5;
	v5 =	vmin.u32 v6, v59;
	v46 =	vmin.u32 v28, v60;
	v36 =	vld.idx.msk [tilespmem:v49+s17+$0x0], $0xffff  }
0x353: {  	v5 =	vsel vm1, v5, v6;
	v6 =	vsel vm0, v46, v28;
	v28 =	vld.idx.msk [tilespmem:v50+s17+$0x0], $0xffff  }
0x354: {  	v27 =	vnsel vm12, $0x10, v20;
	v4 =	vld.idx.msk [tilespmem:v4+s17+$0x0], $0xffff  }
0x355: {  	v37 =	vmax.f32 v15, v3;
	v2 =	vmin.u32 v2, v31;
	v47 =	vmin.u32 v23, v17;
	v33 =	vld.idx.msk [tilespmem:v33+s17+$0x0], $0xffff  }
0x356: {  	v23 =	vsel vm3, v47, v23;
	v45 =	vmax.f32 v7, v0;
	v48 =	vnsel vm15, $0x10, v16  }
0x357: {  	v49 =	vmin.u32 v26, v61;
	v50 =	vmin.u32 v27, v62;
	v51 =	vmin.u32 v48, v1  }
0x358: {  	v37 =	vmax.f32 v37, v45;
	v27 =	vsel vm13, v50, v27;
	v35 =	vsel vm14, v51, v48  }
0x359: {  	v50 =	vmax.f32 v38, v24;
	v46 =	vmax.f32 v8, v25;
	v51 =	vmax.f32 v32, v34  }
0x35a: {  	v45 =	vmax.f32 v36, v28;
	v47 =	vmax.f32 v4, v30;
	v48 =	vmax.f32 v9, v33  }
0x35b: {  	v45 =	vmax.f32 v51, v45;
	v46 =	vmax.f32 v46, v47;
	v47 =	vmax.f32 v48, v50  }
0x35c: {  	v26 =	vsel vm2, v49, v26;
	v49 =	vld [tilespmem:$0x1FF80];
	v31 =	vmax.f32 v37, v46;
	v37 =	vmax.f32 v47, v45  }
0x35d: {  	v5 =	vmin.u32 v5, v6;
	v6 =	vmin.u32 v23, v26;
	v48 =	vld [tilespmem:$0x1FF70];
	v23 =	vmax.f32 v31, v37  }
0x35e: {  	vm12 =	veq.f32 v15, v23;
	vm13 =	veq.f32 v3, v23;
	vm14 =	veq.f32 v0, v23  }
0x35f: {  	vm15 =	veq.f32 v7, v23;
	vm2 =	veq.f32 v8, v23;
	vm6 =	veq.f32 v25, v23  }
0x360: {  	v45 =	vld [tilespmem:$0x1FF90];
	vm7 =	veq.f32 v4, v23;
	vm5 =	veq.f32 v24, v23;
	v0 =	vnsel vm13, $0x10, v63  }
0x361: {  	v50 =	vld [tilespmem:$0x1FFA0];
	v4 =	vnsel vm6, $0x10, v49;
	vm13 =	veq.f32 v9, v23;
	vm6 =	veq.f32 v34, v23  }
0x362: {  	v29 =	vmovc v48;
	v3 =	vnsel vm14, $0x10, v48;
	v48 =	vmin.u32 v0, v19;
	vm14 =	veq.f32 v33, v23  }
0x363: {  	v51 =	vld [tilespmem:$0x1FFB0];
	v9 =	vmin.u32 v4, v59;
	v34 =	vnsel vm6, $0x10, v20;
	v8 =	vmin.u32 v3, v58  }
0x364: {  	v0 =	vsel vm12, v48, v0;
	vm12 =	veq.f32 v30, v23;
	v4 =	vsel vm2, v9, v4  }
0x365: {  	v37 =	vmin.u32 v34, v62;
	v3 =	vsel vm15, v8, v3;
	v26 =	vnsel vm12, $0x10, v45  }
0x366: {  	v8 =	vnsel vm14, $0x10, v50;
	vm15 =	veq.f32 v38, v23;
	v9 =	vmin.u32 v26, v60  }
0x367: {  	vm12 =	veq.f32 v28, v23;
	v15 =	vmin.u32 v8, v17;
	v7 =	vsel vm7, v9, v26  }
0x368: {  	v8 =	vsel vm13, v15, v8;
	v9 =	vor.u32 $0x1, v42;
	v15 =	vnsel vm5, $0x10, v51  }
0x369: {  	vm7 =	veq.f32 v32, v23;
	vm13 =	veq.f32 v36, v23;
	v23 =	vnsel vm12, $0x10, v16  }
0x36a: {  	v0 =	vmin.u32 v0, v3;
	v36 =	vmin.u32 v15, v61;
	v47 =	vmin.u32 v23, v1  }
0x36b: {  	v24 =	vsel vm7, v37, v34;
	v15 =	vsel vm15, v36, v15;
	v23 =	vsel vm13, v47, v23  }
0x36c: {  	v48 =	vmovc v49;
	v3 =	vmin.u32 v4, v7;
	v4 =	vmin.u32 v8, v15;
	v49 =	vmin.u32 v24, v23  }
0x36d: {  	v0 =	vmin.u32 v0, v3;
	v8 =	vmin.u32 v27, v35;
	v3 =	vmin.u32 v4, v49;
	v4 =	vld.idx.msk [tilespmem:v42+s17+$0x0], $0xffff  }
0x36e: {  	v2 =	vmin.u32 v2, v5;
	v5 =	vmin.u32 v6, v8;
	v0 =	vmin.u32 v0, v3;
	v3 =	vld.idx.msk [tilespmem:v9+s17+$0x0], $0xffff  }
0x36f: {  	v2 =	vmin.u32 v2, v5;
	v5 =	vshll.u32 v44, $0x4;
	v0 =	vshll.u32 v0, $0x4  }
0x370: {  	v5 =	vadd.s32 v43, v5;
	v0 =	vadd.s32 v2, v0  }
0x371: {  	v0 =	vmul.u32 v5, v0;
	_ =	sdelay $0x1  }
0x372: {  	vm14 =	vge.f32 v4, $5.000000000e-01;
	vm15 =	vge.f32 v3, $5.000000000e-01;
	v2 =	vand.u32 $0xF, v0  }
0x373: {  	v0 =	vshrl.u32 v0, $0x4;
	vm0 =	vmand vm14, vm15;
	v2 =	vor.u32 v2, v42  }
0x374: {  	v0 =	vand.u32 $0xF, v0;
	v2 =	vor.u32 $0x50, v2  }
0x375: {  	v0 =	vor.u32 v0, v42  }
0x376: {  	p0 =	sne.s32 s26, $0x70;
	v0 =	vor.u32 $0x60, v0  }
.Ltmp3:
0x377: {  	_ = 	snop;
	(pc) =	sbr.rel @p0 .LBB2_9-.Ltmp3, $4  }
0x378: {  	v4 =	vimm.f32 $2.000000000e+00;
	v3 =	vld [tilespmem:$0x1FFD0]  }
0x379: {  	[tilespmem:v2+s17+$0x0] =	vst.idx.add.f32.msk vm0, v4  }
0x37a: {  	v2 =	vld [tilespmem:$0x1FFC0]  }
0x37b: {  	s26 =	sadd.s32 $0x10, s26;
	v46 =	vmov v54;
	v38 =	vmov v20;
	[tilespmem:v0+s17+$0x0] =	vst.idx.add.f32.msk vm0, v4  }
0x37c: {  	s25 =	sadd.s32 $0x1, s25  }
0x37d: {  	p0 =	sne.s32 s25, $0x10  }
.Ltmp4:
0x37e: {  	_ = 	snop;
	(pc) =	sbr.rel @p0 .LBB2_2-.Ltmp4, $3  }
0x37f: {  	_ =	sdelay $0x1  }
0x380: {  	s2 =	sadd.s32 s3, s29  }
0x381: {  	v19 =	vlaneseq.u32;
	[hbm4b:s2+s4] =	stream.linear.scatter [tilespmem:s17], [sflag:$0x8], $0x4000, $0x38;
	[tilespmem:$0x10000] =	vst v63  }
0x382: {  	s24 =	sadd.s32 $0x1, s24  }
0x383: {  	_ =	swait.ge [sflag:s22], $0x4000;
	p0 =	sne.s32 s24, s12  }
.Ltmp5:
0x384: {  	[sflag:s22] =	ssyncset.done $0x0;
	(pc) =	sbr.rel @p0 .LBB2_1-.Ltmp5, $4  }
0x385: {  	[sflag:s22] =	ssyncadd.s32 $0xFFFFC000  }
0x386: {  	_ =	swait.ge [sflag:s23], $0x4000  }
0x387: {  	[sflag:s23] =	ssyncset.done $0x0  }
0x388: {  	[sflag:s23] =	ssyncadd.s32 $0xFFFFC000  }
0x389: {  	_ =	sfence.sel $0x180000  }
0x38a: {  	[bflag:$0x0] =	sbarrier.arrive $0xFFFF  }
0x38b: {  	_ =	strace $0x90000047  }
0x38c: {  	[bflag:$0x2] =	sbarrier.arrive $0xFFFF  }
0x38d: {  	p0 =	sne.s32 s1, $0x0;
	s0 =	rddreg [dreg:$0x2]  }
0x38e: {  	s0 =	sadd.s32 @!p0 $0x100000, s0  }
0x38f: {  	[sflag:s0] =	ssyncadd.tile.s32 @!p0 $0x1;
	_ =	shalt  }
.Lfunc_end2:
_tile_overlayer_lowered:
.L_overlay_start_2:
0x390: {  	(tag) =	ssettag $0x2  }
0x391: {  	s0 =	rddreg [dreg:$0x0];
	s2 =	stileid.u32  }
0x392: {  	s1 =	rddreg [dreg:$0x1];
	p0 =	sne.s32 s2, $0x0  }
0x393: {  	s3 =	rddreg [dreg:$0x2];
	[bflag:$0x3] =	sbarrier.arrive $0xFFFF;
	s2 =	simm.s32 @!p0 $0x1C09  }
0x394: {  	[timem:s3], [sflag:s2] =	dma.local @!p0 [hbm:s0], s1  }
0x395: {  	s0 =	simm.s32 @!p0 $0x9  }
0x396: {  	_ =	swait.ge @!p0 [sflag:s0], s1  }
0x397: {  	s1 =	ssub.s32 @!p0 $0x0, s1;
	[sflag:s0] =	ssyncset.done @!p0 $0x0  }
0x398: {  	[sflag:s0] =	ssyncadd.s32 @!p0 s1  }
0x399: {  	[bflag:$0x3] =	sbarrier.arrive $0xFFFF  }
0x39a: {  	_ =	shalt  }

</sc_bundles>
